<compile_context>
chip_gen: v7x
topology: tpu7x:2x2x1
jax: 0.10.2.dev20260603
libtpu: 0.0.44.dev20260713+nightly
codegen_flags: <defaults>
</compile_context>

<pallas_src>
import functools

import jax
import jax.numpy as jnp
from jax import lax
from jax.experimental import pallas as pl
from jax.experimental.pallas import tpu as pltpu
from jax.experimental.pallas import tpu_sc as plsc

VOCAB_SIZE = 32000
COPY_WIDTH = 256
N_TOKENS = 1024
EPS = 1e-10

NUM_CORES = 2
NUM_SUBCORES = 16
LANES = 16
NUM_WORKERS = NUM_CORES * NUM_SUBCORES
TOK_PER_WORKER = N_TOKENS // NUM_WORKERS
CHUNKS = TOK_PER_WORKER // LANES

_LN2 = 0.6931471805599453
_SQRT2 = 1.4142135623730951

_GATHER_DNUMS = lax.GatherDimensionNumbers(
    offset_dims=(), collapsed_slice_dims=(0,), start_index_map=(0,))


def _log_f32(x):
    bits = lax.bitcast_convert_type(x, jnp.int32)
    e = lax.shift_right_arithmetic(bits, 23) - 127
    mbits = lax.bitwise_or(lax.bitwise_and(bits, 0x007FFFFF), 0x3F800000)
    m = lax.bitcast_convert_type(mbits, jnp.float32)
    adj = m > _SQRT2
    m = jnp.where(adj, m * 0.5, m)
    ef = e.astype(jnp.float32) + jnp.where(adj, 1.0, 0.0)
    t = (m - 1.0) / (m + 1.0)
    t2 = t * t
    p = t * (2.0 + t2 * (2.0 / 3.0 + t2 * (0.4 + t2 * (2.0 / 7.0 + t2 * (2.0 / 9.0)))))
    return ef * _LN2 + p


def _dyn_gather16(vec, idx):
    return lax.gather(
        vec, idx[:, None], _GATHER_DNUMS, (1,),
        indices_are_sorted=False, unique_indices=False,
        mode=lax.GatherScatterMode.PROMISE_IN_BOUNDS)


_MESH = plsc.VectorSubcoreMesh(
    core_axis_name="c", subcore_axis_name="s",
    num_cores=NUM_CORES, num_subcores=NUM_SUBCORES,
)


@functools.partial(
    pl.kernel,
    out_type=jax.ShapeDtypeStruct((N_TOKENS,), jnp.float32),
    mesh=_MESH,
    scratch_types=[
        pltpu.VMEM((TOK_PER_WORKER,), jnp.int32),
        pltpu.VMEM((TOK_PER_WORKER,), jnp.int32),
        pltpu.VMEM((TOK_PER_WORKER, 8, 128), jnp.float32),
        pltpu.VMEM((TOK_PER_WORKER, COPY_WIDTH), jnp.float32),
        pltpu.VMEM((TOK_PER_WORKER,), jnp.float32),
        pltpu.SemaphoreType.DMA,
        pltpu.SemaphoreType.DMA,
        pltpu.SemaphoreType.DMA,
    ],
)
def _loss_kernel(outp_hbm, copyp_hbm, at_hbm, out_hbm,
                 align_v, target_v, ovg_v, ovc_v, loss_v,
                 sem_i, sem_o, sem_c):
    wid = lax.axis_index("s") * NUM_CORES + lax.axis_index("c")
    base = wid * TOK_PER_WORKER

    cp_a = pltpu.async_copy(at_hbm.at[pl.ds(base, TOK_PER_WORKER)],
                            align_v, sem_i)
    cp_t = pltpu.async_copy(at_hbm.at[pl.ds(N_TOKENS + base, TOK_PER_WORKER)],
                            target_v, sem_i)
    row0w = pl.multiple_of(base, 8)
    cp_slab = pltpu.async_copy(copyp_hbm.at[pl.ds(row0w, TOK_PER_WORKER)],
                               ovc_v, sem_c)
    cp_a.wait()
    cp_t.wait()

    lanes = lax.iota(jnp.int32, LANES)

    copies = []
    for j in range(CHUNKS):
        col16 = lax.bitwise_and(target_v[pl.ds(j * LANES, LANES)], -128)
        for k in range(LANES):
            tok = j * LANES + k
            row0 = pl.multiple_of(base + (tok & -8), 8)
            col0 = pl.multiple_of(col16[k], 128)
            copies.append(pltpu.async_copy(
                outp_hbm.at[pl.ds(row0, 8), pl.ds(col0, 128)],
                ovg_v.at[tok], sem_o))
    for cp in copies:
        cp.wait()
    cp_slab.wait()

    for j in range(CHUNKS):
        sl = pl.ds(j * LANES, LANES)
        av = align_v[sl]
        tv = target_v[sl]

        tsub = lax.bitwise_and(tv, 112)
        tlow = lax.bitwise_and(tv, 15)
        asub = lax.bitwise_and(av, 240)
        alow = lax.bitwise_and(av, 15)
        vocab_p = jnp.zeros((LANES,), jnp.float32)
        copy_p = jnp.zeros((LANES,), jnp.float32)
        for k in range(LANES):
            tok = j * LANES + k
            voff = pl.multiple_of(tsub[k], 16)
            v16 = ovg_v[tok, tok % 8, pl.ds(voff, LANES)]
            gv = _dyn_gather16(v16, jnp.full((LANES,), tlow[k], jnp.int32))
            vocab_p = jnp.where(lanes == k, gv, vocab_p)
            coff = pl.multiple_of(asub[k], 16)
            c16 = ovc_v[tok, pl.ds(coff, LANES)]
            gc = _dyn_gather16(c16, jnp.full((LANES,), alow[k], jnp.int32))
            copy_p = jnp.where(lanes == k, gc, copy_p)

        copy_tok = jnp.where(av == 0, 0.0, copy_p) + EPS
        non_copy = (av == 0) | (tv != 0)
        probs = jnp.where(non_copy, copy_tok + vocab_p, copy_tok)
        loss = -_log_f32(probs + EPS)
        loss_v[sl] = jnp.where(tv == 0, 0.0, loss)

    pltpu.sync_copy(loss_v, out_hbm.at[pl.ds(base, TOK_PER_WORKER)])


def kernel(out_prob, copy_prob, align, target, src_tgt_map, label_smoothing):
    del src_tgt_map, label_smoothing
    at = jnp.concatenate([
        align.reshape(-1).astype(jnp.int32),
        target.reshape(-1).astype(jnp.int32),
    ])
    return _loss_kernel(out_prob, copy_prob, at)

# --- scband reference (transcript-rebuilt; emitter-appended) ---
"""Pipeline reference for scband-copy-generator-loss-33285996544703 (READ-ONLY COPY).

The authoritative reference and input builder live on the scoring server;
editing this copy changes nothing except your own understanding.
"""

import jax, jax.numpy as jnp
import numpy as np

VOCAB_SIZE = 32000
EPS = 1e-10
UNK_INDEX = 0
IGNORE_INDEX = 0
FORCE_COPY = False


def setup_inputs(seed: int = 0) -> dict:
    key = jax.random.key(seed)
    k1, k2, k3, k4, k5 = jax.random.split(key, 5)
    out_prob = jax.random.uniform(k1, (1024, 32000), dtype=jnp.float32)
    copy_prob = jax.random.uniform(k2, (1024, 256), dtype=jnp.float32)
    align = jax.random.randint(k3, (16, 64), 0, 256, dtype=jnp.int64 if jax.config.jax_enable_x64 else jnp.int32)
    target = jax.random.randint(k4, (16, 64), 0, 32000, dtype=jnp.int64 if jax.config.jax_enable_x64 else jnp.int32)
    src_tgt_map = jax.random.randint(k5, (16, 256), 0, 32000, dtype=jnp.int64 if jax.config.jax_enable_x64 else jnp.int32)
    return {
        "out_prob": out_prob,
        "copy_prob": copy_prob,
        "align": align,
        "target": target,
        "src_tgt_map": src_tgt_map,
        "label_smoothing": 0,
    }


def reference(out_prob, copy_prob, align, target, src_tgt_map, label_smoothing):
    # label_smoothing == 0 -> non-smoothing branch of CopyGeneratorLoss.forward
    flat_align = align.reshape(-1)
    flat_target = target.reshape(-1)
    scores = jnp.concatenate([out_prob, copy_prob], axis=1)
    # vocab_probs = scores.gather(1, flat_target)
    vocab_probs = jnp.take_along_axis(scores, flat_target[:, None].astype(jnp.int32), axis=1)[:, 0]
    # copy token probs from extended vocab region
    copy_ix = flat_align + VOCAB_SIZE
    copy_tok_probs = jnp.take_along_axis(scores, copy_ix[:, None].astype(jnp.int32), axis=1)[:, 0]
    copy_tok_probs = jnp.where(flat_align == UNK_INDEX, 0.0, copy_tok_probs)
    copy_tok_probs = copy_tok_probs + EPS
    non_copy = flat_align == UNK_INDEX
    if not FORCE_COPY:
        non_copy = non_copy | (flat_target != UNK_INDEX)
    probs = jnp.where(non_copy, copy_tok_probs + vocab_probs, copy_tok_probs)
    loss = -jnp.log(probs + EPS)
    loss = jnp.where(flat_target == IGNORE_INDEX, 0.0, loss)
    return loss

if __name__ == "__main__":
    import jax
    _d = setup_inputs()
    print(jax.jit(kernel)(*tuple(_d.values())))

</pallas_src>

<mosaic_0001>
#map = affine_map<(d0, d1) -> (0, 0)>
#map1 = affine_map<(d0, d1) -> (0)>
module attributes {stable_mosaic.version = 14 : i64} {
  func.func @_loss_kernel(%arg0: i32, %arg1: i32, %arg2: memref<1024x32000xf32, #tpu.memory_space<hbm>>, %arg3: memref<1024x256xf32, #tpu.memory_space<hbm>>, %arg4: memref<2048xi32, #tpu.memory_space<hbm>>, %arg5: memref<1024xf32, #tpu.memory_space<hbm>>, %arg6: memref<32xi32, #tpu.memory_space<vmem>>, %arg7: memref<32xi32, #tpu.memory_space<vmem>>, %arg8: memref<32x8x128xf32, #tpu.memory_space<vmem>>, %arg9: memref<32x256xf32, #tpu.memory_space<vmem>>, %arg10: memref<32xf32, #tpu.memory_space<vmem>>, %arg11: memref<!tpu.dma_semaphore, #tpu.memory_space<semaphore_mem>>, %arg12: memref<!tpu.dma_semaphore, #tpu.memory_space<semaphore_mem>>, %arg13: memref<!tpu.dma_semaphore, #tpu.memory_space<semaphore_mem>>) attributes {dimension_semantics = [#tpu.dimension_semantics<core_parallel>, #tpu.dimension_semantics<subcore_parallel>], iteration_bounds = array<i64: 2, 16>, scalar_prefetch = 0 : i64, scratch_operands = 8 : i64, tpu.core_type = #tpu.core_type<sc_vector_subcore>, window_params = [{transform_indices = #map}, {transform_indices = #map}, {transform_indices = #map1}, {transform_indices = #map1}]} {
    %mul3A = arith.constant 2 : i32
    %mul3A_0 = arith.muli %arg1, %mul3A : i32
    %add3A = arith.addi %mul3A_0, %arg0 : i32
    %mul3A_1 = arith.constant 32 : i32
    %mul3A_2 = arith.muli %add3A, %mul3A_1 : i32
    %dma_start3A = tpu.memref_slice %arg4[%mul3A_2] : memref<2048xi32, #tpu.memory_space<hbm>> -> memref<32xi32, #tpu.memory_space<hbm>>
    %dma_start3A_3 = tpu.memref_slice %arg4[%mul3A_2] : memref<2048xi32, #tpu.memory_space<hbm>> -> memref<32xi32, #tpu.memory_space<hbm>>
    tpu.enqueue_dma source(%dma_start3A_3 : memref<32xi32, #tpu.memory_space<hbm>>) target(%arg6 : memref<32xi32, #tpu.memory_space<vmem>>) target_semaphore(%arg11 : memref<!tpu.dma_semaphore, #tpu.memory_space<semaphore_mem>>)
    %add3A_4 = arith.constant 1024 : i32
    %add3A_5 = arith.addi %add3A_4, %mul3A_2 : i32
    %dma_start3A_6 = tpu.memref_slice %arg4[%add3A_5] : memref<2048xi32, #tpu.memory_space<hbm>> -> memref<32xi32, #tpu.memory_space<hbm>>
    %dma_start3A_7 = tpu.memref_slice %arg4[%add3A_5] : memref<2048xi32, #tpu.memory_space<hbm>> -> memref<32xi32, #tpu.memory_space<hbm>>
    tpu.enqueue_dma source(%dma_start3A_7 : memref<32xi32, #tpu.memory_space<hbm>>) target(%arg7 : memref<32xi32, #tpu.memory_space<vmem>>) target_semaphore(%arg11 : memref<!tpu.dma_semaphore, #tpu.memory_space<semaphore_mem>>)
    %multiple_of3A = tpu.assume_multiple %mul3A_2, 8 : i32
    %dma_start3A_8 = arith.constant 0 : i32
    %dma_start3A_9 = tpu.memref_slice %arg3[%multiple_of3A, %dma_start3A_8] : memref<1024x256xf32, #tpu.memory_space<hbm>> -> memref<32x256xf32, #tpu.memory_space<hbm>>
    %dma_start3A_10 = arith.constant 0 : i32
    %dma_start3A_11 = tpu.memref_slice %arg3[%multiple_of3A, %dma_start3A_10] : memref<1024x256xf32, #tpu.memory_space<hbm>> -> memref<32x256xf32, #tpu.memory_space<hbm>>
    tpu.enqueue_dma source(%dma_start3A_11 : memref<32x256xf32, #tpu.memory_space<hbm>>) target(%arg9 : memref<32x256xf32, #tpu.memory_space<vmem>>) target_semaphore(%arg13 : memref<!tpu.dma_semaphore, #tpu.memory_space<semaphore_mem>>)
    %dma_wait3A = tpu.memref_slice %arg4[%mul3A_2] : memref<2048xi32, #tpu.memory_space<hbm>> -> memref<32xi32, #tpu.memory_space<hbm>>
    %dma_wait3A_12 = tpu.memref_slice %arg4[%mul3A_2] : memref<2048xi32, #tpu.memory_space<hbm>> -> memref<32xi32, #tpu.memory_space<hbm>>
    tpu.wait_dma2 semaphore(%arg11 : memref<!tpu.dma_semaphore, #tpu.memory_space<semaphore_mem>>) src(%dma_wait3A_12 : memref<32xi32, #tpu.memory_space<hbm>>) dst(%arg6 : memref<32xi32, #tpu.memory_space<vmem>>)
    %dma_wait3A_13 = tpu.memref_slice %arg4[%add3A_5] : memref<2048xi32, #tpu.memory_space<hbm>> -> memref<32xi32, #tpu.memory_space<hbm>>
    %dma_wait3A_14 = tpu.memref_slice %arg4[%add3A_5] : memref<2048xi32, #tpu.memory_space<hbm>> -> memref<32xi32, #tpu.memory_space<hbm>>
    tpu.wait_dma2 semaphore(%arg11 : memref<!tpu.dma_semaphore, #tpu.memory_space<semaphore_mem>>) src(%dma_wait3A_14 : memref<32xi32, #tpu.memory_space<hbm>>) dst(%arg7 : memref<32xi32, #tpu.memory_space<vmem>>)
    %iota3A = tpu.iota {dimensions = array<i32: 0>} : vector<16xi32>
    %get3A = arith.constant 0 : index
    %get3A_15 = tpu.vector_load %arg7[%get3A] {strides = array<i32>} : memref<32xi32, #tpu.memory_space<vmem>>, vector<16xi32>,
    %get3A_16 = vector.shape_cast %get3A_15 : vector<16xi32> to vector<16xi32>
    %and3A = arith.constant -128 : i32
    %and3A_17 = vector.broadcast %and3A : i32 to vector<16xi32>
    %and3A_18 = arith.andi %get3A_16, %and3A_17 : vector<16xi32>
    %add3A_19 = arith.constant 0 : i32
    %add3A_20 = arith.addi %mul3A_2, %add3A_19 : i32
    %multiple_of3A_21 = tpu.assume_multiple %add3A_20, 8 : i32
    %slice3A = vector.extract_strided_slice %and3A_18 {offsets = [0], sizes = [1], strides = [1]} : vector<16xi32> to vector<1xi32>
    %squeeze3A = vector.extract %slice3A[0] : i32 from vector<1xi32>
    %multiple_of3A_22 = tpu.assume_multiple %squeeze3A, 128 : i32
    %dma_start3A_23 = arith.constant 0 : i32
    %dma_start3A_24 = arith.constant 0 : i32
    %dma_start3A_25 = arith.constant 0 : i32
    %dma_start3A_26 = tpu.memref_slice %arg8[%dma_start3A_23, %dma_start3A_24, %dma_start3A_25] : memref<32x8x128xf32, #tpu.memory_space<vmem>> -> memref<1x8x128xf32, #tpu.memory_space<vmem>>
    %dma_start3A_27 = tpu.memref_squeeze %dma_start3A_26 : memref<1x8x128xf32, #tpu.memory_space<vmem>> -> memref<8x128xf32, #tpu.memory_space<vmem>>
    %dma_start3A_28 = tpu.memref_slice %arg2[%multiple_of3A_21, %multiple_of3A_22] : memref<1024x32000xf32, #tpu.memory_space<hbm>> -> memref<8x128xf32, #tpu.memory_space<hbm>>
    %dma_start3A_29 = arith.constant 0 : i32
    %dma_start3A_30 = arith.constant 0 : i32
    %dma_start3A_31 = tpu.memref_slice %arg8[%dma_start3A_23, %dma_start3A_29, %dma_start3A_30] : memref<32x8x128xf32, #tpu.memory_space<vmem>> -> memref<1x8x128xf32, #tpu.memory_space<vmem>>
    %dma_start3A_32 = tpu.memref_squeeze %dma_start3A_31 : memref<1x8x128xf32, #tpu.memory_space<vmem>> -> memref<8x128xf32, #tpu.memory_space<vmem>>
    %dma_start3A_33 = tpu.memref_slice %arg2[%multiple_of3A_21, %multiple_of3A_22] : memref<1024x32000xf32, #tpu.memory_space<hbm>> -> memref<8x128xf32, #tpu.memory_space<hbm>>
    tpu.enqueue_dma source(%dma_start3A_33 : memref<8x128xf32, #tpu.memory_space<hbm>>) target(%dma_start3A_32 : memref<8x128xf32, #tpu.memory_space<vmem>>) target_semaphore(%arg12 : memref<!tpu.dma_semaphore, #tpu.memory_space<semaphore_mem>>)
    %add3A_34 = arith.constant 0 : i32
    %add3A_35 = arith.addi %mul3A_2, %add3A_34 : i32
    %multiple_of3A_36 = tpu.assume_multiple %add3A_35, 8 : i32
    %slice3A_37 = vector.extract_strided_slice %and3A_18 {offsets = [1], sizes = [1], strides = [1]} : vector<16xi32> to vector<1xi32>
    %squeeze3A_38 = vector.extract %slice3A_37[0] : i32 from vector<1xi32>
    %multiple_of3A_39 = tpu.assume_multiple %squeeze3A_38, 128 : i32
    %dma_start3A_40 = arith.constant 1 : i32
    %dma_start3A_41 = arith.constant 0 : i32
    %dma_start3A_42 = arith.constant 0 : i32
    %dma_start3A_43 = tpu.memref_slice %arg8[%dma_start3A_40, %dma_start3A_41, %dma_start3A_42] : memref<32x8x128xf32, #tpu.memory_space<vmem>> -> memref<1x8x128xf32, #tpu.memory_space<vmem>>
    %dma_start3A_44 = tpu.memref_squeeze %dma_start3A_43 : memref<1x8x128xf32, #tpu.memory_space<vmem>> -> memref<8x128xf32, #tpu.memory_space<vmem>>
    %dma_start3A_45 = tpu.memref_slice %arg2[%multiple_of3A_36, %multiple_of3A_39] : memref<1024x32000xf32, #tpu.memory_space<hbm>> -> memref<8x128xf32, #tpu.memory_space<hbm>>
    %dma_start3A_46 = arith.constant 0 : i32
    %dma_start3A_47 = arith.constant 0 : i32
    %dma_start3A_48 = tpu.memref_slice %arg8[%dma_start3A_40, %dma_start3A_46, %dma_start3A_47] : memref<32x8x128xf32, #tpu.memory_space<vmem>> -> memref<1x8x128xf32, #tpu.memory_space<vmem>>
    %dma_start3A_49 = tpu.memref_squeeze %dma_start3A_48 : memref<1x8x128xf32, #tpu.memory_space<vmem>> -> memref<8x128xf32, #tpu.memory_space<vmem>>
    %dma_start3A_50 = tpu.memref_slice %arg2[%multiple_of3A_36, %multiple_of3A_39] : memref<1024x32000xf32, #tpu.memory_space<hbm>> -> memref<8x128xf32, #tpu.memory_space<hbm>>
    tpu.enqueue_dma source(%dma_start3A_50 : memref<8x128xf32, #tpu.memory_space<hbm>>) target(%dma_start3A_49 : memref<8x128xf32, #tpu.memory_space<vmem>>) target_semaphore(%arg12 : memref<!tpu.dma_semaphore, #tpu.memory_space<semaphore_mem>>)
    %add3A_51 = arith.constant 0 : i32
    %add3A_52 = arith.addi %mul3A_2, %add3A_51 : i32
    %multiple_of3A_53 = tpu.assume_multiple %add3A_52, 8 : i32
    %slice3A_54 = vector.extract_strided_slice %and3A_18 {offsets = [2], sizes = [1], strides = [1]} : vector<16xi32> to vector<1xi32>
    %squeeze3A_55 = vector.extract %slice3A_54[0] : i32 from vector<1xi32>
    %multiple_of3A_56 = tpu.assume_multiple %squeeze3A_55, 128 : i32
    %dma_start3A_57 = arith.constant 2 : i32
    %dma_start3A_58 = arith.constant 0 : i32
    %dma_start3A_59 = arith.constant 0 : i32
    %dma_start3A_60 = tpu.memref_slice %arg8[%dma_start3A_57, %dma_start3A_58, %dma_start3A_59] : memref<32x8x128xf32, #tpu.memory_space<vmem>> -> memref<1x8x128xf32, #tpu.memory_space<vmem>>
    %dma_start3A_61 = tpu.memref_squeeze %dma_start3A_60 : memref<1x8x128xf32, #tpu.memory_space<vmem>> -> memref<8x128xf32, #tpu.memory_space<vmem>>
    %dma_start3A_62 = tpu.memref_slice %arg2[%multiple_of3A_53, %multiple_of3A_56] : memref<1024x32000xf32, #tpu.memory_space<hbm>> -> memref<8x128xf32, #tpu.memory_space<hbm>>
    %dma_start3A_63 = arith.constant 0 : i32
    %dma_start3A_64 = arith.constant 0 : i32
    %dma_start3A_65 = tpu.memref_slice %arg8[%dma_start3A_57, %dma_start3A_63, %dma_start3A_64] : memref<32x8x128xf32, #tpu.memory_space<vmem>> -> memref<1x8x128xf32, #tpu.memory_space<vmem>>
    %dma_start3A_66 = tpu.memref_squeeze %dma_start3A_65 : memref<1x8x128xf32, #tpu.memory_space<vmem>> -> memref<8x128xf32, #tpu.memory_space<vmem>>
    %dma_start3A_67 = tpu.memref_slice %arg2[%multiple_of3A_53, %multiple_of3A_56] : memref<1024x32000xf32, #tpu.memory_space<hbm>> -> memref<8x128xf32, #tpu.memory_space<hbm>>
    tpu.enqueue_dma source(%dma_start3A_67 : memref<8x128xf32, #tpu.memory_space<hbm>>) target(%dma_start3A_66 : memref<8x128xf32, #tpu.memory_space<vmem>>) target_semaphore(%arg12 : memref<!tpu.dma_semaphore, #tpu.memory_space<semaphore_mem>>)
    %add3A_68 = arith.constant 0 : i32
    %add3A_69 = arith.addi %mul3A_2, %add3A_68 : i32
    %multiple_of3A_70 = tpu.assume_multiple %add3A_69, 8 : i32
    %slice3A_71 = vector.extract_strided_slice %and3A_18 {offsets = [3], sizes = [1], strides = [1]} : vector<16xi32> to vector<1xi32>
    %squeeze3A_72 = vector.extract %slice3A_71[0] : i32 from vector<1xi32>
    %multiple_of3A_73 = tpu.assume_multiple %squeeze3A_72, 128 : i32
    %dma_start3A_74 = arith.constant 3 : i32
    %dma_start3A_75 = arith.constant 0 : i32
    %dma_start3A_76 = arith.constant 0 : i32
    %dma_start3A_77 = tpu.memref_slice %arg8[%dma_start3A_74, %dma_start3A_75, %dma_start3A_76] : memref<32x8x128xf32, #tpu.memory_space<vmem>> -> memref<1x8x128xf32, #tpu.memory_space<vmem>>
    %dma_start3A_78 = tpu.memref_squeeze %dma_start3A_77 : memref<1x8x128xf32, #tpu.memory_space<vmem>> -> memref<8x128xf32, #tpu.memory_space<vmem>>
    %dma_start3A_79 = tpu.memref_slice %arg2[%multiple_of3A_70, %multiple_of3A_73] : memref<1024x32000xf32, #tpu.memory_space<hbm>> -> memref<8x128xf32, #tpu.memory_space<hbm>>
    %dma_start3A_80 = arith.constant 0 : i32
    %dma_start3A_81 = arith.constant 0 : i32
    %dma_start3A_82 = tpu.memref_slice %arg8[%dma_start3A_74, %dma_start3A_80, %dma_start3A_81] : memref<32x8x128xf32, #tpu.memory_space<vmem>> -> memref<1x8x128xf32, #tpu.memory_space<vmem>>
    %dma_start3A_83 = tpu.memref_squeeze %dma_start3A_82 : memref<1x8x128xf32, #tpu.memory_space<vmem>> -> memref<8x128xf32, #tpu.memory_space<vmem>>
    %dma_start3A_84 = tpu.memref_slice %arg2[%multiple_of3A_70, %multiple_of3A_73] : memref<1024x32000xf32, #tpu.memory_space<hbm>> -> memref<8x128xf32, #tpu.memory_space<hbm>>
    tpu.enqueue_dma source(%dma_start3A_84 : memref<8x128xf32, #tpu.memory_space<hbm>>) target(%dma_start3A_83 : memref<8x128xf32, #tpu.memory_space<vmem>>) target_semaphore(%arg12 : memref<!tpu.dma_semaphore, #tpu.memory_space<semaphore_mem>>)
    %add3A_85 = arith.constant 0 : i32
    %add3A_86 = arith.addi %mul3A_2, %add3A_85 : i32
    %multiple_of3A_87 = tpu.assume_multiple %add3A_86, 8 : i32
    %slice3A_88 = vector.extract_strided_slice %and3A_18 {offsets = [4], sizes = [1], strides = [1]} : vector<16xi32> to vector<1xi32>
    %squeeze3A_89 = vector.extract %slice3A_88[0] : i32 from vector<1xi32>
    %multiple_of3A_90 = tpu.assume_multiple %squeeze3A_89, 128 : i32
    %dma_start3A_91 = arith.constant 4 : i32
    %dma_start3A_92 = arith.constant 0 : i32
    %dma_start3A_93 = arith.constant 0 : i32
    %dma_start3A_94 = tpu.memref_slice %arg8[%dma_start3A_91, %dma_start3A_92, %dma_start3A_93] : memref<32x8x128xf32, #tpu.memory_space<vmem>> -> memref<1x8x128xf32, #tpu.memory_space<vmem>>
    %dma_start3A_95 = tpu.memref_squeeze %dma_start3A_94 : memref<1x8x128xf32, #tpu.memory_space<vmem>> -> memref<8x128xf32, #tpu.memory_space<vmem>>
    %dma_start3A_96 = tpu.memref_slice %arg2[%multiple_of3A_87, %multiple_of3A_90] : memref<1024x32000xf32, #tpu.memory_space<hbm>> -> memref<8x128xf32, #tpu.memory_space<hbm>>
    %dma_start3A_97 = arith.constant 0 : i32
    %dma_start3A_98 = arith.constant 0 : i32
    %dma_start3A_99 = tpu.memref_slice %arg8[%dma_start3A_91, %dma_start3A_97, %dma_start3A_98] : memref<32x8x128xf32, #tpu.memory_space<vmem>> -> memref<1x8x128xf32, #tpu.memory_space<vmem>>
    %dma_start3A_100 = tpu.memref_squeeze %dma_start3A_99 : memref<1x8x128xf32, #tpu.memory_space<vmem>> -> memref<8x128xf32, #tpu.memory_space<vmem>>
    %dma_start3A_101 = tpu.memref_slice %arg2[%multiple_of3A_87, %multiple_of3A_90] : memref<1024x32000xf32, #tpu.memory_space<hbm>> -> memref<8x128xf32, #tpu.memory_space<hbm>>
    tpu.enqueue_dma source(%dma_start3A_101 : memref<8x128xf32, #tpu.memory_space<hbm>>) target(%dma_start3A_100 : memref<8x128xf32, #tpu.memory_space<vmem>>) target_semaphore(%arg12 : memref<!tpu.dma_semaphore, #tpu.memory_space<semaphore_mem>>)
    %add3A_102 = arith.constant 0 : i32
    %add3A_103 = arith.addi %mul3A_2, %add3A_102 : i32
    %multiple_of3A_104 = tpu.assume_multiple %add3A_103, 8 : i32
    %slice3A_105 = vector.extract_strided_slice %and3A_18 {offsets = [5], sizes = [1], strides = [1]} : vector<16xi32> to vector<1xi32>
    %squeeze3A_106 = vector.extract %slice3A_105[0] : i32 from vector<1xi32>
    %multiple_of3A_107 = tpu.assume_multiple %squeeze3A_106, 128 : i32
    %dma_start3A_108 = arith.constant 5 : i32
    %dma_start3A_109 = arith.constant 0 : i32
    %dma_start3A_110 = arith.constant 0 : i32
    %dma_start3A_111 = tpu.memref_slice %arg8[%dma_start3A_108, %dma_start3A_109, %dma_start3A_110] : memref<32x8x128xf32, #tpu.memory_space<vmem>> -> memref<1x8x128xf32, #tpu.memory_space<vmem>>
    %dma_start3A_112 = tpu.memref_squeeze %dma_start3A_111 : memref<1x8x128xf32, #tpu.memory_space<vmem>> -> memref<8x128xf32, #tpu.memory_space<vmem>>
    %dma_start3A_113 = tpu.memref_slice %arg2[%multiple_of3A_104, %multiple_of3A_107] : memref<1024x32000xf32, #tpu.memory_space<hbm>> -> memref<8x128xf32, #tpu.memory_space<hbm>>
    %dma_start3A_114 = arith.constant 0 : i32
    %dma_start3A_115 = arith.constant 0 : i32
    %dma_start3A_116 = tpu.memref_slice %arg8[%dma_start3A_108, %dma_start3A_114, %dma_start3A_115] : memref<32x8x128xf32, #tpu.memory_space<vmem>> -> memref<1x8x128xf32, #tpu.memory_space<vmem>>
    %dma_start3A_117 = tpu.memref_squeeze %dma_start3A_116 : memref<1x8x128xf32, #tpu.memory_space<vmem>> -> memref<8x128xf32, #tpu.memory_space<vmem>>
    %dma_start3A_118 = tpu.memref_slice %arg2[%multiple_of3A_104, %multiple_of3A_107] : memref<1024x32000xf32, #tpu.memory_space<hbm>> -> memref<8x128xf32, #tpu.memory_space<hbm>>
    tpu.enqueue_dma source(%dma_start3A_118 : memref<8x128xf32, #tpu.memory_space<hbm>>) target(%dma_start3A_117 : memref<8x128xf32, #tpu.memory_space<vmem>>) target_semaphore(%arg12 : memref<!tpu.dma_semaphore, #tpu.memory_space<semaphore_mem>>)
    %add3A_119 = arith.constant 0 : i32
    %add3A_120 = arith.addi %mul3A_2, %add3A_119 : i32
    %multiple_of3A_121 = tpu.assume_multiple %add3A_120, 8 : i32
    %slice3A_122 = vector.extract_strided_slice %and3A_18 {offsets = [6], sizes = [1], strides = [1]} : vector<16xi32> to vector<1xi32>
    %squeeze3A_123 = vector.extract %slice3A_122[0] : i32 from vector<1xi32>
    %multiple_of3A_124 = tpu.assume_multiple %squeeze3A_123, 128 : i32
    %dma_start3A_125 = arith.constant 6 : i32
    %dma_start3A_126 = arith.constant 0 : i32
    %dma_start3A_127 = arith.constant 0 : i32
    %dma_start3A_128 = tpu.memref_slice %arg8[%dma_start3A_125, %dma_start3A_126, %dma_start3A_127] : memref<32x8x128xf32, #tpu.memory_space<vmem>> -> memref<1x8x128xf32, #tpu.memory_space<vmem>>
    %dma_start3A_129 = tpu.memref_squeeze %dma_start3A_128 : memref<1x8x128xf32, #tpu.memory_space<vmem>> -> memref<8x128xf32, #tpu.memory_space<vmem>>
    %dma_start3A_130 = tpu.memref_slice %arg2[%multiple_of3A_121, %multiple_of3A_124] : memref<1024x32000xf32, #tpu.memory_space<hbm>> -> memref<8x128xf32, #tpu.memory_space<hbm>>
    %dma_start3A_131 = arith.constant 0 : i32
    %dma_start3A_132 = arith.constant 0 : i32
    %dma_start3A_133 = tpu.memref_slice %arg8[%dma_start3A_125, %dma_start3A_131, %dma_start3A_132] : memref<32x8x128xf32, #tpu.memory_space<vmem>> -> memref<1x8x128xf32, #tpu.memory_space<vmem>>
    %dma_start3A_134 = tpu.memref_squeeze %dma_start3A_133 : memref<1x8x128xf32, #tpu.memory_space<vmem>> -> memref<8x128xf32, #tpu.memory_space<vmem>>
    %dma_start3A_135 = tpu.memref_slice %arg2[%multiple_of3A_121, %multiple_of3A_124] : memref<1024x32000xf32, #tpu.memory_space<hbm>> -> memref<8x128xf32, #tpu.memory_space<hbm>>
    tpu.enqueue_dma source(%dma_start3A_135 : memref<8x128xf32, #tpu.memory_space<hbm>>) target(%dma_start3A_134 : memref<8x128xf32, #tpu.memory_space<vmem>>) target_semaphore(%arg12 : memref<!tpu.dma_semaphore, #tpu.memory_space<semaphore_mem>>)
    %add3A_136 = arith.constant 0 : i32
    %add3A_137 = arith.addi %mul3A_2, %add3A_136 : i32
    %multiple_of3A_138 = tpu.assume_multiple %add3A_137, 8 : i32
    %slice3A_139 = vector.extract_strided_slice %and3A_18 {offsets = [7], sizes = [1], strides = [1]} : vector<16xi32> to vector<1xi32>
    %squeeze3A_140 = vector.extract %slice3A_139[0] : i32 from vector<1xi32>
    %multiple_of3A_141 = tpu.assume_multiple %squeeze3A_140, 128 : i32
    %dma_start3A_142 = arith.constant 7 : i32
    %dma_start3A_143 = arith.constant 0 : i32
    %dma_start3A_144 = arith.constant 0 : i32
    %dma_start3A_145 = tpu.memref_slice %arg8[%dma_start3A_142, %dma_start3A_143, %dma_start3A_144] : memref<32x8x128xf32, #tpu.memory_space<vmem>> -> memref<1x8x128xf32, #tpu.memory_space<vmem>>
    %dma_start3A_146 = tpu.memref_squeeze %dma_start3A_145 : memref<1x8x128xf32, #tpu.memory_space<vmem>> -> memref<8x128xf32, #tpu.memory_space<vmem>>
    %dma_start3A_147 = tpu.memref_slice %arg2[%multiple_of3A_138, %multiple_of3A_141] : memref<1024x32000xf32, #tpu.memory_space<hbm>> -> memref<8x128xf32, #tpu.memory_space<hbm>>
    %dma_start3A_148 = arith.constant 0 : i32
    %dma_start3A_149 = arith.constant 0 : i32
    %dma_start3A_150 = tpu.memref_slice %arg8[%dma_start3A_142, %dma_start3A_148, %dma_start3A_149] : memref<32x8x128xf32, #tpu.memory_space<vmem>> -> memref<1x8x128xf32, #tpu.memory_space<vmem>>
    %dma_start3A_151 = tpu.memref_squeeze %dma_start3A_150 : memref<1x8x128xf32, #tpu.memory_space<vmem>> -> memref<8x128xf32, #tpu.memory_space<vmem>>
    %dma_start3A_152 = tpu.memref_slice %arg2[%multiple_of3A_138, %multiple_of3A_141] : memref<1024x32000xf32, #tpu.memory_space<hbm>> -> memref<8x128xf32, #tpu.memory_space<hbm>>
    tpu.enqueue_dma source(%dma_start3A_152 : memref<8x128xf32, #tpu.memory_space<hbm>>) target(%dma_start3A_151 : memref<8x128xf32, #tpu.memory_space<vmem>>) target_semaphore(%arg12 : memref<!tpu.dma_semaphore, #tpu.memory_space<semaphore_mem>>)
    %add3A_153 = arith.constant 8 : i32
    %add3A_154 = arith.addi %mul3A_2, %add3A_153 : i32
    %multiple_of3A_155 = tpu.assume_multiple %add3A_154, 8 : i32
    %slice3A_156 = vector.extract_strided_slice %and3A_18 {offsets = [8], sizes = [1], strides = [1]} : vector<16xi32> to vector<1xi32>
    %squeeze3A_157 = vector.extract %slice3A_156[0] : i32 from vector<1xi32>
    %multiple_of3A_158 = tpu.assume_multiple %squeeze3A_157, 128 : i32
    %dma_start3A_159 = arith.constant 8 : i32
    %dma_start3A_160 = arith.constant 0 : i32
    %dma_start3A_161 = arith.constant 0 : i32
    %dma_start3A_162 = tpu.memref_slice %arg8[%dma_start3A_159, %dma_start3A_160, %dma_start3A_161] : memref<32x8x128xf32, #tpu.memory_space<vmem>> -> memref<1x8x128xf32, #tpu.memory_space<vmem>>
    %dma_start3A_163 = tpu.memref_squeeze %dma_start3A_162 : memref<1x8x128xf32, #tpu.memory_space<vmem>> -> memref<8x128xf32, #tpu.memory_space<vmem>>
    %dma_start3A_164 = tpu.memref_slice %arg2[%multiple_of3A_155, %multiple_of3A_158] : memref<1024x32000xf32, #tpu.memory_space<hbm>> -> memref<8x128xf32, #tpu.memory_space<hbm>>
    %dma_start3A_165 = arith.constant 0 : i32
    %dma_start3A_166 = arith.constant 0 : i32
    %dma_start3A_167 = tpu.memref_slice %arg8[%dma_start3A_159, %dma_start3A_165, %dma_start3A_166] : memref<32x8x128xf32, #tpu.memory_space<vmem>> -> memref<1x8x128xf32, #tpu.memory_space<vmem>>
    %dma_start3A_168 = tpu.memref_squeeze %dma_start3A_167 : memref<1x8x128xf32, #tpu.memory_space<vmem>> -> memref<8x128xf32, #tpu.memory_space<vmem>>
    %dma_start3A_169 = tpu.memref_slice %arg2[%multiple_of3A_155, %multiple_of3A_158] : memref<1024x32000xf32, #tpu.memory_space<hbm>> -> memref<8x128xf32, #tpu.memory_space<hbm>>
    tpu.enqueue_dma source(%dma_start3A_169 : memref<8x128xf32, #tpu.memory_space<hbm>>) target(%dma_start3A_168 : memref<8x128xf32, #tpu.memory_space<vmem>>) target_semaphore(%arg12 : memref<!tpu.dma_semaphore, #tpu.memory_space<semaphore_mem>>)
    %add3A_170 = arith.constant 8 : i32
    %add3A_171 = arith.addi %mul3A_2, %add3A_170 : i32
    %multiple_of3A_172 = tpu.assume_multiple %add3A_171, 8 : i32
    %slice3A_173 = vector.extract_strided_slice %and3A_18 {offsets = [9], sizes = [1], strides = [1]} : vector<16xi32> to vector<1xi32>
    %squeeze3A_174 = vector.extract %slice3A_173[0] : i32 from vector<1xi32>
    %multiple_of3A_175 = tpu.assume_multiple %squeeze3A_174, 128 : i32
    %dma_start3A_176 = arith.constant 9 : i32
    %dma_start3A_177 = arith.constant 0 : i32
    %dma_start3A_178 = arith.constant 0 : i32
    %dma_start3A_179 = tpu.memref_slice %arg8[%dma_start3A_176, %dma_start3A_177, %dma_start3A_178] : memref<32x8x128xf32, #tpu.memory_space<vmem>> -> memref<1x8x128xf32, #tpu.memory_space<vmem>>
    %dma_start3A_180 = tpu.memref_squeeze %dma_start3A_179 : memref<1x8x128xf32, #tpu.memory_space<vmem>> -> memref<8x128xf32, #tpu.memory_space<vmem>>
    %dma_start3A_181 = tpu.memref_slice %arg2[%multiple_of3A_172, %multiple_of3A_175] : memref<1024x32000xf32, #tpu.memory_space<hbm>> -> memref<8x128xf32, #tpu.memory_space<hbm>>
    %dma_start3A_182 = arith.constant 0 : i32
    %dma_start3A_183 = arith.constant 0 : i32
    %dma_start3A_184 = tpu.memref_slice %arg8[%dma_start3A_176, %dma_start3A_182, %dma_start3A_183] : memref<32x8x128xf32, #tpu.memory_space<vmem>> -> memref<1x8x128xf32, #tpu.memory_space<vmem>>
    %dma_start3A_185 = tpu.memref_squeeze %dma_start3A_184 : memref<1x8x128xf32, #tpu.memory_space<vmem>> -> memref<8x128xf32, #tpu.memory_space<vmem>>
    %dma_start3A_186 = tpu.memref_slice %arg2[%multiple_of3A_172, %multiple_of3A_175] : memref<1024x32000xf32, #tpu.memory_space<hbm>> -> memref<8x128xf32, #tpu.memory_space<hbm>>
    tpu.enqueue_dma source(%dma_start3A_186 : memref<8x128xf32, #tpu.memory_space<hbm>>) target(%dma_start3A_185 : memref<8x128xf32, #tpu.memory_space<vmem>>) target_semaphore(%arg12 : memref<!tpu.dma_semaphore, #tpu.memory_space<semaphore_mem>>)
    %add3A_187 = arith.constant 8 : i32
    %add3A_188 = arith.addi %mul3A_2, %add3A_187 : i32
    %multiple_of3A_189 = tpu.assume_multiple %add3A_188, 8 : i32
    %slice3A_190 = vector.extract_strided_slice %and3A_18 {offsets = [10], sizes = [1], strides = [1]} : vector<16xi32> to vector<1xi32>
    %squeeze3A_191 = vector.extract %slice3A_190[0] : i32 from vector<1xi32>
    %multiple_of3A_192 = tpu.assume_multiple %squeeze3A_191, 128 : i32
    %dma_start3A_193 = arith.constant 10 : i32
    %dma_start3A_194 = arith.constant 0 : i32
    %dma_start3A_195 = arith.constant 0 : i32
    %dma_start3A_196 = tpu.memref_slice %arg8[%dma_start3A_193, %dma_start3A_194, %dma_start3A_195] : memref<32x8x128xf32, #tpu.memory_space<vmem>> -> memref<1x8x128xf32, #tpu.memory_space<vmem>>
    %dma_start3A_197 = tpu.memref_squeeze %dma_start3A_196 : memref<1x8x128xf32, #tpu.memory_space<vmem>> -> memref<8x128xf32, #tpu.memory_space<vmem>>
    %dma_start3A_198 = tpu.memref_slice %arg2[%multiple_of3A_189, %multiple_of3A_192] : memref<1024x32000xf32, #tpu.memory_space<hbm>> -> memref<8x128xf32, #tpu.memory_space<hbm>>
    %dma_start3A_199 = arith.constant 0 : i32
    %dma_start3A_200 = arith.constant 0 : i32
    %dma_start3A_201 = tpu.memref_slice %arg8[%dma_start3A_193, %dma_start3A_199, %dma_start3A_200] : memref<32x8x128xf32, #tpu.memory_space<vmem>> -> memref<1x8x128xf32, #tpu.memory_space<vmem>>
    %dma_start3A_202 = tpu.memref_squeeze %dma_start3A_201 : memref<1x8x128xf32, #tpu.memory_space<vmem>> -> memref<8x128xf32, #tpu.memory_space<vmem>>
    %dma_start3A_203 = tpu.memref_slice %arg2[%multiple_of3A_189, %multiple_of3A_192] : memref<1024x32000xf32, #tpu.memory_space<hbm>> -> memref<8x128xf32, #tpu.memory_space<hbm>>
    tpu.enqueue_dma source(%dma_start3A_203 : memref<8x128xf32, #tpu.memory_space<hbm>>) target(%dma_start3A_202 : memref<8x128xf32, #tpu.memory_space<vmem>>) target_semaphore(%arg12 : memref<!tpu.dma_semaphore, #tpu.memory_space<semaphore_mem>>)
    %add3A_204 = arith.constant 8 : i32
    %add3A_205 = arith.addi %mul3A_2, %add3A_204 : i32
    %multiple_of3A_206 = tpu.assume_multiple %add3A_205, 8 : i32
    %slice3A_207 = vector.extract_strided_slice %and3A_18 {offsets = [11], sizes = [1], strides = [1]} : vector<16xi32> to vector<1xi32>
    %squeeze3A_208 = vector.extract %slice3A_207[0] : i32 from vector<1xi32>
    %multiple_of3A_209 = tpu.assume_multiple %squeeze3A_208, 128 : i32
    %dma_start3A_210 = arith.constant 11 : i32
    %dma_start3A_211 = arith.constant 0 : i32
    %dma_start3A_212 = arith.constant 0 : i32
    %dma_start3A_213 = tpu.memref_slice %arg8[%dma_start3A_210, %dma_start3A_211, %dma_start3A_212] : memref<32x8x128xf32, #tpu.memory_space<vmem>> -> memref<1x8x128xf32, #tpu.memory_space<vmem>>
    %dma_start3A_214 = tpu.memref_squeeze %dma_start3A_213 : memref<1x8x128xf32, #tpu.memory_space<vmem>> -> memref<8x128xf32, #tpu.memory_space<vmem>>
    %dma_start3A_215 = tpu.memref_slice %arg2[%multiple_of3A_206, %multiple_of3A_209] : memref<1024x32000xf32, #tpu.memory_space<hbm>> -> memref<8x128xf32, #tpu.memory_space<hbm>>
    %dma_start3A_216 = arith.constant 0 : i32
    %dma_start3A_217 = arith.constant 0 : i32
    %dma_start3A_218 = tpu.memref_slice %arg8[%dma_start3A_210, %dma_start3A_216, %dma_start3A_217] : memref<32x8x128xf32, #tpu.memory_space<vmem>> -> memref<1x8x128xf32, #tpu.memory_space<vmem>>
    %dma_start3A_219 = tpu.memref_squeeze %dma_start3A_218 : memref<1x8x128xf32, #tpu.memory_space<vmem>> -> memref<8x128xf32, #tpu.memory_space<vmem>>
    %dma_start3A_220 = tpu.memref_slice %arg2[%multiple_of3A_206, %multiple_of3A_209] : memref<1024x32000xf32, #tpu.memory_space<hbm>> -> memref<8x128xf32, #tpu.memory_space<hbm>>
    tpu.enqueue_dma source(%dma_start3A_220 : memref<8x128xf32, #tpu.memory_space<hbm>>) target(%dma_start3A_219 : memref<8x128xf32, #tpu.memory_space<vmem>>) target_semaphore(%arg12 : memref<!tpu.dma_semaphore, #tpu.memory_space<semaphore_mem>>)
    %add3A_221 = arith.constant 8 : i32
    %add3A_222 = arith.addi %mul3A_2, %add3A_221 : i32
    %multiple_of3A_223 = tpu.assume_multiple %add3A_222, 8 : i32
    %slice3A_224 = vector.extract_strided_slice %and3A_18 {offsets = [12], sizes = [1], strides = [1]} : vector<16xi32> to vector<1xi32>
    %squeeze3A_225 = vector.extract %slice3A_224[0] : i32 from vector<1xi32>
    %multiple_of3A_226 = tpu.assume_multiple %squeeze3A_225, 128 : i32
    %dma_start3A_227 = arith.constant 12 : i32
    %dma_start3A_228 = arith.constant 0 : i32
    %dma_start3A_229 = arith.constant 0 : i32
    %dma_start3A_230 = tpu.memref_slice %arg8[%dma_start3A_227, %dma_start3A_228, %dma_start3A_229] : memref<32x8x128xf32, #tpu.memory_space<vmem>> -> memref<1x8x128xf32, #tpu.memory_space<vmem>>
    %dma_start3A_231 = tpu.memref_squeeze %dma_start3A_230 : memref<1x8x128xf32, #tpu.memory_space<vmem>> -> memref<8x128xf32, #tpu.memory_space<vmem>>
    %dma_start3A_232 = tpu.memref_slice %arg2[%multiple_of3A_223, %multiple_of3A_226] : memref<1024x32000xf32, #tpu.memory_space<hbm>> -> memref<8x128xf32, #tpu.memory_space<hbm>>
    %dma_start3A_233 = arith.constant 0 : i32
    %dma_start3A_234 = arith.constant 0 : i32
    %dma_start3A_235 = tpu.memref_slice %arg8[%dma_start3A_227, %dma_start3A_233, %dma_start3A_234] : memref<32x8x128xf32, #tpu.memory_space<vmem>> -> memref<1x8x128xf32, #tpu.memory_space<vmem>>
    %dma_start3A_236 = tpu.memref_squeeze %dma_start3A_235 : memref<1x8x128xf32, #tpu.memory_space<vmem>> -> memref<8x128xf32, #tpu.memory_space<vmem>>
    %dma_start3A_237 = tpu.memref_slice %arg2[%multiple_of3A_223, %multiple_of3A_226] : memref<1024x32000xf32, #tpu.memory_space<hbm>> -> memref<8x128xf32, #tpu.memory_space<hbm>>
    tpu.enqueue_dma source(%dma_start3A_237 : memref<8x128xf32, #tpu.memory_space<hbm>>) target(%dma_start3A_236 : memref<8x128xf32, #tpu.memory_space<vmem>>) target_semaphore(%arg12 : memref<!tpu.dma_semaphore, #tpu.memory_space<semaphore_mem>>)
    %add3A_238 = arith.constant 8 : i32
    %add3A_239 = arith.addi %mul3A_2, %add3A_238 : i32
    %multiple_of3A_240 = tpu.assume_multiple %add3A_239, 8 : i32
    %slice3A_241 = vector.extract_strided_slice %and3A_18 {offsets = [13], sizes = [1], strides = [1]} : vector<16xi32> to vector<1xi32>
    %squeeze3A_242 = vector.extract %slice3A_241[0] : i32 from vector<1xi32>
    %multiple_of3A_243 = tpu.assume_multiple %squeeze3A_242, 128 : i32
    %dma_start3A_244 = arith.constant 13 : i32
    %dma_start3A_245 = arith.constant 0 : i32
    %dma_start3A_246 = arith.constant 0 : i32
    %dma_start3A_247 = tpu.memref_slice %arg8[%dma_start3A_244, %dma_start3A_245, %dma_start3A_246] : memref<32x8x128xf32, #tpu.memory_space<vmem>> -> memref<1x8x128xf32, #tpu.memory_space<vmem>>
    %dma_start3A_248 = tpu.memref_squeeze %dma_start3A_247 : memref<1x8x128xf32, #tpu.memory_space<vmem>> -> memref<8x128xf32, #tpu.memory_space<vmem>>
    %dma_start3A_249 = tpu.memref_slice %arg2[%multiple_of3A_240, %multiple_of3A_243] : memref<1024x32000xf32, #tpu.memory_space<hbm>> -> memref<8x128xf32, #tpu.memory_space<hbm>>
    %dma_start3A_250 = arith.constant 0 : i32
    %dma_start3A_251 = arith.constant 0 : i32
    %dma_start3A_252 = tpu.memref_slice %arg8[%dma_start3A_244, %dma_start3A_250, %dma_start3A_251] : memref<32x8x128xf32, #tpu.memory_space<vmem>> -> memref<1x8x128xf32, #tpu.memory_space<vmem>>
    %dma_start3A_253 = tpu.memref_squeeze %dma_start3A_252 : memref<1x8x128xf32, #tpu.memory_space<vmem>> -> memref<8x128xf32, #tpu.memory_space<vmem>>
    %dma_start3A_254 = tpu.memref_slice %arg2[%multiple_of3A_240, %multiple_of3A_243] : memref<1024x32000xf32, #tpu.memory_space<hbm>> -> memref<8x128xf32, #tpu.memory_space<hbm>>
    tpu.enqueue_dma source(%dma_start3A_254 : memref<8x128xf32, #tpu.memory_space<hbm>>) target(%dma_start3A_253 : memref<8x128xf32, #tpu.memory_space<vmem>>) target_semaphore(%arg12 : memref<!tpu.dma_semaphore, #tpu.memory_space<semaphore_mem>>)
    %add3A_255 = arith.constant 8 : i32
    %add3A_256 = arith.addi %mul3A_2, %add3A_255 : i32
    %multiple_of3A_257 = tpu.assume_multiple %add3A_256, 8 : i32
    %slice3A_258 = vector.extract_strided_slice %and3A_18 {offsets = [14], sizes = [1], strides = [1]} : vector<16xi32> to vector<1xi32>
    %squeeze3A_259 = vector.extract %slice3A_258[0] : i32 from vector<1xi32>
    %multiple_of3A_260 = tpu.assume_multiple %squeeze3A_259, 128 : i32
    %dma_start3A_261 = arith.constant 14 : i32
    %dma_start3A_262 = arith.constant 0 : i32
    %dma_start3A_263 = arith.constant 0 : i32
    %dma_start3A_264 = tpu.memref_slice %arg8[%dma_start3A_261, %dma_start3A_262, %dma_start3A_263] : memref<32x8x128xf32, #tpu.memory_space<vmem>> -> memref<1x8x128xf32, #tpu.memory_space<vmem>>
    %dma_start3A_265 = tpu.memref_squeeze %dma_start3A_264 : memref<1x8x128xf32, #tpu.memory_space<vmem>> -> memref<8x128xf32, #tpu.memory_space<vmem>>
    %dma_start3A_266 = tpu.memref_slice %arg2[%multiple_of3A_257, %multiple_of3A_260] : memref<1024x32000xf32, #tpu.memory_space<hbm>> -> memref<8x128xf32, #tpu.memory_space<hbm>>
    %dma_start3A_267 = arith.constant 0 : i32
    %dma_start3A_268 = arith.constant 0 : i32
    %dma_start3A_269 = tpu.memref_slice %arg8[%dma_start3A_261, %dma_start3A_267, %dma_start3A_268] : memref<32x8x128xf32, #tpu.memory_space<vmem>> -> memref<1x8x128xf32, #tpu.memory_space<vmem>>
    %dma_start3A_270 = tpu.memref_squeeze %dma_start3A_269 : memref<1x8x128xf32, #tpu.memory_space<vmem>> -> memref<8x128xf32, #tpu.memory_space<vmem>>
    %dma_start3A_271 = tpu.memref_slice %arg2[%multiple_of3A_257, %multiple_of3A_260] : memref<1024x32000xf32, #tpu.memory_space<hbm>> -> memref<8x128xf32, #tpu.memory_space<hbm>>
    tpu.enqueue_dma source(%dma_start3A_271 : memref<8x128xf32, #tpu.memory_space<hbm>>) target(%dma_start3A_270 : memref<8x128xf32, #tpu.memory_space<vmem>>) target_semaphore(%arg12 : memref<!tpu.dma_semaphore, #tpu.memory_space<semaphore_mem>>)
    %add3A_272 = arith.constant 8 : i32
    %add3A_273 = arith.addi %mul3A_2, %add3A_272 : i32
    %multiple_of3A_274 = tpu.assume_multiple %add3A_273, 8 : i32
    %slice3A_275 = vector.extract_strided_slice %and3A_18 {offsets = [15], sizes = [1], strides = [1]} : vector<16xi32> to vector<1xi32>
    %squeeze3A_276 = vector.extract %slice3A_275[0] : i32 from vector<1xi32>
    %multiple_of3A_277 = tpu.assume_multiple %squeeze3A_276, 128 : i32
    %dma_start3A_278 = arith.constant 15 : i32
    %dma_start3A_279 = arith.constant 0 : i32
    %dma_start3A_280 = arith.constant 0 : i32
    %dma_start3A_281 = tpu.memref_slice %arg8[%dma_start3A_278, %dma_start3A_279, %dma_start3A_280] : memref<32x8x128xf32, #tpu.memory_space<vmem>> -> memref<1x8x128xf32, #tpu.memory_space<vmem>>
    %dma_start3A_282 = tpu.memref_squeeze %dma_start3A_281 : memref<1x8x128xf32, #tpu.memory_space<vmem>> -> memref<8x128xf32, #tpu.memory_space<vmem>>
    %dma_start3A_283 = tpu.memref_slice %arg2[%multiple_of3A_274, %multiple_of3A_277] : memref<1024x32000xf32, #tpu.memory_space<hbm>> -> memref<8x128xf32, #tpu.memory_space<hbm>>
    %dma_start3A_284 = arith.constant 0 : i32
    %dma_start3A_285 = arith.constant 0 : i32
    %dma_start3A_286 = tpu.memref_slice %arg8[%dma_start3A_278, %dma_start3A_284, %dma_start3A_285] : memref<32x8x128xf32, #tpu.memory_space<vmem>> -> memref<1x8x128xf32, #tpu.memory_space<vmem>>
    %dma_start3A_287 = tpu.memref_squeeze %dma_start3A_286 : memref<1x8x128xf32, #tpu.memory_space<vmem>> -> memref<8x128xf32, #tpu.memory_space<vmem>>
    %dma_start3A_288 = tpu.memref_slice %arg2[%multiple_of3A_274, %multiple_of3A_277] : memref<1024x32000xf32, #tpu.memory_space<hbm>> -> memref<8x128xf32, #tpu.memory_space<hbm>>
    tpu.enqueue_dma source(%dma_start3A_288 : memref<8x128xf32, #tpu.memory_space<hbm>>) target(%dma_start3A_287 : memref<8x128xf32, #tpu.memory_space<vmem>>) target_semaphore(%arg12 : memref<!tpu.dma_semaphore, #tpu.memory_space<semaphore_mem>>)
    %get3A_289 = arith.constant 16 : index
    %get3A_290 = tpu.vector_load %arg7[%get3A_289] {strides = array<i32>} : memref<32xi32, #tpu.memory_space<vmem>>, vector<16xi32>,
    %get3A_291 = vector.shape_cast %get3A_290 : vector<16xi32> to vector<16xi32>
    %and3A_292 = arith.constant -128 : i32
    %and3A_293 = vector.broadcast %and3A_292 : i32 to vector<16xi32>
    %and3A_294 = arith.andi %get3A_291, %and3A_293 : vector<16xi32>
    %add3A_295 = arith.constant 16 : i32
    %add3A_296 = arith.addi %mul3A_2, %add3A_295 : i32
    %multiple_of3A_297 = tpu.assume_multiple %add3A_296, 8 : i32
    %slice3A_298 = vector.extract_strided_slice %and3A_294 {offsets = [0], sizes = [1], strides = [1]} : vector<16xi32> to vector<1xi32>
    %squeeze3A_299 = vector.extract %slice3A_298[0] : i32 from vector<1xi32>
    %multiple_of3A_300 = tpu.assume_multiple %squeeze3A_299, 128 : i32
    %dma_start3A_301 = arith.constant 16 : i32
    %dma_start3A_302 = arith.constant 0 : i32
    %dma_start3A_303 = arith.constant 0 : i32
    %dma_start3A_304 = tpu.memref_slice %arg8[%dma_start3A_301, %dma_start3A_302, %dma_start3A_303] : memref<32x8x128xf32, #tpu.memory_space<vmem>> -> memref<1x8x128xf32, #tpu.memory_space<vmem>>
    %dma_start3A_305 = tpu.memref_squeeze %dma_start3A_304 : memref<1x8x128xf32, #tpu.memory_space<vmem>> -> memref<8x128xf32, #tpu.memory_space<vmem>>
    %dma_start3A_306 = tpu.memref_slice %arg2[%multiple_of3A_297, %multiple_of3A_300] : memref<1024x32000xf32, #tpu.memory_space<hbm>> -> memref<8x128xf32, #tpu.memory_space<hbm>>
    %dma_start3A_307 = arith.constant 0 : i32
    %dma_start3A_308 = arith.constant 0 : i32
    %dma_start3A_309 = tpu.memref_slice %arg8[%dma_start3A_301, %dma_start3A_307, %dma_start3A_308] : memref<32x8x128xf32, #tpu.memory_space<vmem>> -> memref<1x8x128xf32, #tpu.memory_space<vmem>>
    %dma_start3A_310 = tpu.memref_squeeze %dma_start3A_309 : memref<1x8x128xf32, #tpu.memory_space<vmem>> -> memref<8x128xf32, #tpu.memory_space<vmem>>
    %dma_start3A_311 = tpu.memref_slice %arg2[%multiple_of3A_297, %multiple_of3A_300] : memref<1024x32000xf32, #tpu.memory_space<hbm>> -> memref<8x128xf32, #tpu.memory_space<hbm>>
    tpu.enqueue_dma source(%dma_start3A_311 : memref<8x128xf32, #tpu.memory_space<hbm>>) target(%dma_start3A_310 : memref<8x128xf32, #tpu.memory_space<vmem>>) target_semaphore(%arg12 : memref<!tpu.dma_semaphore, #tpu.memory_space<semaphore_mem>>)
    %add3A_312 = arith.constant 16 : i32
    %add3A_313 = arith.addi %mul3A_2, %add3A_312 : i32
    %multiple_of3A_314 = tpu.assume_multiple %add3A_313, 8 : i32
    %slice3A_315 = vector.extract_strided_slice %and3A_294 {offsets = [1], sizes = [1], strides = [1]} : vector<16xi32> to vector<1xi32>
    %squeeze3A_316 = vector.extract %slice3A_315[0] : i32 from vector<1xi32>
    %multiple_of3A_317 = tpu.assume_multiple %squeeze3A_316, 128 : i32
    %dma_start3A_318 = arith.constant 17 : i32
    %dma_start3A_319 = arith.constant 0 : i32
    %dma_start3A_320 = arith.constant 0 : i32
    %dma_start3A_321 = tpu.memref_slice %arg8[%dma_start3A_318, %dma_start3A_319, %dma_start3A_320] : memref<32x8x128xf32, #tpu.memory_space<vmem>> -> memref<1x8x128xf32, #tpu.memory_space<vmem>>
    %dma_start3A_322 = tpu.memref_squeeze %dma_start3A_321 : memref<1x8x128xf32, #tpu.memory_space<vmem>> -> memref<8x128xf32, #tpu.memory_space<vmem>>
    %dma_start3A_323 = tpu.memref_slice %arg2[%multiple_of3A_314, %multiple_of3A_317] : memref<1024x32000xf32, #tpu.memory_space<hbm>> -> memref<8x128xf32, #tpu.memory_space<hbm>>
    %dma_start3A_324 = arith.constant 0 : i32
    %dma_start3A_325 = arith.constant 0 : i32
    %dma_start3A_326 = tpu.memref_slice %arg8[%dma_start3A_318, %dma_start3A_324, %dma_start3A_325] : memref<32x8x128xf32, #tpu.memory_space<vmem>> -> memref<1x8x128xf32, #tpu.memory_space<vmem>>
    %dma_start3A_327 = tpu.memref_squeeze %dma_start3A_326 : memref<1x8x128xf32, #tpu.memory_space<vmem>> -> memref<8x128xf32, #tpu.memory_space<vmem>>
    %dma_start3A_328 = tpu.memref_slice %arg2[%multiple_of3A_314, %multiple_of3A_317] : memref<1024x32000xf32, #tpu.memory_space<hbm>> -> memref<8x128xf32, #tpu.memory_space<hbm>>
    tpu.enqueue_dma source(%dma_start3A_328 : memref<8x128xf32, #tpu.memory_space<hbm>>) target(%dma_start3A_327 : memref<8x128xf32, #tpu.memory_space<vmem>>) target_semaphore(%arg12 : memref<!tpu.dma_semaphore, #tpu.memory_space<semaphore_mem>>)
    %add3A_329 = arith.constant 16 : i32
    %add3A_330 = arith.addi %mul3A_2, %add3A_329 : i32
    %multiple_of3A_331 = tpu.assume_multiple %add3A_330, 8 : i32
    %slice3A_332 = vector.extract_strided_slice %and3A_294 {offsets = [2], sizes = [1], strides = [1]} : vector<16xi32> to vector<1xi32>
    %squeeze3A_333 = vector.extract %slice3A_332[0] : i32 from vector<1xi32>
    %multiple_of3A_334 = tpu.assume_multiple %squeeze3A_333, 128 : i32
    %dma_start3A_335 = arith.constant 18 : i32
    %dma_start3A_336 = arith.constant 0 : i32
    %dma_start3A_337 = arith.constant 0 : i32
    %dma_start3A_338 = tpu.memref_slice %arg8[%dma_start3A_335, %dma_start3A_336, %dma_start3A_337] : memref<32x8x128xf32, #tpu.memory_space<vmem>> -> memref<1x8x128xf32, #tpu.memory_space<vmem>>
    %dma_start3A_339 = tpu.memref_squeeze %dma_start3A_338 : memref<1x8x128xf32, #tpu.memory_space<vmem>> -> memref<8x128xf32, #tpu.memory_space<vmem>>
    %dma_start3A_340 = tpu.memref_slice %arg2[%multiple_of3A_331, %multiple_of3A_334] : memref<1024x32000xf32, #tpu.memory_space<hbm>> -> memref<8x128xf32, #tpu.memory_space<hbm>>
    %dma_start3A_341 = arith.constant 0 : i32
    %dma_start3A_342 = arith.constant 0 : i32
    %dma_start3A_343 = tpu.memref_slice %arg8[%dma_start3A_335, %dma_start3A_341, %dma_start3A_342] : memref<32x8x128xf32, #tpu.memory_space<vmem>> -> memref<1x8x128xf32, #tpu.memory_space<vmem>>
    %dma_start3A_344 = tpu.memref_squeeze %dma_start3A_343 : memref<1x8x128xf32, #tpu.memory_space<vmem>> -> memref<8x128xf32, #tpu.memory_space<vmem>>
    %dma_start3A_345 = tpu.memref_slice %arg2[%multiple_of3A_331, %multiple_of3A_334] : memref<1024x32000xf32, #tpu.memory_space<hbm>> -> memref<8x128xf32, #tpu.memory_space<hbm>>
    tpu.enqueue_dma source(%dma_start3A_345 : memref<8x128xf32, #tpu.memory_space<hbm>>) target(%dma_start3A_344 : memref<8x128xf32, #tpu.memory_space<vmem>>) target_semaphore(%arg12 : memref<!tpu.dma_semaphore, #tpu.memory_space<semaphore_mem>>)
    %add3A_346 = arith.constant 16 : i32
    %add3A_347 = arith.addi %mul3A_2, %add3A_346 : i32
    %multiple_of3A_348 = tpu.assume_multiple %add3A_347, 8 : i32
    %slice3A_349 = vector.extract_strided_slice %and3A_294 {offsets = [3], sizes = [1], strides = [1]} : vector<16xi32> to vector<1xi32>
    %squeeze3A_350 = vector.extract %slice3A_349[0] : i32 from vector<1xi32>
    %multiple_of3A_351 = tpu.assume_multiple %squeeze3A_350, 128 : i32
    %dma_start3A_352 = arith.constant 19 : i32
    %dma_start3A_353 = arith.constant 0 : i32
    %dma_start3A_354 = arith.constant 0 : i32
    %dma_start3A_355 = tpu.memref_slice %arg8[%dma_start3A_352, %dma_start3A_353, %dma_start3A_354] : memref<32x8x128xf32, #tpu.memory_space<vmem>> -> memref<1x8x128xf32, #tpu.memory_space<vmem>>
    %dma_start3A_356 = tpu.memref_squeeze %dma_start3A_355 : memref<1x8x128xf32, #tpu.memory_space<vmem>> -> memref<8x128xf32, #tpu.memory_space<vmem>>
    %dma_start3A_357 = tpu.memref_slice %arg2[%multiple_of3A_348, %multiple_of3A_351] : memref<1024x32000xf32, #tpu.memory_space<hbm>> -> memref<8x128xf32, #tpu.memory_space<hbm>>
    %dma_start3A_358 = arith.constant 0 : i32
    %dma_start3A_359 = arith.constant 0 : i32
    %dma_start3A_360 = tpu.memref_slice %arg8[%dma_start3A_352, %dma_start3A_358, %dma_start3A_359] : memref<32x8x128xf32, #tpu.memory_space<vmem>> -> memref<1x8x128xf32, #tpu.memory_space<vmem>>
    %dma_start3A_361 = tpu.memref_squeeze %dma_start3A_360 : memref<1x8x128xf32, #tpu.memory_space<vmem>> -> memref<8x128xf32, #tpu.memory_space<vmem>>
    %dma_start3A_362 = tpu.memref_slice %arg2[%multiple_of3A_348, %multiple_of3A_351] : memref<1024x32000xf32, #tpu.memory_space<hbm>> -> memref<8x128xf32, #tpu.memory_space<hbm>>
    tpu.enqueue_dma source(%dma_start3A_362 : memref<8x128xf32, #tpu.memory_space<hbm>>) target(%dma_start3A_361 : memref<8x128xf32, #tpu.memory_space<vmem>>) target_semaphore(%arg12 : memref<!tpu.dma_semaphore, #tpu.memory_space<semaphore_mem>>)
    %add3A_363 = arith.constant 16 : i32
    %add3A_364 = arith.addi %mul3A_2, %add3A_363 : i32
    %multiple_of3A_365 = tpu.assume_multiple %add3A_364, 8 : i32
    %slice3A_366 = vector.extract_strided_slice %and3A_294 {offsets = [4], sizes = [1], strides = [1]} : vector<16xi32> to vector<1xi32>
    %squeeze3A_367 = vector.extract %slice3A_366[0] : i32 from vector<1xi32>
    %multiple_of3A_368 = tpu.assume_multiple %squeeze3A_367, 128 : i32
    %dma_start3A_369 = arith.constant 20 : i32
    %dma_start3A_370 = arith.constant 0 : i32
    %dma_start3A_371 = arith.constant 0 : i32
    %dma_start3A_372 = tpu.memref_slice %arg8[%dma_start3A_369, %dma_start3A_370, %dma_start3A_371] : memref<32x8x128xf32, #tpu.memory_space<vmem>> -> memref<1x8x128xf32, #tpu.memory_space<vmem>>
    %dma_start3A_373 = tpu.memref_squeeze %dma_start3A_372 : memref<1x8x128xf32, #tpu.memory_space<vmem>> -> memref<8x128xf32, #tpu.memory_space<vmem>>
    %dma_start3A_374 = tpu.memref_slice %arg2[%multiple_of3A_365, %multiple_of3A_368] : memref<1024x32000xf32, #tpu.memory_space<hbm>> -> memref<8x128xf32, #tpu.memory_space<hbm>>
    %dma_start3A_375 = arith.constant 0 : i32
    %dma_start3A_376 = arith.constant 0 : i32
    %dma_start3A_377 = tpu.memref_slice %arg8[%dma_start3A_369, %dma_start3A_375, %dma_start3A_376] : memref<32x8x128xf32, #tpu.memory_space<vmem>> -> memref<1x8x128xf32, #tpu.memory_space<vmem>>
    %dma_start3A_378 = tpu.memref_squeeze %dma_start3A_377 : memref<1x8x128xf32, #tpu.memory_space<vmem>> -> memref<8x128xf32, #tpu.memory_space<vmem>>
    %dma_start3A_379 = tpu.memref_slice %arg2[%multiple_of3A_365, %multiple_of3A_368] : memref<1024x32000xf32, #tpu.memory_space<hbm>> -> memref<8x128xf32, #tpu.memory_space<hbm>>
    tpu.enqueue_dma source(%dma_start3A_379 : memref<8x128xf32, #tpu.memory_space<hbm>>) target(%dma_start3A_378 : memref<8x128xf32, #tpu.memory_space<vmem>>) target_semaphore(%arg12 : memref<!tpu.dma_semaphore, #tpu.memory_space<semaphore_mem>>)
    %add3A_380 = arith.constant 16 : i32
    %add3A_381 = arith.addi %mul3A_2, %add3A_380 : i32
    %multiple_of3A_382 = tpu.assume_multiple %add3A_381, 8 : i32
    %slice3A_383 = vector.extract_strided_slice %and3A_294 {offsets = [5], sizes = [1], strides = [1]} : vector<16xi32> to vector<1xi32>
    %squeeze3A_384 = vector.extract %slice3A_383[0] : i32 from vector<1xi32>
    %multiple_of3A_385 = tpu.assume_multiple %squeeze3A_384, 128 : i32
    %dma_start3A_386 = arith.constant 21 : i32
    %dma_start3A_387 = arith.constant 0 : i32
    %dma_start3A_388 = arith.constant 0 : i32
    %dma_start3A_389 = tpu.memref_slice %arg8[%dma_start3A_386, %dma_start3A_387, %dma_start3A_388] : memref<32x8x128xf32, #tpu.memory_space<vmem>> -> memref<1x8x128xf32, #tpu.memory_space<vmem>>
    %dma_start3A_390 = tpu.memref_squeeze %dma_start3A_389 : memref<1x8x128xf32, #tpu.memory_space<vmem>> -> memref<8x128xf32, #tpu.memory_space<vmem>>
    %dma_start3A_391 = tpu.memref_slice %arg2[%multiple_of3A_382, %multiple_of3A_385] : memref<1024x32000xf32, #tpu.memory_space<hbm>> -> memref<8x128xf32, #tpu.memory_space<hbm>>
    %dma_start3A_392 = arith.constant 0 : i32
    %dma_start3A_393 = arith.constant 0 : i32
    %dma_start3A_394 = tpu.memref_slice %arg8[%dma_start3A_386, %dma_start3A_392, %dma_start3A_393] : memref<32x8x128xf32, #tpu.memory_space<vmem>> -> memref<1x8x128xf32, #tpu.memory_space<vmem>>
    %dma_start3A_395 = tpu.memref_squeeze %dma_start3A_394 : memref<1x8x128xf32, #tpu.memory_space<vmem>> -> memref<8x128xf32, #tpu.memory_space<vmem>>
    %dma_start3A_396 = tpu.memref_slice %arg2[%multiple_of3A_382, %multiple_of3A_385] : memref<1024x32000xf32, #tpu.memory_space<hbm>> -> memref<8x128xf32, #tpu.memory_space<hbm>>
    tpu.enqueue_dma source(%dma_start3A_396 : memref<8x128xf32, #tpu.memory_space<hbm>>) target(%dma_start3A_395 : memref<8x128xf32, #tpu.memory_space<vmem>>) target_semaphore(%arg12 : memref<!tpu.dma_semaphore, #tpu.memory_space<semaphore_mem>>)
    %add3A_397 = arith.constant 16 : i32
    %add3A_398 = arith.addi %mul3A_2, %add3A_397 : i32
    %multiple_of3A_399 = tpu.assume_multiple %add3A_398, 8 : i32
    %slice3A_400 = vector.extract_strided_slice %and3A_294 {offsets = [6], sizes = [1], strides = [1]} : vector<16xi32> to vector<1xi32>
    %squeeze3A_401 = vector.extract %slice3A_400[0] : i32 from vector<1xi32>
    %multiple_of3A_402 = tpu.assume_multiple %squeeze3A_401, 128 : i32
    %dma_start3A_403 = arith.constant 22 : i32
    %dma_start3A_404 = arith.constant 0 : i32
    %dma_start3A_405 = arith.constant 0 : i32
    %dma_start3A_406 = tpu.memref_slice %arg8[%dma_start3A_403, %dma_start3A_404, %dma_start3A_405] : memref<32x8x128xf32, #tpu.memory_space<vmem>> -> memref<1x8x128xf32, #tpu.memory_space<vmem>>
    %dma_start3A_407 = tpu.memref_squeeze %dma_start3A_406 : memref<1x8x128xf32, #tpu.memory_space<vmem>> -> memref<8x128xf32, #tpu.memory_space<vmem>>
    %dma_start3A_408 = tpu.memref_slice %arg2[%multiple_of3A_399, %multiple_of3A_402] : memref<1024x32000xf32, #tpu.memory_space<hbm>> -> memref<8x128xf32, #tpu.memory_space<hbm>>
    %dma_start3A_409 = arith.constant 0 : i32
    %dma_start3A_410 = arith.constant 0 : i32
    %dma_start3A_411 = tpu.memref_slice %arg8[%dma_start3A_403, %dma_start3A_409, %dma_start3A_410] : memref<32x8x128xf32, #tpu.memory_space<vmem>> -> memref<1x8x128xf32, #tpu.memory_space<vmem>>
    %dma_start3A_412 = tpu.memref_squeeze %dma_start3A_411 : memref<1x8x128xf32, #tpu.memory_space<vmem>> -> memref<8x128xf32, #tpu.memory_space<vmem>>
    %dma_start3A_413 = tpu.memref_slice %arg2[%multiple_of3A_399, %multiple_of3A_402] : memref<1024x32000xf32, #tpu.memory_space<hbm>> -> memref<8x128xf32, #tpu.memory_space<hbm>>
    tpu.enqueue_dma source(%dma_start3A_413 : memref<8x128xf32, #tpu.memory_space<hbm>>) target(%dma_start3A_412 : memref<8x128xf32, #tpu.memory_space<vmem>>) target_semaphore(%arg12 : memref<!tpu.dma_semaphore, #tpu.memory_space<semaphore_mem>>)
    %add3A_414 = arith.constant 16 : i32
    %add3A_415 = arith.addi %mul3A_2, %add3A_414 : i32
    %multiple_of3A_416 = tpu.assume_multiple %add3A_415, 8 : i32
    %slice3A_417 = vector.extract_strided_slice %and3A_294 {offsets = [7], sizes = [1], strides = [1]} : vector<16xi32> to vector<1xi32>
    %squeeze3A_418 = vector.extract %slice3A_417[0] : i32 from vector<1xi32>
    %multiple_of3A_419 = tpu.assume_multiple %squeeze3A_418, 128 : i32
    %dma_start3A_420 = arith.constant 23 : i32
    %dma_start3A_421 = arith.constant 0 : i32
    %dma_start3A_422 = arith.constant 0 : i32
    %dma_start3A_423 = tpu.memref_slice %arg8[%dma_start3A_420, %dma_start3A_421, %dma_start3A_422] : memref<32x8x128xf32, #tpu.memory_space<vmem>> -> memref<1x8x128xf32, #tpu.memory_space<vmem>>
    %dma_start3A_424 = tpu.memref_squeeze %dma_start3A_423 : memref<1x8x128xf32, #tpu.memory_space<vmem>> -> memref<8x128xf32, #tpu.memory_space<vmem>>
    %dma_start3A_425 = tpu.memref_slice %arg2[%multiple_of3A_416, %multiple_of3A_419] : memref<1024x32000xf32, #tpu.memory_space<hbm>> -> memref<8x128xf32, #tpu.memory_space<hbm>>
    %dma_start3A_426 = arith.constant 0 : i32
    %dma_start3A_427 = arith.constant 0 : i32
    %dma_start3A_428 = tpu.memref_slice %arg8[%dma_start3A_420, %dma_start3A_426, %dma_start3A_427] : memref<32x8x128xf32, #tpu.memory_space<vmem>> -> memref<1x8x128xf32, #tpu.memory_space<vmem>>
    %dma_start3A_429 = tpu.memref_squeeze %dma_start3A_428 : memref<1x8x128xf32, #tpu.memory_space<vmem>> -> memref<8x128xf32, #tpu.memory_space<vmem>>
    %dma_start3A_430 = tpu.memref_slice %arg2[%multiple_of3A_416, %multiple_of3A_419] : memref<1024x32000xf32, #tpu.memory_space<hbm>> -> memref<8x128xf32, #tpu.memory_space<hbm>>
    tpu.enqueue_dma source(%dma_start3A_430 : memref<8x128xf32, #tpu.memory_space<hbm>>) target(%dma_start3A_429 : memref<8x128xf32, #tpu.memory_space<vmem>>) target_semaphore(%arg12 : memref<!tpu.dma_semaphore, #tpu.memory_space<semaphore_mem>>)
    %add3A_431 = arith.constant 24 : i32
    %add3A_432 = arith.addi %mul3A_2, %add3A_431 : i32
    %multiple_of3A_433 = tpu.assume_multiple %add3A_432, 8 : i32
    %slice3A_434 = vector.extract_strided_slice %and3A_294 {offsets = [8], sizes = [1], strides = [1]} : vector<16xi32> to vector<1xi32>
    %squeeze3A_435 = vector.extract %slice3A_434[0] : i32 from vector<1xi32>
    %multiple_of3A_436 = tpu.assume_multiple %squeeze3A_435, 128 : i32
    %dma_start3A_437 = arith.constant 24 : i32
    %dma_start3A_438 = arith.constant 0 : i32
    %dma_start3A_439 = arith.constant 0 : i32
    %dma_start3A_440 = tpu.memref_slice %arg8[%dma_start3A_437, %dma_start3A_438, %dma_start3A_439] : memref<32x8x128xf32, #tpu.memory_space<vmem>> -> memref<1x8x128xf32, #tpu.memory_space<vmem>>
    %dma_start3A_441 = tpu.memref_squeeze %dma_start3A_440 : memref<1x8x128xf32, #tpu.memory_space<vmem>> -> memref<8x128xf32, #tpu.memory_space<vmem>>
    %dma_start3A_442 = tpu.memref_slice %arg2[%multiple_of3A_433, %multiple_of3A_436] : memref<1024x32000xf32, #tpu.memory_space<hbm>> -> memref<8x128xf32, #tpu.memory_space<hbm>>
    %dma_start3A_443 = arith.constant 0 : i32
    %dma_start3A_444 = arith.constant 0 : i32
    %dma_start3A_445 = tpu.memref_slice %arg8[%dma_start3A_437, %dma_start3A_443, %dma_start3A_444] : memref<32x8x128xf32, #tpu.memory_space<vmem>> -> memref<1x8x128xf32, #tpu.memory_space<vmem>>
    %dma_start3A_446 = tpu.memref_squeeze %dma_start3A_445 : memref<1x8x128xf32, #tpu.memory_space<vmem>> -> memref<8x128xf32, #tpu.memory_space<vmem>>
    %dma_start3A_447 = tpu.memref_slice %arg2[%multiple_of3A_433, %multiple_of3A_436] : memref<1024x32000xf32, #tpu.memory_space<hbm>> -> memref<8x128xf32, #tpu.memory_space<hbm>>
    tpu.enqueue_dma source(%dma_start3A_447 : memref<8x128xf32, #tpu.memory_space<hbm>>) target(%dma_start3A_446 : memref<8x128xf32, #tpu.memory_space<vmem>>) target_semaphore(%arg12 : memref<!tpu.dma_semaphore, #tpu.memory_space<semaphore_mem>>)
    %add3A_448 = arith.constant 24 : i32
    %add3A_449 = arith.addi %mul3A_2, %add3A_448 : i32
    %multiple_of3A_450 = tpu.assume_multiple %add3A_449, 8 : i32
    %slice3A_451 = vector.extract_strided_slice %and3A_294 {offsets = [9], sizes = [1], strides = [1]} : vector<16xi32> to vector<1xi32>
    %squeeze3A_452 = vector.extract %slice3A_451[0] : i32 from vector<1xi32>
    %multiple_of3A_453 = tpu.assume_multiple %squeeze3A_452, 128 : i32
    %dma_start3A_454 = arith.constant 25 : i32
    %dma_start3A_455 = arith.constant 0 : i32
    %dma_start3A_456 = arith.constant 0 : i32
    %dma_start3A_457 = tpu.memref_slice %arg8[%dma_start3A_454, %dma_start3A_455, %dma_start3A_456] : memref<32x8x128xf32, #tpu.memory_space<vmem>> -> memref<1x8x128xf32, #tpu.memory_space<vmem>>
    %dma_start3A_458 = tpu.memref_squeeze %dma_start3A_457 : memref<1x8x128xf32, #tpu.memory_space<vmem>> -> memref<8x128xf32, #tpu.memory_space<vmem>>
    %dma_start3A_459 = tpu.memref_slice %arg2[%multiple_of3A_450, %multiple_of3A_453] : memref<1024x32000xf32, #tpu.memory_space<hbm>> -> memref<8x128xf32, #tpu.memory_space<hbm>>
    %dma_start3A_460 = arith.constant 0 : i32
    %dma_start3A_461 = arith.constant 0 : i32
    %dma_start3A_462 = tpu.memref_slice %arg8[%dma_start3A_454, %dma_start3A_460, %dma_start3A_461] : memref<32x8x128xf32, #tpu.memory_space<vmem>> -> memref<1x8x128xf32, #tpu.memory_space<vmem>>
    %dma_start3A_463 = tpu.memref_squeeze %dma_start3A_462 : memref<1x8x128xf32, #tpu.memory_space<vmem>> -> memref<8x128xf32, #tpu.memory_space<vmem>>
    %dma_start3A_464 = tpu.memref_slice %arg2[%multiple_of3A_450, %multiple_of3A_453] : memref<1024x32000xf32, #tpu.memory_space<hbm>> -> memref<8x128xf32, #tpu.memory_space<hbm>>
    tpu.enqueue_dma source(%dma_start3A_464 : memref<8x128xf32, #tpu.memory_space<hbm>>) target(%dma_start3A_463 : memref<8x128xf32, #tpu.memory_space<vmem>>) target_semaphore(%arg12 : memref<!tpu.dma_semaphore, #tpu.memory_space<semaphore_mem>>)
    %add3A_465 = arith.constant 24 : i32
    %add3A_466 = arith.addi %mul3A_2, %add3A_465 : i32
    %multiple_of3A_467 = tpu.assume_multiple %add3A_466, 8 : i32
    %slice3A_468 = vector.extract_strided_slice %and3A_294 {offsets = [10], sizes = [1], strides = [1]} : vector<16xi32> to vector<1xi32>
    %squeeze3A_469 = vector.extract %slice3A_468[0] : i32 from vector<1xi32>
    %multiple_of3A_470 = tpu.assume_multiple %squeeze3A_469, 128 : i32
    %dma_start3A_471 = arith.constant 26 : i32
    %dma_start3A_472 = arith.constant 0 : i32
    %dma_start3A_473 = arith.constant 0 : i32
    %dma_start3A_474 = tpu.memref_slice %arg8[%dma_start3A_471, %dma_start3A_472, %dma_start3A_473] : memref<32x8x128xf32, #tpu.memory_space<vmem>> -> memref<1x8x128xf32, #tpu.memory_space<vmem>>
    %dma_start3A_475 = tpu.memref_squeeze %dma_start3A_474 : memref<1x8x128xf32, #tpu.memory_space<vmem>> -> memref<8x128xf32, #tpu.memory_space<vmem>>
    %dma_start3A_476 = tpu.memref_slice %arg2[%multiple_of3A_467, %multiple_of3A_470] : memref<1024x32000xf32, #tpu.memory_space<hbm>> -> memref<8x128xf32, #tpu.memory_space<hbm>>
    %dma_start3A_477 = arith.constant 0 : i32
    %dma_start3A_478 = arith.constant 0 : i32
    %dma_start3A_479 = tpu.memref_slice %arg8[%dma_start3A_471, %dma_start3A_477, %dma_start3A_478] : memref<32x8x128xf32, #tpu.memory_space<vmem>> -> memref<1x8x128xf32, #tpu.memory_space<vmem>>
    %dma_start3A_480 = tpu.memref_squeeze %dma_start3A_479 : memref<1x8x128xf32, #tpu.memory_space<vmem>> -> memref<8x128xf32, #tpu.memory_space<vmem>>
    %dma_start3A_481 = tpu.memref_slice %arg2[%multiple_of3A_467, %multiple_of3A_470] : memref<1024x32000xf32, #tpu.memory_space<hbm>> -> memref<8x128xf32, #tpu.memory_space<hbm>>
    tpu.enqueue_dma source(%dma_start3A_481 : memref<8x128xf32, #tpu.memory_space<hbm>>) target(%dma_start3A_480 : memref<8x128xf32, #tpu.memory_space<vmem>>) target_semaphore(%arg12 : memref<!tpu.dma_semaphore, #tpu.memory_space<semaphore_mem>>)
    %add3A_482 = arith.constant 24 : i32
    %add3A_483 = arith.addi %mul3A_2, %add3A_482 : i32
    %multiple_of3A_484 = tpu.assume_multiple %add3A_483, 8 : i32
    %slice3A_485 = vector.extract_strided_slice %and3A_294 {offsets = [11], sizes = [1], strides = [1]} : vector<16xi32> to vector<1xi32>
    %squeeze3A_486 = vector.extract %slice3A_485[0] : i32 from vector<1xi32>
    %multiple_of3A_487 = tpu.assume_multiple %squeeze3A_486, 128 : i32
    %dma_start3A_488 = arith.constant 27 : i32
    %dma_start3A_489 = arith.constant 0 : i32
    %dma_start3A_490 = arith.constant 0 : i32
    %dma_start3A_491 = tpu.memref_slice %arg8[%dma_start3A_488, %dma_start3A_489, %dma_start3A_490] : memref<32x8x128xf32, #tpu.memory_space<vmem>> -> memref<1x8x128xf32, #tpu.memory_space<vmem>>
    %dma_start3A_492 = tpu.memref_squeeze %dma_start3A_491 : memref<1x8x128xf32, #tpu.memory_space<vmem>> -> memref<8x128xf32, #tpu.memory_space<vmem>>
    %dma_start3A_493 = tpu.memref_slice %arg2[%multiple_of3A_484, %multiple_of3A_487] : memref<1024x32000xf32, #tpu.memory_space<hbm>> -> memref<8x128xf32, #tpu.memory_space<hbm>>
    %dma_start3A_494 = arith.constant 0 : i32
    %dma_start3A_495 = arith.constant 0 : i32
    %dma_start3A_496 = tpu.memref_slice %arg8[%dma_start3A_488, %dma_start3A_494, %dma_start3A_495] : memref<32x8x128xf32, #tpu.memory_space<vmem>> -> memref<1x8x128xf32, #tpu.memory_space<vmem>>
    %dma_start3A_497 = tpu.memref_squeeze %dma_start3A_496 : memref<1x8x128xf32, #tpu.memory_space<vmem>> -> memref<8x128xf32, #tpu.memory_space<vmem>>
    %dma_start3A_498 = tpu.memref_slice %arg2[%multiple_of3A_484, %multiple_of3A_487] : memref<1024x32000xf32, #tpu.memory_space<hbm>> -> memref<8x128xf32, #tpu.memory_space<hbm>>
    tpu.enqueue_dma source(%dma_start3A_498 : memref<8x128xf32, #tpu.memory_space<hbm>>) target(%dma_start3A_497 : memref<8x128xf32, #tpu.memory_space<vmem>>) target_semaphore(%arg12 : memref<!tpu.dma_semaphore, #tpu.memory_space<semaphore_mem>>)
    %add3A_499 = arith.constant 24 : i32
    %add3A_500 = arith.addi %mul3A_2, %add3A_499 : i32
    %multiple_of3A_501 = tpu.assume_multiple %add3A_500, 8 : i32
    %slice3A_502 = vector.extract_strided_slice %and3A_294 {offsets = [12], sizes = [1], strides = [1]} : vector<16xi32> to vector<1xi32>
    %squeeze3A_503 = vector.extract %slice3A_502[0] : i32 from vector<1xi32>
    %multiple_of3A_504 = tpu.assume_multiple %squeeze3A_503, 128 : i32
    %dma_start3A_505 = arith.constant 28 : i32
    %dma_start3A_506 = arith.constant 0 : i32
    %dma_start3A_507 = arith.constant 0 : i32
    %dma_start3A_508 = tpu.memref_slice %arg8[%dma_start3A_505, %dma_start3A_506, %dma_start3A_507] : memref<32x8x128xf32, #tpu.memory_space<vmem>> -> memref<1x8x128xf32, #tpu.memory_space<vmem>>
    %dma_start3A_509 = tpu.memref_squeeze %dma_start3A_508 : memref<1x8x128xf32, #tpu.memory_space<vmem>> -> memref<8x128xf32, #tpu.memory_space<vmem>>
    %dma_start3A_510 = tpu.memref_slice %arg2[%multiple_of3A_501, %multiple_of3A_504] : memref<1024x32000xf32, #tpu.memory_space<hbm>> -> memref<8x128xf32, #tpu.memory_space<hbm>>
    %dma_start3A_511 = arith.constant 0 : i32
    %dma_start3A_512 = arith.constant 0 : i32
    %dma_start3A_513 = tpu.memref_slice %arg8[%dma_start3A_505, %dma_start3A_511, %dma_start3A_512] : memref<32x8x128xf32, #tpu.memory_space<vmem>> -> memref<1x8x128xf32, #tpu.memory_space<vmem>>
    %dma_start3A_514 = tpu.memref_squeeze %dma_start3A_513 : memref<1x8x128xf32, #tpu.memory_space<vmem>> -> memref<8x128xf32, #tpu.memory_space<vmem>>
    %dma_start3A_515 = tpu.memref_slice %arg2[%multiple_of3A_501, %multiple_of3A_504] : memref<1024x32000xf32, #tpu.memory_space<hbm>> -> memref<8x128xf32, #tpu.memory_space<hbm>>
    tpu.enqueue_dma source(%dma_start3A_515 : memref<8x128xf32, #tpu.memory_space<hbm>>) target(%dma_start3A_514 : memref<8x128xf32, #tpu.memory_space<vmem>>) target_semaphore(%arg12 : memref<!tpu.dma_semaphore, #tpu.memory_space<semaphore_mem>>)
    %add3A_516 = arith.constant 24 : i32
    %add3A_517 = arith.addi %mul3A_2, %add3A_516 : i32
    %multiple_of3A_518 = tpu.assume_multiple %add3A_517, 8 : i32
    %slice3A_519 = vector.extract_strided_slice %and3A_294 {offsets = [13], sizes = [1], strides = [1]} : vector<16xi32> to vector<1xi32>
    %squeeze3A_520 = vector.extract %slice3A_519[0] : i32 from vector<1xi32>
    %multiple_of3A_521 = tpu.assume_multiple %squeeze3A_520, 128 : i32
    %dma_start3A_522 = arith.constant 29 : i32
    %dma_start3A_523 = arith.constant 0 : i32
    %dma_start3A_524 = arith.constant 0 : i32
    %dma_start3A_525 = tpu.memref_slice %arg8[%dma_start3A_522, %dma_start3A_523, %dma_start3A_524] : memref<32x8x128xf32, #tpu.memory_space<vmem>> -> memref<1x8x128xf32, #tpu.memory_space<vmem>>
    %dma_start3A_526 = tpu.memref_squeeze %dma_start3A_525 : memref<1x8x128xf32, #tpu.memory_space<vmem>> -> memref<8x128xf32, #tpu.memory_space<vmem>>
    %dma_start3A_527 = tpu.memref_slice %arg2[%multiple_of3A_518, %multiple_of3A_521] : memref<1024x32000xf32, #tpu.memory_space<hbm>> -> memref<8x128xf32, #tpu.memory_space<hbm>>
    %dma_start3A_528 = arith.constant 0 : i32
    %dma_start3A_529 = arith.constant 0 : i32
    %dma_start3A_530 = tpu.memref_slice %arg8[%dma_start3A_522, %dma_start3A_528, %dma_start3A_529] : memref<32x8x128xf32, #tpu.memory_space<vmem>> -> memref<1x8x128xf32, #tpu.memory_space<vmem>>
    %dma_start3A_531 = tpu.memref_squeeze %dma_start3A_530 : memref<1x8x128xf32, #tpu.memory_space<vmem>> -> memref<8x128xf32, #tpu.memory_space<vmem>>
    %dma_start3A_532 = tpu.memref_slice %arg2[%multiple_of3A_518, %multiple_of3A_521] : memref<1024x32000xf32, #tpu.memory_space<hbm>> -> memref<8x128xf32, #tpu.memory_space<hbm>>
    tpu.enqueue_dma source(%dma_start3A_532 : memref<8x128xf32, #tpu.memory_space<hbm>>) target(%dma_start3A_531 : memref<8x128xf32, #tpu.memory_space<vmem>>) target_semaphore(%arg12 : memref<!tpu.dma_semaphore, #tpu.memory_space<semaphore_mem>>)
    %add3A_533 = arith.constant 24 : i32
    %add3A_534 = arith.addi %mul3A_2, %add3A_533 : i32
    %multiple_of3A_535 = tpu.assume_multiple %add3A_534, 8 : i32
    %slice3A_536 = vector.extract_strided_slice %and3A_294 {offsets = [14], sizes = [1], strides = [1]} : vector<16xi32> to vector<1xi32>
    %squeeze3A_537 = vector.extract %slice3A_536[0] : i32 from vector<1xi32>
    %multiple_of3A_538 = tpu.assume_multiple %squeeze3A_537, 128 : i32
    %dma_start3A_539 = arith.constant 30 : i32
    %dma_start3A_540 = arith.constant 0 : i32
    %dma_start3A_541 = arith.constant 0 : i32
    %dma_start3A_542 = tpu.memref_slice %arg8[%dma_start3A_539, %dma_start3A_540, %dma_start3A_541] : memref<32x8x128xf32, #tpu.memory_space<vmem>> -> memref<1x8x128xf32, #tpu.memory_space<vmem>>
    %dma_start3A_543 = tpu.memref_squeeze %dma_start3A_542 : memref<1x8x128xf32, #tpu.memory_space<vmem>> -> memref<8x128xf32, #tpu.memory_space<vmem>>
    %dma_start3A_544 = tpu.memref_slice %arg2[%multiple_of3A_535, %multiple_of3A_538] : memref<1024x32000xf32, #tpu.memory_space<hbm>> -> memref<8x128xf32, #tpu.memory_space<hbm>>
    %dma_start3A_545 = arith.constant 0 : i32
    %dma_start3A_546 = arith.constant 0 : i32
    %dma_start3A_547 = tpu.memref_slice %arg8[%dma_start3A_539, %dma_start3A_545, %dma_start3A_546] : memref<32x8x128xf32, #tpu.memory_space<vmem>> -> memref<1x8x128xf32, #tpu.memory_space<vmem>>
    %dma_start3A_548 = tpu.memref_squeeze %dma_start3A_547 : memref<1x8x128xf32, #tpu.memory_space<vmem>> -> memref<8x128xf32, #tpu.memory_space<vmem>>
    %dma_start3A_549 = tpu.memref_slice %arg2[%multiple_of3A_535, %multiple_of3A_538] : memref<1024x32000xf32, #tpu.memory_space<hbm>> -> memref<8x128xf32, #tpu.memory_space<hbm>>
    tpu.enqueue_dma source(%dma_start3A_549 : memref<8x128xf32, #tpu.memory_space<hbm>>) target(%dma_start3A_548 : memref<8x128xf32, #tpu.memory_space<vmem>>) target_semaphore(%arg12 : memref<!tpu.dma_semaphore, #tpu.memory_space<semaphore_mem>>)
    %add3A_550 = arith.constant 24 : i32
    %add3A_551 = arith.addi %mul3A_2, %add3A_550 : i32
    %multiple_of3A_552 = tpu.assume_multiple %add3A_551, 8 : i32
    %slice3A_553 = vector.extract_strided_slice %and3A_294 {offsets = [15], sizes = [1], strides = [1]} : vector<16xi32> to vector<1xi32>
    %squeeze3A_554 = vector.extract %slice3A_553[0] : i32 from vector<1xi32>
    %multiple_of3A_555 = tpu.assume_multiple %squeeze3A_554, 128 : i32
    %dma_start3A_556 = arith.constant 31 : i32
    %dma_start3A_557 = arith.constant 0 : i32
    %dma_start3A_558 = arith.constant 0 : i32
    %dma_start3A_559 = tpu.memref_slice %arg8[%dma_start3A_556, %dma_start3A_557, %dma_start3A_558] : memref<32x8x128xf32, #tpu.memory_space<vmem>> -> memref<1x8x128xf32, #tpu.memory_space<vmem>>
    %dma_start3A_560 = tpu.memref_squeeze %dma_start3A_559 : memref<1x8x128xf32, #tpu.memory_space<vmem>> -> memref<8x128xf32, #tpu.memory_space<vmem>>
    %dma_start3A_561 = tpu.memref_slice %arg2[%multiple_of3A_552, %multiple_of3A_555] : memref<1024x32000xf32, #tpu.memory_space<hbm>> -> memref<8x128xf32, #tpu.memory_space<hbm>>
    %dma_start3A_562 = arith.constant 0 : i32
    %dma_start3A_563 = arith.constant 0 : i32
    %dma_start3A_564 = tpu.memref_slice %arg8[%dma_start3A_556, %dma_start3A_562, %dma_start3A_563] : memref<32x8x128xf32, #tpu.memory_space<vmem>> -> memref<1x8x128xf32, #tpu.memory_space<vmem>>
    %dma_start3A_565 = tpu.memref_squeeze %dma_start3A_564 : memref<1x8x128xf32, #tpu.memory_space<vmem>> -> memref<8x128xf32, #tpu.memory_space<vmem>>
    %dma_start3A_566 = tpu.memref_slice %arg2[%multiple_of3A_552, %multiple_of3A_555] : memref<1024x32000xf32, #tpu.memory_space<hbm>> -> memref<8x128xf32, #tpu.memory_space<hbm>>
    tpu.enqueue_dma source(%dma_start3A_566 : memref<8x128xf32, #tpu.memory_space<hbm>>) target(%dma_start3A_565 : memref<8x128xf32, #tpu.memory_space<vmem>>) target_semaphore(%arg12 : memref<!tpu.dma_semaphore, #tpu.memory_space<semaphore_mem>>)
    %dma_wait3A_567 = arith.constant 0 : i32
    %dma_wait3A_568 = arith.constant 0 : i32
    %dma_wait3A_569 = arith.constant 0 : i32
    %dma_wait3A_570 = tpu.memref_slice %arg8[%dma_wait3A_567, %dma_wait3A_568, %dma_wait3A_569] : memref<32x8x128xf32, #tpu.memory_space<vmem>> -> memref<1x8x128xf32, #tpu.memory_space<vmem>>
    %dma_wait3A_571 = tpu.memref_squeeze %dma_wait3A_570 : memref<1x8x128xf32, #tpu.memory_space<vmem>> -> memref<8x128xf32, #tpu.memory_space<vmem>>
    %dma_wait3A_572 = tpu.memref_slice %arg2[%multiple_of3A_21, %multiple_of3A_22] : memref<1024x32000xf32, #tpu.memory_space<hbm>> -> memref<8x128xf32, #tpu.memory_space<hbm>>
    %dma_wait3A_573 = arith.constant 0 : i32
    %dma_wait3A_574 = arith.constant 0 : i32
    %dma_wait3A_575 = tpu.memref_slice %arg8[%dma_wait3A_567, %dma_wait3A_573, %dma_wait3A_574] : memref<32x8x128xf32, #tpu.memory_space<vmem>> -> memref<1x8x128xf32, #tpu.memory_space<vmem>>
    %dma_wait3A_576 = tpu.memref_squeeze %dma_wait3A_575 : memref<1x8x128xf32, #tpu.memory_space<vmem>> -> memref<8x128xf32, #tpu.memory_space<vmem>>
    %dma_wait3A_577 = tpu.memref_slice %arg2[%multiple_of3A_21, %multiple_of3A_22] : memref<1024x32000xf32, #tpu.memory_space<hbm>> -> memref<8x128xf32, #tpu.memory_space<hbm>>
    tpu.wait_dma2 semaphore(%arg12 : memref<!tpu.dma_semaphore, #tpu.memory_space<semaphore_mem>>) src(%dma_wait3A_577 : memref<8x128xf32, #tpu.memory_space<hbm>>) dst(%dma_wait3A_576 : memref<8x128xf32, #tpu.memory_space<vmem>>)
    %dma_wait3A_578 = arith.constant 1 : i32
    %dma_wait3A_579 = arith.constant 0 : i32
    %dma_wait3A_580 = arith.constant 0 : i32
    %dma_wait3A_581 = tpu.memref_slice %arg8[%dma_wait3A_578, %dma_wait3A_579, %dma_wait3A_580] : memref<32x8x128xf32, #tpu.memory_space<vmem>> -> memref<1x8x128xf32, #tpu.memory_space<vmem>>
    %dma_wait3A_582 = tpu.memref_squeeze %dma_wait3A_581 : memref<1x8x128xf32, #tpu.memory_space<vmem>> -> memref<8x128xf32, #tpu.memory_space<vmem>>
    %dma_wait3A_583 = tpu.memref_slice %arg2[%multiple_of3A_36, %multiple_of3A_39] : memref<1024x32000xf32, #tpu.memory_space<hbm>> -> memref<8x128xf32, #tpu.memory_space<hbm>>
    %dma_wait3A_584 = arith.constant 0 : i32
    %dma_wait3A_585 = arith.constant 0 : i32
    %dma_wait3A_586 = tpu.memref_slice %arg8[%dma_wait3A_578, %dma_wait3A_584, %dma_wait3A_585] : memref<32x8x128xf32, #tpu.memory_space<vmem>> -> memref<1x8x128xf32, #tpu.memory_space<vmem>>
    %dma_wait3A_587 = tpu.memref_squeeze %dma_wait3A_586 : memref<1x8x128xf32, #tpu.memory_space<vmem>> -> memref<8x128xf32, #tpu.memory_space<vmem>>
    %dma_wait3A_588 = tpu.memref_slice %arg2[%multiple_of3A_36, %multiple_of3A_39] : memref<1024x32000xf32, #tpu.memory_space<hbm>> -> memref<8x128xf32, #tpu.memory_space<hbm>>
    tpu.wait_dma2 semaphore(%arg12 : memref<!tpu.dma_semaphore, #tpu.memory_space<semaphore_mem>>) src(%dma_wait3A_588 : memref<8x128xf32, #tpu.memory_space<hbm>>) dst(%dma_wait3A_587 : memref<8x128xf32, #tpu.memory_space<vmem>>)
    %dma_wait3A_589 = arith.constant 2 : i32
    %dma_wait3A_590 = arith.constant 0 : i32
    %dma_wait3A_591 = arith.constant 0 : i32
    %dma_wait3A_592 = tpu.memref_slice %arg8[%dma_wait3A_589, %dma_wait3A_590, %dma_wait3A_591] : memref<32x8x128xf32, #tpu.memory_space<vmem>> -> memref<1x8x128xf32, #tpu.memory_space<vmem>>
    %dma_wait3A_593 = tpu.memref_squeeze %dma_wait3A_592 : memref<1x8x128xf32, #tpu.memory_space<vmem>> -> memref<8x128xf32, #tpu.memory_space<vmem>>
    %dma_wait3A_594 = tpu.memref_slice %arg2[%multiple_of3A_53, %multiple_of3A_56] : memref<1024x32000xf32, #tpu.memory_space<hbm>> -> memref<8x128xf32, #tpu.memory_space<hbm>>
    %dma_wait3A_595 = arith.constant 0 : i32
    %dma_wait3A_596 = arith.constant 0 : i32
    %dma_wait3A_597 = tpu.memref_slice %arg8[%dma_wait3A_589, %dma_wait3A_595, %dma_wait3A_596] : memref<32x8x128xf32, #tpu.memory_space<vmem>> -> memref<1x8x128xf32, #tpu.memory_space<vmem>>
    %dma_wait3A_598 = tpu.memref_squeeze %dma_wait3A_597 : memref<1x8x128xf32, #tpu.memory_space<vmem>> -> memref<8x128xf32, #tpu.memory_space<vmem>>
    %dma_wait3A_599 = tpu.memref_slice %arg2[%multiple_of3A_53, %multiple_of3A_56] : memref<1024x32000xf32, #tpu.memory_space<hbm>> -> memref<8x128xf32, #tpu.memory_space<hbm>>
    tpu.wait_dma2 semaphore(%arg12 : memref<!tpu.dma_semaphore, #tpu.memory_space<semaphore_mem>>) src(%dma_wait3A_599 : memref<8x128xf32, #tpu.memory_space<hbm>>) dst(%dma_wait3A_598 : memref<8x128xf32, #tpu.memory_space<vmem>>)
    %dma_wait3A_600 = arith.constant 3 : i32
    %dma_wait3A_601 = arith.constant 0 : i32
    %dma_wait3A_602 = arith.constant 0 : i32
    %dma_wait3A_603 = tpu.memref_slice %arg8[%dma_wait3A_600, %dma_wait3A_601, %dma_wait3A_602] : memref<32x8x128xf32, #tpu.memory_space<vmem>> -> memref<1x8x128xf32, #tpu.memory_space<vmem>>
    %dma_wait3A_604 = tpu.memref_squeeze %dma_wait3A_603 : memref<1x8x128xf32, #tpu.memory_space<vmem>> -> memref<8x128xf32, #tpu.memory_space<vmem>>
    %dma_wait3A_605 = tpu.memref_slice %arg2[%multiple_of3A_70, %multiple_of3A_73] : memref<1024x32000xf32, #tpu.memory_space<hbm>> -> memref<8x128xf32, #tpu.memory_space<hbm>>
    %dma_wait3A_606 = arith.constant 0 : i32
    %dma_wait3A_607 = arith.constant 0 : i32
    %dma_wait3A_608 = tpu.memref_slice %arg8[%dma_wait3A_600, %dma_wait3A_606, %dma_wait3A_607] : memref<32x8x128xf32, #tpu.memory_space<vmem>> -> memref<1x8x128xf32, #tpu.memory_space<vmem>>
    %dma_wait3A_609 = tpu.memref_squeeze %dma_wait3A_608 : memref<1x8x128xf32, #tpu.memory_space<vmem>> -> memref<8x128xf32, #tpu.memory_space<vmem>>
    %dma_wait3A_610 = tpu.memref_slice %arg2[%multiple_of3A_70, %multiple_of3A_73] : memref<1024x32000xf32, #tpu.memory_space<hbm>> -> memref<8x128xf32, #tpu.memory_space<hbm>>
    tpu.wait_dma2 semaphore(%arg12 : memref<!tpu.dma_semaphore, #tpu.memory_space<semaphore_mem>>) src(%dma_wait3A_610 : memref<8x128xf32, #tpu.memory_space<hbm>>) dst(%dma_wait3A_609 : memref<8x128xf32, #tpu.memory_space<vmem>>)
    %dma_wait3A_611 = arith.constant 4 : i32
    %dma_wait3A_612 = arith.constant 0 : i32
    %dma_wait3A_613 = arith.constant 0 : i32
    %dma_wait3A_614 = tpu.memref_slice %arg8[%dma_wait3A_611, %dma_wait3A_612, %dma_wait3A_613] : memref<32x8x128xf32, #tpu.memory_space<vmem>> -> memref<1x8x128xf32, #tpu.memory_space<vmem>>
    %dma_wait3A_615 = tpu.memref_squeeze %dma_wait3A_614 : memref<1x8x128xf32, #tpu.memory_space<vmem>> -> memref<8x128xf32, #tpu.memory_space<vmem>>
    %dma_wait3A_616 = tpu.memref_slice %arg2[%multiple_of3A_87, %multiple_of3A_90] : memref<1024x32000xf32, #tpu.memory_space<hbm>> -> memref<8x128xf32, #tpu.memory_space<hbm>>
    %dma_wait3A_617 = arith.constant 0 : i32
    %dma_wait3A_618 = arith.constant 0 : i32
    %dma_wait3A_619 = tpu.memref_slice %arg8[%dma_wait3A_611, %dma_wait3A_617, %dma_wait3A_618] : memref<32x8x128xf32, #tpu.memory_space<vmem>> -> memref<1x8x128xf32, #tpu.memory_space<vmem>>
    %dma_wait3A_620 = tpu.memref_squeeze %dma_wait3A_619 : memref<1x8x128xf32, #tpu.memory_space<vmem>> -> memref<8x128xf32, #tpu.memory_space<vmem>>
    %dma_wait3A_621 = tpu.memref_slice %arg2[%multiple_of3A_87, %multiple_of3A_90] : memref<1024x32000xf32, #tpu.memory_space<hbm>> -> memref<8x128xf32, #tpu.memory_space<hbm>>
    tpu.wait_dma2 semaphore(%arg12 : memref<!tpu.dma_semaphore, #tpu.memory_space<semaphore_mem>>) src(%dma_wait3A_621 : memref<8x128xf32, #tpu.memory_space<hbm>>) dst(%dma_wait3A_620 : memref<8x128xf32, #tpu.memory_space<vmem>>)
    %dma_wait3A_622 = arith.constant 5 : i32
    %dma_wait3A_623 = arith.constant 0 : i32
    %dma_wait3A_624 = arith.constant 0 : i32
    %dma_wait3A_625 = tpu.memref_slice %arg8[%dma_wait3A_622, %dma_wait3A_623, %dma_wait3A_624] : memref<32x8x128xf32, #tpu.memory_space<vmem>> -> memref<1x8x128xf32, #tpu.memory_space<vmem>>
    %dma_wait3A_626 = tpu.memref_squeeze %dma_wait3A_625 : memref<1x8x128xf32, #tpu.memory_space<vmem>> -> memref<8x128xf32, #tpu.memory_space<vmem>>
    %dma_wait3A_627 = tpu.memref_slice %arg2[%multiple_of3A_104, %multiple_of3A_107] : memref<1024x32000xf32, #tpu.memory_space<hbm>> -> memref<8x128xf32, #tpu.memory_space<hbm>>
    %dma_wait3A_628 = arith.constant 0 : i32
    %dma_wait3A_629 = arith.constant 0 : i32
    %dma_wait3A_630 = tpu.memref_slice %arg8[%dma_wait3A_622, %dma_wait3A_628, %dma_wait3A_629] : memref<32x8x128xf32, #tpu.memory_space<vmem>> -> memref<1x8x128xf32, #tpu.memory_space<vmem>>
    %dma_wait3A_631 = tpu.memref_squeeze %dma_wait3A_630 : memref<1x8x128xf32, #tpu.memory_space<vmem>> -> memref<8x128xf32, #tpu.memory_space<vmem>>
    %dma_wait3A_632 = tpu.memref_slice %arg2[%multiple_of3A_104, %multiple_of3A_107] : memref<1024x32000xf32, #tpu.memory_space<hbm>> -> memref<8x128xf32, #tpu.memory_space<hbm>>
    tpu.wait_dma2 semaphore(%arg12 : memref<!tpu.dma_semaphore, #tpu.memory_space<semaphore_mem>>) src(%dma_wait3A_632 : memref<8x128xf32, #tpu.memory_space<hbm>>) dst(%dma_wait3A_631 : memref<8x128xf32, #tpu.memory_space<vmem>>)
    %dma_wait3A_633 = arith.constant 6 : i32
    %dma_wait3A_634 = arith.constant 0 : i32
    %dma_wait3A_635 = arith.constant 0 : i32
    %dma_wait3A_636 = tpu.memref_slice %arg8[%dma_wait3A_633, %dma_wait3A_634, %dma_wait3A_635] : memref<32x8x128xf32, #tpu.memory_space<vmem>> -> memref<1x8x128xf32, #tpu.memory_space<vmem>>
    %dma_wait3A_637 = tpu.memref_squeeze %dma_wait3A_636 : memref<1x8x128xf32, #tpu.memory_space<vmem>> -> memref<8x128xf32, #tpu.memory_space<vmem>>
    %dma_wait3A_638 = tpu.memref_slice %arg2[%multiple_of3A_121, %multiple_of3A_124] : memref<1024x32000xf32, #tpu.memory_space<hbm>> -> memref<8x128xf32, #tpu.memory_space<hbm>>
    %dma_wait3A_639 = arith.constant 0 : i32
    %dma_wait3A_640 = arith.constant 0 : i32
    %dma_wait3A_641 = tpu.memref_slice %arg8[%dma_wait3A_633, %dma_wait3A_639, %dma_wait3A_640] : memref<32x8x128xf32, #tpu.memory_space<vmem>> -> memref<1x8x128xf32, #tpu.memory_space<vmem>>
    %dma_wait3A_642 = tpu.memref_squeeze %dma_wait3A_641 : memref<1x8x128xf32, #tpu.memory_space<vmem>> -> memref<8x128xf32, #tpu.memory_space<vmem>>
    %dma_wait3A_643 = tpu.memref_slice %arg2[%multiple_of3A_121, %multiple_of3A_124] : memref<1024x32000xf32, #tpu.memory_space<hbm>> -> memref<8x128xf32, #tpu.memory_space<hbm>>
    tpu.wait_dma2 semaphore(%arg12 : memref<!tpu.dma_semaphore, #tpu.memory_space<semaphore_mem>>) src(%dma_wait3A_643 : memref<8x128xf32, #tpu.memory_space<hbm>>) dst(%dma_wait3A_642 : memref<8x128xf32, #tpu.memory_space<vmem>>)
    %dma_wait3A_644 = arith.constant 7 : i32
    %dma_wait3A_645 = arith.constant 0 : i32
    %dma_wait3A_646 = arith.constant 0 : i32
    %dma_wait3A_647 = tpu.memref_slice %arg8[%dma_wait3A_644, %dma_wait3A_645, %dma_wait3A_646] : memref<32x8x128xf32, #tpu.memory_space<vmem>> -> memref<1x8x128xf32, #tpu.memory_space<vmem>>
    %dma_wait3A_648 = tpu.memref_squeeze %dma_wait3A_647 : memref<1x8x128xf32, #tpu.memory_space<vmem>> -> memref<8x128xf32, #tpu.memory_space<vmem>>
    %dma_wait3A_649 = tpu.memref_slice %arg2[%multiple_of3A_138, %multiple_of3A_141] : memref<1024x32000xf32, #tpu.memory_space<hbm>> -> memref<8x128xf32, #tpu.memory_space<hbm>>
    %dma_wait3A_650 = arith.constant 0 : i32
    %dma_wait3A_651 = arith.constant 0 : i32
    %dma_wait3A_652 = tpu.memref_slice %arg8[%dma_wait3A_644, %dma_wait3A_650, %dma_wait3A_651] : memref<32x8x128xf32, #tpu.memory_space<vmem>> -> memref<1x8x128xf32, #tpu.memory_space<vmem>>
    %dma_wait3A_653 = tpu.memref_squeeze %dma_wait3A_652 : memref<1x8x128xf32, #tpu.memory_space<vmem>> -> memref<8x128xf32, #tpu.memory_space<vmem>>
    %dma_wait3A_654 = tpu.memref_slice %arg2[%multiple_of3A_138, %multiple_of3A_141] : memref<1024x32000xf32, #tpu.memory_space<hbm>> -> memref<8x128xf32, #tpu.memory_space<hbm>>
    tpu.wait_dma2 semaphore(%arg12 : memref<!tpu.dma_semaphore, #tpu.memory_space<semaphore_mem>>) src(%dma_wait3A_654 : memref<8x128xf32, #tpu.memory_space<hbm>>) dst(%dma_wait3A_653 : memref<8x128xf32, #tpu.memory_space<vmem>>)
    %dma_wait3A_655 = arith.constant 8 : i32
    %dma_wait3A_656 = arith.constant 0 : i32
    %dma_wait3A_657 = arith.constant 0 : i32
    %dma_wait3A_658 = tpu.memref_slice %arg8[%dma_wait3A_655, %dma_wait3A_656, %dma_wait3A_657] : memref<32x8x128xf32, #tpu.memory_space<vmem>> -> memref<1x8x128xf32, #tpu.memory_space<vmem>>
    %dma_wait3A_659 = tpu.memref_squeeze %dma_wait3A_658 : memref<1x8x128xf32, #tpu.memory_space<vmem>> -> memref<8x128xf32, #tpu.memory_space<vmem>>
    %dma_wait3A_660 = tpu.memref_slice %arg2[%multiple_of3A_155, %multiple_of3A_158] : memref<1024x32000xf32, #tpu.memory_space<hbm>> -> memref<8x128xf32, #tpu.memory_space<hbm>>
    %dma_wait3A_661 = arith.constant 0 : i32
    %dma_wait3A_662 = arith.constant 0 : i32
    %dma_wait3A_663 = tpu.memref_slice %arg8[%dma_wait3A_655, %dma_wait3A_661, %dma_wait3A_662] : memref<32x8x128xf32, #tpu.memory_space<vmem>> -> memref<1x8x128xf32, #tpu.memory_space<vmem>>
    %dma_wait3A_664 = tpu.memref_squeeze %dma_wait3A_663 : memref<1x8x128xf32, #tpu.memory_space<vmem>> -> memref<8x128xf32, #tpu.memory_space<vmem>>
    %dma_wait3A_665 = tpu.memref_slice %arg2[%multiple_of3A_155, %multiple_of3A_158] : memref<1024x32000xf32, #tpu.memory_space<hbm>> -> memref<8x128xf32, #tpu.memory_space<hbm>>
    tpu.wait_dma2 semaphore(%arg12 : memref<!tpu.dma_semaphore, #tpu.memory_space<semaphore_mem>>) src(%dma_wait3A_665 : memref<8x128xf32, #tpu.memory_space<hbm>>) dst(%dma_wait3A_664 : memref<8x128xf32, #tpu.memory_space<vmem>>)
    %dma_wait3A_666 = arith.constant 9 : i32
    %dma_wait3A_667 = arith.constant 0 : i32
    %dma_wait3A_668 = arith.constant 0 : i32
    %dma_wait3A_669 = tpu.memref_slice %arg8[%dma_wait3A_666, %dma_wait3A_667, %dma_wait3A_668] : memref<32x8x128xf32, #tpu.memory_space<vmem>> -> memref<1x8x128xf32, #tpu.memory_space<vmem>>
    %dma_wait3A_670 = tpu.memref_squeeze %dma_wait3A_669 : memref<1x8x128xf32, #tpu.memory_space<vmem>> -> memref<8x128xf32, #tpu.memory_space<vmem>>
    %dma_wait3A_671 = tpu.memref_slice %arg2[%multiple_of3A_172, %multiple_of3A_175] : memref<1024x32000xf32, #tpu.memory_space<hbm>> -> memref<8x128xf32, #tpu.memory_space<hbm>>
    %dma_wait3A_672 = arith.constant 0 : i32
    %dma_wait3A_673 = arith.constant 0 : i32
    %dma_wait3A_674 = tpu.memref_slice %arg8[%dma_wait3A_666, %dma_wait3A_672, %dma_wait3A_673] : memref<32x8x128xf32, #tpu.memory_space<vmem>> -> memref<1x8x128xf32, #tpu.memory_space<vmem>>
    %dma_wait3A_675 = tpu.memref_squeeze %dma_wait3A_674 : memref<1x8x128xf32, #tpu.memory_space<vmem>> -> memref<8x128xf32, #tpu.memory_space<vmem>>
    %dma_wait3A_676 = tpu.memref_slice %arg2[%multiple_of3A_172, %multiple_of3A_175] : memref<1024x32000xf32, #tpu.memory_space<hbm>> -> memref<8x128xf32, #tpu.memory_space<hbm>>
    tpu.wait_dma2 semaphore(%arg12 : memref<!tpu.dma_semaphore, #tpu.memory_space<semaphore_mem>>) src(%dma_wait3A_676 : memref<8x128xf32, #tpu.memory_space<hbm>>) dst(%dma_wait3A_675 : memref<8x128xf32, #tpu.memory_space<vmem>>)
    %dma_wait3A_677 = arith.constant 10 : i32
    %dma_wait3A_678 = arith.constant 0 : i32
    %dma_wait3A_679 = arith.constant 0 : i32
    %dma_wait3A_680 = tpu.memref_slice %arg8[%dma_wait3A_677, %dma_wait3A_678, %dma_wait3A_679] : memref<32x8x128xf32, #tpu.memory_space<vmem>> -> memref<1x8x128xf32, #tpu.memory_space<vmem>>
    %dma_wait3A_681 = tpu.memref_squeeze %dma_wait3A_680 : memref<1x8x128xf32, #tpu.memory_space<vmem>> -> memref<8x128xf32, #tpu.memory_space<vmem>>
    %dma_wait3A_682 = tpu.memref_slice %arg2[%multiple_of3A_189, %multiple_of3A_192] : memref<1024x32000xf32, #tpu.memory_space<hbm>> -> memref<8x128xf32, #tpu.memory_space<hbm>>
    %dma_wait3A_683 = arith.constant 0 : i32
    %dma_wait3A_684 = arith.constant 0 : i32
    %dma_wait3A_685 = tpu.memref_slice %arg8[%dma_wait3A_677, %dma_wait3A_683, %dma_wait3A_684] : memref<32x8x128xf32, #tpu.memory_space<vmem>> -> memref<1x8x128xf32, #tpu.memory_space<vmem>>
    %dma_wait3A_686 = tpu.memref_squeeze %dma_wait3A_685 : memref<1x8x128xf32, #tpu.memory_space<vmem>> -> memref<8x128xf32, #tpu.memory_space<vmem>>
    %dma_wait3A_687 = tpu.memref_slice %arg2[%multiple_of3A_189, %multiple_of3A_192] : memref<1024x32000xf32, #tpu.memory_space<hbm>> -> memref<8x128xf32, #tpu.memory_space<hbm>>
    tpu.wait_dma2 semaphore(%arg12 : memref<!tpu.dma_semaphore, #tpu.memory_space<semaphore_mem>>) src(%dma_wait3A_687 : memref<8x128xf32, #tpu.memory_space<hbm>>) dst(%dma_wait3A_686 : memref<8x128xf32, #tpu.memory_space<vmem>>)
    %dma_wait3A_688 = arith.constant 11 : i32
    %dma_wait3A_689 = arith.constant 0 : i32
    %dma_wait3A_690 = arith.constant 0 : i32
    %dma_wait3A_691 = tpu.memref_slice %arg8[%dma_wait3A_688, %dma_wait3A_689, %dma_wait3A_690] : memref<32x8x128xf32, #tpu.memory_space<vmem>> -> memref<1x8x128xf32, #tpu.memory_space<vmem>>
    %dma_wait3A_692 = tpu.memref_squeeze %dma_wait3A_691 : memref<1x8x128xf32, #tpu.memory_space<vmem>> -> memref<8x128xf32, #tpu.memory_space<vmem>>
    %dma_wait3A_693 = tpu.memref_slice %arg2[%multiple_of3A_206, %multiple_of3A_209] : memref<1024x32000xf32, #tpu.memory_space<hbm>> -> memref<8x128xf32, #tpu.memory_space<hbm>>
    %dma_wait3A_694 = arith.constant 0 : i32
    %dma_wait3A_695 = arith.constant 0 : i32
    %dma_wait3A_696 = tpu.memref_slice %arg8[%dma_wait3A_688, %dma_wait3A_694, %dma_wait3A_695] : memref<32x8x128xf32, #tpu.memory_space<vmem>> -> memref<1x8x128xf32, #tpu.memory_space<vmem>>
    %dma_wait3A_697 = tpu.memref_squeeze %dma_wait3A_696 : memref<1x8x128xf32, #tpu.memory_space<vmem>> -> memref<8x128xf32, #tpu.memory_space<vmem>>
    %dma_wait3A_698 = tpu.memref_slice %arg2[%multiple_of3A_206, %multiple_of3A_209] : memref<1024x32000xf32, #tpu.memory_space<hbm>> -> memref<8x128xf32, #tpu.memory_space<hbm>>
    tpu.wait_dma2 semaphore(%arg12 : memref<!tpu.dma_semaphore, #tpu.memory_space<semaphore_mem>>) src(%dma_wait3A_698 : memref<8x128xf32, #tpu.memory_space<hbm>>) dst(%dma_wait3A_697 : memref<8x128xf32, #tpu.memory_space<vmem>>)
    %dma_wait3A_699 = arith.constant 12 : i32
    %dma_wait3A_700 = arith.constant 0 : i32
    %dma_wait3A_701 = arith.constant 0 : i32
    %dma_wait3A_702 = tpu.memref_slice %arg8[%dma_wait3A_699, %dma_wait3A_700, %dma_wait3A_701] : memref<32x8x128xf32, #tpu.memory_space<vmem>> -> memref<1x8x128xf32, #tpu.memory_space<vmem>>
    %dma_wait3A_703 = tpu.memref_squeeze %dma_wait3A_702 : memref<1x8x128xf32, #tpu.memory_space<vmem>> -> memref<8x128xf32, #tpu.memory_space<vmem>>
    %dma_wait3A_704 = tpu.memref_slice %arg2[%multiple_of3A_223, %multiple_of3A_226] : memref<1024x32000xf32, #tpu.memory_space<hbm>> -> memref<8x128xf32, #tpu.memory_space<hbm>>
    %dma_wait3A_705 = arith.constant 0 : i32
    %dma_wait3A_706 = arith.constant 0 : i32
    %dma_wait3A_707 = tpu.memref_slice %arg8[%dma_wait3A_699, %dma_wait3A_705, %dma_wait3A_706] : memref<32x8x128xf32, #tpu.memory_space<vmem>> -> memref<1x8x128xf32, #tpu.memory_space<vmem>>
    %dma_wait3A_708 = tpu.memref_squeeze %dma_wait3A_707 : memref<1x8x128xf32, #tpu.memory_space<vmem>> -> memref<8x128xf32, #tpu.memory_space<vmem>>
    %dma_wait3A_709 = tpu.memref_slice %arg2[%multiple_of3A_223, %multiple_of3A_226] : memref<1024x32000xf32, #tpu.memory_space<hbm>> -> memref<8x128xf32, #tpu.memory_space<hbm>>
    tpu.wait_dma2 semaphore(%arg12 : memref<!tpu.dma_semaphore, #tpu.memory_space<semaphore_mem>>) src(%dma_wait3A_709 : memref<8x128xf32, #tpu.memory_space<hbm>>) dst(%dma_wait3A_708 : memref<8x128xf32, #tpu.memory_space<vmem>>)
    %dma_wait3A_710 = arith.constant 13 : i32
    %dma_wait3A_711 = arith.constant 0 : i32
    %dma_wait3A_712 = arith.constant 0 : i32
    %dma_wait3A_713 = tpu.memref_slice %arg8[%dma_wait3A_710, %dma_wait3A_711, %dma_wait3A_712] : memref<32x8x128xf32, #tpu.memory_space<vmem>> -> memref<1x8x128xf32, #tpu.memory_space<vmem>>
    %dma_wait3A_714 = tpu.memref_squeeze %dma_wait3A_713 : memref<1x8x128xf32, #tpu.memory_space<vmem>> -> memref<8x128xf32, #tpu.memory_space<vmem>>
    %dma_wait3A_715 = tpu.memref_slice %arg2[%multiple_of3A_240, %multiple_of3A_243] : memref<1024x32000xf32, #tpu.memory_space<hbm>> -> memref<8x128xf32, #tpu.memory_space<hbm>>
    %dma_wait3A_716 = arith.constant 0 : i32
    %dma_wait3A_717 = arith.constant 0 : i32
    %dma_wait3A_718 = tpu.memref_slice %arg8[%dma_wait3A_710, %dma_wait3A_716, %dma_wait3A_717] : memref<32x8x128xf32, #tpu.memory_space<vmem>> -> memref<1x8x128xf32, #tpu.memory_space<vmem>>
    %dma_wait3A_719 = tpu.memref_squeeze %dma_wait3A_718 : memref<1x8x128xf32, #tpu.memory_space<vmem>> -> memref<8x128xf32, #tpu.memory_space<vmem>>
    %dma_wait3A_720 = tpu.memref_slice %arg2[%multiple_of3A_240, %multiple_of3A_243] : memref<1024x32000xf32, #tpu.memory_space<hbm>> -> memref<8x128xf32, #tpu.memory_space<hbm>>
    tpu.wait_dma2 semaphore(%arg12 : memref<!tpu.dma_semaphore, #tpu.memory_space<semaphore_mem>>) src(%dma_wait3A_720 : memref<8x128xf32, #tpu.memory_space<hbm>>) dst(%dma_wait3A_719 : memref<8x128xf32, #tpu.memory_space<vmem>>)
    %dma_wait3A_721 = arith.constant 14 : i32
    %dma_wait3A_722 = arith.constant 0 : i32
    %dma_wait3A_723 = arith.constant 0 : i32
    %dma_wait3A_724 = tpu.memref_slice %arg8[%dma_wait3A_721, %dma_wait3A_722, %dma_wait3A_723] : memref<32x8x128xf32, #tpu.memory_space<vmem>> -> memref<1x8x128xf32, #tpu.memory_space<vmem>>
    %dma_wait3A_725 = tpu.memref_squeeze %dma_wait3A_724 : memref<1x8x128xf32, #tpu.memory_space<vmem>> -> memref<8x128xf32, #tpu.memory_space<vmem>>
    %dma_wait3A_726 = tpu.memref_slice %arg2[%multiple_of3A_257, %multiple_of3A_260] : memref<1024x32000xf32, #tpu.memory_space<hbm>> -> memref<8x128xf32, #tpu.memory_space<hbm>>
    %dma_wait3A_727 = arith.constant 0 : i32
    %dma_wait3A_728 = arith.constant 0 : i32
    %dma_wait3A_729 = tpu.memref_slice %arg8[%dma_wait3A_721, %dma_wait3A_727, %dma_wait3A_728] : memref<32x8x128xf32, #tpu.memory_space<vmem>> -> memref<1x8x128xf32, #tpu.memory_space<vmem>>
    %dma_wait3A_730 = tpu.memref_squeeze %dma_wait3A_729 : memref<1x8x128xf32, #tpu.memory_space<vmem>> -> memref<8x128xf32, #tpu.memory_space<vmem>>
    %dma_wait3A_731 = tpu.memref_slice %arg2[%multiple_of3A_257, %multiple_of3A_260] : memref<1024x32000xf32, #tpu.memory_space<hbm>> -> memref<8x128xf32, #tpu.memory_space<hbm>>
    tpu.wait_dma2 semaphore(%arg12 : memref<!tpu.dma_semaphore, #tpu.memory_space<semaphore_mem>>) src(%dma_wait3A_731 : memref<8x128xf32, #tpu.memory_space<hbm>>) dst(%dma_wait3A_730 : memref<8x128xf32, #tpu.memory_space<vmem>>)
    %dma_wait3A_732 = arith.constant 15 : i32
    %dma_wait3A_733 = arith.constant 0 : i32
    %dma_wait3A_734 = arith.constant 0 : i32
    %dma_wait3A_735 = tpu.memref_slice %arg8[%dma_wait3A_732, %dma_wait3A_733, %dma_wait3A_734] : memref<32x8x128xf32, #tpu.memory_space<vmem>> -> memref<1x8x128xf32, #tpu.memory_space<vmem>>
    %dma_wait3A_736 = tpu.memref_squeeze %dma_wait3A_735 : memref<1x8x128xf32, #tpu.memory_space<vmem>> -> memref<8x128xf32, #tpu.memory_space<vmem>>
    %dma_wait3A_737 = tpu.memref_slice %arg2[%multiple_of3A_274, %multiple_of3A_277] : memref<1024x32000xf32, #tpu.memory_space<hbm>> -> memref<8x128xf32, #tpu.memory_space<hbm>>
    %dma_wait3A_738 = arith.constant 0 : i32
    %dma_wait3A_739 = arith.constant 0 : i32
    %dma_wait3A_740 = tpu.memref_slice %arg8[%dma_wait3A_732, %dma_wait3A_738, %dma_wait3A_739] : memref<32x8x128xf32, #tpu.memory_space<vmem>> -> memref<1x8x128xf32, #tpu.memory_space<vmem>>
    %dma_wait3A_741 = tpu.memref_squeeze %dma_wait3A_740 : memref<1x8x128xf32, #tpu.memory_space<vmem>> -> memref<8x128xf32, #tpu.memory_space<vmem>>
    %dma_wait3A_742 = tpu.memref_slice %arg2[%multiple_of3A_274, %multiple_of3A_277] : memref<1024x32000xf32, #tpu.memory_space<hbm>> -> memref<8x128xf32, #tpu.memory_space<hbm>>
    tpu.wait_dma2 semaphore(%arg12 : memref<!tpu.dma_semaphore, #tpu.memory_space<semaphore_mem>>) src(%dma_wait3A_742 : memref<8x128xf32, #tpu.memory_space<hbm>>) dst(%dma_wait3A_741 : memref<8x128xf32, #tpu.memory_space<vmem>>)
    %dma_wait3A_743 = arith.constant 16 : i32
    %dma_wait3A_744 = arith.constant 0 : i32
    %dma_wait3A_745 = arith.constant 0 : i32
    %dma_wait3A_746 = tpu.memref_slice %arg8[%dma_wait3A_743, %dma_wait3A_744, %dma_wait3A_745] : memref<32x8x128xf32, #tpu.memory_space<vmem>> -> memref<1x8x128xf32, #tpu.memory_space<vmem>>
    %dma_wait3A_747 = tpu.memref_squeeze %dma_wait3A_746 : memref<1x8x128xf32, #tpu.memory_space<vmem>> -> memref<8x128xf32, #tpu.memory_space<vmem>>
    %dma_wait3A_748 = tpu.memref_slice %arg2[%multiple_of3A_297, %multiple_of3A_300] : memref<1024x32000xf32, #tpu.memory_space<hbm>> -> memref<8x128xf32, #tpu.memory_space<hbm>>
    %dma_wait3A_749 = arith.constant 0 : i32
    %dma_wait3A_750 = arith.constant 0 : i32
    %dma_wait3A_751 = tpu.memref_slice %arg8[%dma_wait3A_743, %dma_wait3A_749, %dma_wait3A_750] : memref<32x8x128xf32, #tpu.memory_space<vmem>> -> memref<1x8x128xf32, #tpu.memory_space<vmem>>
    %dma_wait3A_752 = tpu.memref_squeeze %dma_wait3A_751 : memref<1x8x128xf32, #tpu.memory_space<vmem>> -> memref<8x128xf32, #tpu.memory_space<vmem>>
    %dma_wait3A_753 = tpu.memref_slice %arg2[%multiple_of3A_297, %multiple_of3A_300] : memref<1024x32000xf32, #tpu.memory_space<hbm>> -> memref<8x128xf32, #tpu.memory_space<hbm>>
    tpu.wait_dma2 semaphore(%arg12 : memref<!tpu.dma_semaphore, #tpu.memory_space<semaphore_mem>>) src(%dma_wait3A_753 : memref<8x128xf32, #tpu.memory_space<hbm>>) dst(%dma_wait3A_752 : memref<8x128xf32, #tpu.memory_space<vmem>>)
    %dma_wait3A_754 = arith.constant 17 : i32
    %dma_wait3A_755 = arith.constant 0 : i32
    %dma_wait3A_756 = arith.constant 0 : i32
    %dma_wait3A_757 = tpu.memref_slice %arg8[%dma_wait3A_754, %dma_wait3A_755, %dma_wait3A_756] : memref<32x8x128xf32, #tpu.memory_space<vmem>> -> memref<1x8x128xf32, #tpu.memory_space<vmem>>
    %dma_wait3A_758 = tpu.memref_squeeze %dma_wait3A_757 : memref<1x8x128xf32, #tpu.memory_space<vmem>> -> memref<8x128xf32, #tpu.memory_space<vmem>>
    %dma_wait3A_759 = tpu.memref_slice %arg2[%multiple_of3A_314, %multiple_of3A_317] : memref<1024x32000xf32, #tpu.memory_space<hbm>> -> memref<8x128xf32, #tpu.memory_space<hbm>>
    %dma_wait3A_760 = arith.constant 0 : i32
    %dma_wait3A_761 = arith.constant 0 : i32
    %dma_wait3A_762 = tpu.memref_slice %arg8[%dma_wait3A_754, %dma_wait3A_760, %dma_wait3A_761] : memref<32x8x128xf32, #tpu.memory_space<vmem>> -> memref<1x8x128xf32, #tpu.memory_space<vmem>>
    %dma_wait3A_763 = tpu.memref_squeeze %dma_wait3A_762 : memref<1x8x128xf32, #tpu.memory_space<vmem>> -> memref<8x128xf32, #tpu.memory_space<vmem>>
    %dma_wait3A_764 = tpu.memref_slice %arg2[%multiple_of3A_314, %multiple_of3A_317] : memref<1024x32000xf32, #tpu.memory_space<hbm>> -> memref<8x128xf32, #tpu.memory_space<hbm>>
    tpu.wait_dma2 semaphore(%arg12 : memref<!tpu.dma_semaphore, #tpu.memory_space<semaphore_mem>>) src(%dma_wait3A_764 : memref<8x128xf32, #tpu.memory_space<hbm>>) dst(%dma_wait3A_763 : memref<8x128xf32, #tpu.memory_space<vmem>>)
    %dma_wait3A_765 = arith.constant 18 : i32
    %dma_wait3A_766 = arith.constant 0 : i32
    %dma_wait3A_767 = arith.constant 0 : i32
    %dma_wait3A_768 = tpu.memref_slice %arg8[%dma_wait3A_765, %dma_wait3A_766, %dma_wait3A_767] : memref<32x8x128xf32, #tpu.memory_space<vmem>> -> memref<1x8x128xf32, #tpu.memory_space<vmem>>
    %dma_wait3A_769 = tpu.memref_squeeze %dma_wait3A_768 : memref<1x8x128xf32, #tpu.memory_space<vmem>> -> memref<8x128xf32, #tpu.memory_space<vmem>>
    %dma_wait3A_770 = tpu.memref_slice %arg2[%multiple_of3A_331, %multiple_of3A_334] : memref<1024x32000xf32, #tpu.memory_space<hbm>> -> memref<8x128xf32, #tpu.memory_space<hbm>>
    %dma_wait3A_771 = arith.constant 0 : i32
    %dma_wait3A_772 = arith.constant 0 : i32
    %dma_wait3A_773 = tpu.memref_slice %arg8[%dma_wait3A_765, %dma_wait3A_771, %dma_wait3A_772] : memref<32x8x128xf32, #tpu.memory_space<vmem>> -> memref<1x8x128xf32, #tpu.memory_space<vmem>>
    %dma_wait3A_774 = tpu.memref_squeeze %dma_wait3A_773 : memref<1x8x128xf32, #tpu.memory_space<vmem>> -> memref<8x128xf32, #tpu.memory_space<vmem>>
    %dma_wait3A_775 = tpu.memref_slice %arg2[%multiple_of3A_331, %multiple_of3A_334] : memref<1024x32000xf32, #tpu.memory_space<hbm>> -> memref<8x128xf32, #tpu.memory_space<hbm>>
    tpu.wait_dma2 semaphore(%arg12 : memref<!tpu.dma_semaphore, #tpu.memory_space<semaphore_mem>>) src(%dma_wait3A_775 : memref<8x128xf32, #tpu.memory_space<hbm>>) dst(%dma_wait3A_774 : memref<8x128xf32, #tpu.memory_space<vmem>>)
    %dma_wait3A_776 = arith.constant 19 : i32
    %dma_wait3A_777 = arith.constant 0 : i32
    %dma_wait3A_778 = arith.constant 0 : i32
    %dma_wait3A_779 = tpu.memref_slice %arg8[%dma_wait3A_776, %dma_wait3A_777, %dma_wait3A_778] : memref<32x8x128xf32, #tpu.memory_space<vmem>> -> memref<1x8x128xf32, #tpu.memory_space<vmem>>
    %dma_wait3A_780 = tpu.memref_squeeze %dma_wait3A_779 : memref<1x8x128xf32, #tpu.memory_space<vmem>> -> memref<8x128xf32, #tpu.memory_space<vmem>>
    %dma_wait3A_781 = tpu.memref_slice %arg2[%multiple_of3A_348, %multiple_of3A_351] : memref<1024x32000xf32, #tpu.memory_space<hbm>> -> memref<8x128xf32, #tpu.memory_space<hbm>>
    %dma_wait3A_782 = arith.constant 0 : i32
    %dma_wait3A_783 = arith.constant 0 : i32
    %dma_wait3A_784 = tpu.memref_slice %arg8[%dma_wait3A_776, %dma_wait3A_782, %dma_wait3A_783] : memref<32x8x128xf32, #tpu.memory_space<vmem>> -> memref<1x8x128xf32, #tpu.memory_space<vmem>>
    %dma_wait3A_785 = tpu.memref_squeeze %dma_wait3A_784 : memref<1x8x128xf32, #tpu.memory_space<vmem>> -> memref<8x128xf32, #tpu.memory_space<vmem>>
    %dma_wait3A_786 = tpu.memref_slice %arg2[%multiple_of3A_348, %multiple_of3A_351] : memref<1024x32000xf32, #tpu.memory_space<hbm>> -> memref<8x128xf32, #tpu.memory_space<hbm>>
    tpu.wait_dma2 semaphore(%arg12 : memref<!tpu.dma_semaphore, #tpu.memory_space<semaphore_mem>>) src(%dma_wait3A_786 : memref<8x128xf32, #tpu.memory_space<hbm>>) dst(%dma_wait3A_785 : memref<8x128xf32, #tpu.memory_space<vmem>>)
    %dma_wait3A_787 = arith.constant 20 : i32
    %dma_wait3A_788 = arith.constant 0 : i32
    %dma_wait3A_789 = arith.constant 0 : i32
    %dma_wait3A_790 = tpu.memref_slice %arg8[%dma_wait3A_787, %dma_wait3A_788, %dma_wait3A_789] : memref<32x8x128xf32, #tpu.memory_space<vmem>> -> memref<1x8x128xf32, #tpu.memory_space<vmem>>
    %dma_wait3A_791 = tpu.memref_squeeze %dma_wait3A_790 : memref<1x8x128xf32, #tpu.memory_space<vmem>> -> memref<8x128xf32, #tpu.memory_space<vmem>>
    %dma_wait3A_792 = tpu.memref_slice %arg2[%multiple_of3A_365, %multiple_of3A_368] : memref<1024x32000xf32, #tpu.memory_space<hbm>> -> memref<8x128xf32, #tpu.memory_space<hbm>>
    %dma_wait3A_793 = arith.constant 0 : i32
    %dma_wait3A_794 = arith.constant 0 : i32
    %dma_wait3A_795 = tpu.memref_slice %arg8[%dma_wait3A_787, %dma_wait3A_793, %dma_wait3A_794] : memref<32x8x128xf32, #tpu.memory_space<vmem>> -> memref<1x8x128xf32, #tpu.memory_space<vmem>>
    %dma_wait3A_796 = tpu.memref_squeeze %dma_wait3A_795 : memref<1x8x128xf32, #tpu.memory_space<vmem>> -> memref<8x128xf32, #tpu.memory_space<vmem>>
    %dma_wait3A_797 = tpu.memref_slice %arg2[%multiple_of3A_365, %multiple_of3A_368] : memref<1024x32000xf32, #tpu.memory_space<hbm>> -> memref<8x128xf32, #tpu.memory_space<hbm>>
    tpu.wait_dma2 semaphore(%arg12 : memref<!tpu.dma_semaphore, #tpu.memory_space<semaphore_mem>>) src(%dma_wait3A_797 : memref<8x128xf32, #tpu.memory_space<hbm>>) dst(%dma_wait3A_796 : memref<8x128xf32, #tpu.memory_space<vmem>>)
    %dma_wait3A_798 = arith.constant 21 : i32
    %dma_wait3A_799 = arith.constant 0 : i32
    %dma_wait3A_800 = arith.constant 0 : i32
    %dma_wait3A_801 = tpu.memref_slice %arg8[%dma_wait3A_798, %dma_wait3A_799, %dma_wait3A_800] : memref<32x8x128xf32, #tpu.memory_space<vmem>> -> memref<1x8x128xf32, #tpu.memory_space<vmem>>
    %dma_wait3A_802 = tpu.memref_squeeze %dma_wait3A_801 : memref<1x8x128xf32, #tpu.memory_space<vmem>> -> memref<8x128xf32, #tpu.memory_space<vmem>>
    %dma_wait3A_803 = tpu.memref_slice %arg2[%multiple_of3A_382, %multiple_of3A_385] : memref<1024x32000xf32, #tpu.memory_space<hbm>> -> memref<8x128xf32, #tpu.memory_space<hbm>>
    %dma_wait3A_804 = arith.constant 0 : i32
    %dma_wait3A_805 = arith.constant 0 : i32
    %dma_wait3A_806 = tpu.memref_slice %arg8[%dma_wait3A_798, %dma_wait3A_804, %dma_wait3A_805] : memref<32x8x128xf32, #tpu.memory_space<vmem>> -> memref<1x8x128xf32, #tpu.memory_space<vmem>>
    %dma_wait3A_807 = tpu.memref_squeeze %dma_wait3A_806 : memref<1x8x128xf32, #tpu.memory_space<vmem>> -> memref<8x128xf32, #tpu.memory_space<vmem>>
    %dma_wait3A_808 = tpu.memref_slice %arg2[%multiple_of3A_382, %multiple_of3A_385] : memref<1024x32000xf32, #tpu.memory_space<hbm>> -> memref<8x128xf32, #tpu.memory_space<hbm>>
    tpu.wait_dma2 semaphore(%arg12 : memref<!tpu.dma_semaphore, #tpu.memory_space<semaphore_mem>>) src(%dma_wait3A_808 : memref<8x128xf32, #tpu.memory_space<hbm>>) dst(%dma_wait3A_807 : memref<8x128xf32, #tpu.memory_space<vmem>>)
    %dma_wait3A_809 = arith.constant 22 : i32
    %dma_wait3A_810 = arith.constant 0 : i32
    %dma_wait3A_811 = arith.constant 0 : i32
    %dma_wait3A_812 = tpu.memref_slice %arg8[%dma_wait3A_809, %dma_wait3A_810, %dma_wait3A_811] : memref<32x8x128xf32, #tpu.memory_space<vmem>> -> memref<1x8x128xf32, #tpu.memory_space<vmem>>
    %dma_wait3A_813 = tpu.memref_squeeze %dma_wait3A_812 : memref<1x8x128xf32, #tpu.memory_space<vmem>> -> memref<8x128xf32, #tpu.memory_space<vmem>>
    %dma_wait3A_814 = tpu.memref_slice %arg2[%multiple_of3A_399, %multiple_of3A_402] : memref<1024x32000xf32, #tpu.memory_space<hbm>> -> memref<8x128xf32, #tpu.memory_space<hbm>>
    %dma_wait3A_815 = arith.constant 0 : i32
    %dma_wait3A_816 = arith.constant 0 : i32
    %dma_wait3A_817 = tpu.memref_slice %arg8[%dma_wait3A_809, %dma_wait3A_815, %dma_wait3A_816] : memref<32x8x128xf32, #tpu.memory_space<vmem>> -> memref<1x8x128xf32, #tpu.memory_space<vmem>>
    %dma_wait3A_818 = tpu.memref_squeeze %dma_wait3A_817 : memref<1x8x128xf32, #tpu.memory_space<vmem>> -> memref<8x128xf32, #tpu.memory_space<vmem>>
    %dma_wait3A_819 = tpu.memref_slice %arg2[%multiple_of3A_399, %multiple_of3A_402] : memref<1024x32000xf32, #tpu.memory_space<hbm>> -> memref<8x128xf32, #tpu.memory_space<hbm>>
    tpu.wait_dma2 semaphore(%arg12 : memref<!tpu.dma_semaphore, #tpu.memory_space<semaphore_mem>>) src(%dma_wait3A_819 : memref<8x128xf32, #tpu.memory_space<hbm>>) dst(%dma_wait3A_818 : memref<8x128xf32, #tpu.memory_space<vmem>>)
    %dma_wait3A_820 = arith.constant 23 : i32
    %dma_wait3A_821 = arith.constant 0 : i32
    %dma_wait3A_822 = arith.constant 0 : i32
    %dma_wait3A_823 = tpu.memref_slice %arg8[%dma_wait3A_820, %dma_wait3A_821, %dma_wait3A_822] : memref<32x8x128xf32, #tpu.memory_space<vmem>> -> memref<1x8x128xf32, #tpu.memory_space<vmem>>
    %dma_wait3A_824 = tpu.memref_squeeze %dma_wait3A_823 : memref<1x8x128xf32, #tpu.memory_space<vmem>> -> memref<8x128xf32, #tpu.memory_space<vmem>>
    %dma_wait3A_825 = tpu.memref_slice %arg2[%multiple_of3A_416, %multiple_of3A_419] : memref<1024x32000xf32, #tpu.memory_space<hbm>> -> memref<8x128xf32, #tpu.memory_space<hbm>>
    %dma_wait3A_826 = arith.constant 0 : i32
    %dma_wait3A_827 = arith.constant 0 : i32
    %dma_wait3A_828 = tpu.memref_slice %arg8[%dma_wait3A_820, %dma_wait3A_826, %dma_wait3A_827] : memref<32x8x128xf32, #tpu.memory_space<vmem>> -> memref<1x8x128xf32, #tpu.memory_space<vmem>>
    %dma_wait3A_829 = tpu.memref_squeeze %dma_wait3A_828 : memref<1x8x128xf32, #tpu.memory_space<vmem>> -> memref<8x128xf32, #tpu.memory_space<vmem>>
    %dma_wait3A_830 = tpu.memref_slice %arg2[%multiple_of3A_416, %multiple_of3A_419] : memref<1024x32000xf32, #tpu.memory_space<hbm>> -> memref<8x128xf32, #tpu.memory_space<hbm>>
    tpu.wait_dma2 semaphore(%arg12 : memref<!tpu.dma_semaphore, #tpu.memory_space<semaphore_mem>>) src(%dma_wait3A_830 : memref<8x128xf32, #tpu.memory_space<hbm>>) dst(%dma_wait3A_829 : memref<8x128xf32, #tpu.memory_space<vmem>>)
    %dma_wait3A_831 = arith.constant 24 : i32
    %dma_wait3A_832 = arith.constant 0 : i32
    %dma_wait3A_833 = arith.constant 0 : i32
    %dma_wait3A_834 = tpu.memref_slice %arg8[%dma_wait3A_831, %dma_wait3A_832, %dma_wait3A_833] : memref<32x8x128xf32, #tpu.memory_space<vmem>> -> memref<1x8x128xf32, #tpu.memory_space<vmem>>
    %dma_wait3A_835 = tpu.memref_squeeze %dma_wait3A_834 : memref<1x8x128xf32, #tpu.memory_space<vmem>> -> memref<8x128xf32, #tpu.memory_space<vmem>>
    %dma_wait3A_836 = tpu.memref_slice %arg2[%multiple_of3A_433, %multiple_of3A_436] : memref<1024x32000xf32, #tpu.memory_space<hbm>> -> memref<8x128xf32, #tpu.memory_space<hbm>>
    %dma_wait3A_837 = arith.constant 0 : i32
    %dma_wait3A_838 = arith.constant 0 : i32
    %dma_wait3A_839 = tpu.memref_slice %arg8[%dma_wait3A_831, %dma_wait3A_837, %dma_wait3A_838] : memref<32x8x128xf32, #tpu.memory_space<vmem>> -> memref<1x8x128xf32, #tpu.memory_space<vmem>>
    %dma_wait3A_840 = tpu.memref_squeeze %dma_wait3A_839 : memref<1x8x128xf32, #tpu.memory_space<vmem>> -> memref<8x128xf32, #tpu.memory_space<vmem>>
    %dma_wait3A_841 = tpu.memref_slice %arg2[%multiple_of3A_433, %multiple_of3A_436] : memref<1024x32000xf32, #tpu.memory_space<hbm>> -> memref<8x128xf32, #tpu.memory_space<hbm>>
    tpu.wait_dma2 semaphore(%arg12 : memref<!tpu.dma_semaphore, #tpu.memory_space<semaphore_mem>>) src(%dma_wait3A_841 : memref<8x128xf32, #tpu.memory_space<hbm>>) dst(%dma_wait3A_840 : memref<8x128xf32, #tpu.memory_space<vmem>>)
    %dma_wait3A_842 = arith.constant 25 : i32
    %dma_wait3A_843 = arith.constant 0 : i32
    %dma_wait3A_844 = arith.constant 0 : i32
    %dma_wait3A_845 = tpu.memref_slice %arg8[%dma_wait3A_842, %dma_wait3A_843, %dma_wait3A_844] : memref<32x8x128xf32, #tpu.memory_space<vmem>> -> memref<1x8x128xf32, #tpu.memory_space<vmem>>
    %dma_wait3A_846 = tpu.memref_squeeze %dma_wait3A_845 : memref<1x8x128xf32, #tpu.memory_space<vmem>> -> memref<8x128xf32, #tpu.memory_space<vmem>>
    %dma_wait3A_847 = tpu.memref_slice %arg2[%multiple_of3A_450, %multiple_of3A_453] : memref<1024x32000xf32, #tpu.memory_space<hbm>> -> memref<8x128xf32, #tpu.memory_space<hbm>>
    %dma_wait3A_848 = arith.constant 0 : i32
    %dma_wait3A_849 = arith.constant 0 : i32
    %dma_wait3A_850 = tpu.memref_slice %arg8[%dma_wait3A_842, %dma_wait3A_848, %dma_wait3A_849] : memref<32x8x128xf32, #tpu.memory_space<vmem>> -> memref<1x8x128xf32, #tpu.memory_space<vmem>>
    %dma_wait3A_851 = tpu.memref_squeeze %dma_wait3A_850 : memref<1x8x128xf32, #tpu.memory_space<vmem>> -> memref<8x128xf32, #tpu.memory_space<vmem>>
    %dma_wait3A_852 = tpu.memref_slice %arg2[%multiple_of3A_450, %multiple_of3A_453] : memref<1024x32000xf32, #tpu.memory_space<hbm>> -> memref<8x128xf32, #tpu.memory_space<hbm>>
    tpu.wait_dma2 semaphore(%arg12 : memref<!tpu.dma_semaphore, #tpu.memory_space<semaphore_mem>>) src(%dma_wait3A_852 : memref<8x128xf32, #tpu.memory_space<hbm>>) dst(%dma_wait3A_851 : memref<8x128xf32, #tpu.memory_space<vmem>>)
    %dma_wait3A_853 = arith.constant 26 : i32
    %dma_wait3A_854 = arith.constant 0 : i32
    %dma_wait3A_855 = arith.constant 0 : i32
    %dma_wait3A_856 = tpu.memref_slice %arg8[%dma_wait3A_853, %dma_wait3A_854, %dma_wait3A_855] : memref<32x8x128xf32, #tpu.memory_space<vmem>> -> memref<1x8x128xf32, #tpu.memory_space<vmem>>
    %dma_wait3A_857 = tpu.memref_squeeze %dma_wait3A_856 : memref<1x8x128xf32, #tpu.memory_space<vmem>> -> memref<8x128xf32, #tpu.memory_space<vmem>>
    %dma_wait3A_858 = tpu.memref_slice %arg2[%multiple_of3A_467, %multiple_of3A_470] : memref<1024x32000xf32, #tpu.memory_space<hbm>> -> memref<8x128xf32, #tpu.memory_space<hbm>>
    %dma_wait3A_859 = arith.constant 0 : i32
    %dma_wait3A_860 = arith.constant 0 : i32
    %dma_wait3A_861 = tpu.memref_slice %arg8[%dma_wait3A_853, %dma_wait3A_859, %dma_wait3A_860] : memref<32x8x128xf32, #tpu.memory_space<vmem>> -> memref<1x8x128xf32, #tpu.memory_space<vmem>>
    %dma_wait3A_862 = tpu.memref_squeeze %dma_wait3A_861 : memref<1x8x128xf32, #tpu.memory_space<vmem>> -> memref<8x128xf32, #tpu.memory_space<vmem>>
    %dma_wait3A_863 = tpu.memref_slice %arg2[%multiple_of3A_467, %multiple_of3A_470] : memref<1024x32000xf32, #tpu.memory_space<hbm>> -> memref<8x128xf32, #tpu.memory_space<hbm>>
    tpu.wait_dma2 semaphore(%arg12 : memref<!tpu.dma_semaphore, #tpu.memory_space<semaphore_mem>>) src(%dma_wait3A_863 : memref<8x128xf32, #tpu.memory_space<hbm>>) dst(%dma_wait3A_862 : memref<8x128xf32, #tpu.memory_space<vmem>>)
    %dma_wait3A_864 = arith.constant 27 : i32
    %dma_wait3A_865 = arith.constant 0 : i32
    %dma_wait3A_866 = arith.constant 0 : i32
    %dma_wait3A_867 = tpu.memref_slice %arg8[%dma_wait3A_864, %dma_wait3A_865, %dma_wait3A_866] : memref<32x8x128xf32, #tpu.memory_space<vmem>> -> memref<1x8x128xf32, #tpu.memory_space<vmem>>
    %dma_wait3A_868 = tpu.memref_squeeze %dma_wait3A_867 : memref<1x8x128xf32, #tpu.memory_space<vmem>> -> memref<8x128xf32, #tpu.memory_space<vmem>>
    %dma_wait3A_869 = tpu.memref_slice %arg2[%multiple_of3A_484, %multiple_of3A_487] : memref<1024x32000xf32, #tpu.memory_space<hbm>> -> memref<8x128xf32, #tpu.memory_space<hbm>>
    %dma_wait3A_870 = arith.constant 0 : i32
    %dma_wait3A_871 = arith.constant 0 : i32
    %dma_wait3A_872 = tpu.memref_slice %arg8[%dma_wait3A_864, %dma_wait3A_870, %dma_wait3A_871] : memref<32x8x128xf32, #tpu.memory_space<vmem>> -> memref<1x8x128xf32, #tpu.memory_space<vmem>>
    %dma_wait3A_873 = tpu.memref_squeeze %dma_wait3A_872 : memref<1x8x128xf32, #tpu.memory_space<vmem>> -> memref<8x128xf32, #tpu.memory_space<vmem>>
    %dma_wait3A_874 = tpu.memref_slice %arg2[%multiple_of3A_484, %multiple_of3A_487] : memref<1024x32000xf32, #tpu.memory_space<hbm>> -> memref<8x128xf32, #tpu.memory_space<hbm>>
    tpu.wait_dma2 semaphore(%arg12 : memref<!tpu.dma_semaphore, #tpu.memory_space<semaphore_mem>>) src(%dma_wait3A_874 : memref<8x128xf32, #tpu.memory_space<hbm>>) dst(%dma_wait3A_873 : memref<8x128xf32, #tpu.memory_space<vmem>>)
    %dma_wait3A_875 = arith.constant 28 : i32
    %dma_wait3A_876 = arith.constant 0 : i32
    %dma_wait3A_877 = arith.constant 0 : i32
    %dma_wait3A_878 = tpu.memref_slice %arg8[%dma_wait3A_875, %dma_wait3A_876, %dma_wait3A_877] : memref<32x8x128xf32, #tpu.memory_space<vmem>> -> memref<1x8x128xf32, #tpu.memory_space<vmem>>
    %dma_wait3A_879 = tpu.memref_squeeze %dma_wait3A_878 : memref<1x8x128xf32, #tpu.memory_space<vmem>> -> memref<8x128xf32, #tpu.memory_space<vmem>>
    %dma_wait3A_880 = tpu.memref_slice %arg2[%multiple_of3A_501, %multiple_of3A_504] : memref<1024x32000xf32, #tpu.memory_space<hbm>> -> memref<8x128xf32, #tpu.memory_space<hbm>>
    %dma_wait3A_881 = arith.constant 0 : i32
    %dma_wait3A_882 = arith.constant 0 : i32
    %dma_wait3A_883 = tpu.memref_slice %arg8[%dma_wait3A_875, %dma_wait3A_881, %dma_wait3A_882] : memref<32x8x128xf32, #tpu.memory_space<vmem>> -> memref<1x8x128xf32, #tpu.memory_space<vmem>>
    %dma_wait3A_884 = tpu.memref_squeeze %dma_wait3A_883 : memref<1x8x128xf32, #tpu.memory_space<vmem>> -> memref<8x128xf32, #tpu.memory_space<vmem>>
    %dma_wait3A_885 = tpu.memref_slice %arg2[%multiple_of3A_501, %multiple_of3A_504] : memref<1024x32000xf32, #tpu.memory_space<hbm>> -> memref<8x128xf32, #tpu.memory_space<hbm>>
    tpu.wait_dma2 semaphore(%arg12 : memref<!tpu.dma_semaphore, #tpu.memory_space<semaphore_mem>>) src(%dma_wait3A_885 : memref<8x128xf32, #tpu.memory_space<hbm>>) dst(%dma_wait3A_884 : memref<8x128xf32, #tpu.memory_space<vmem>>)
    %dma_wait3A_886 = arith.constant 29 : i32
    %dma_wait3A_887 = arith.constant 0 : i32
    %dma_wait3A_888 = arith.constant 0 : i32
    %dma_wait3A_889 = tpu.memref_slice %arg8[%dma_wait3A_886, %dma_wait3A_887, %dma_wait3A_888] : memref<32x8x128xf32, #tpu.memory_space<vmem>> -> memref<1x8x128xf32, #tpu.memory_space<vmem>>
    %dma_wait3A_890 = tpu.memref_squeeze %dma_wait3A_889 : memref<1x8x128xf32, #tpu.memory_space<vmem>> -> memref<8x128xf32, #tpu.memory_space<vmem>>
    %dma_wait3A_891 = tpu.memref_slice %arg2[%multiple_of3A_518, %multiple_of3A_521] : memref<1024x32000xf32, #tpu.memory_space<hbm>> -> memref<8x128xf32, #tpu.memory_space<hbm>>
    %dma_wait3A_892 = arith.constant 0 : i32
    %dma_wait3A_893 = arith.constant 0 : i32
    %dma_wait3A_894 = tpu.memref_slice %arg8[%dma_wait3A_886, %dma_wait3A_892, %dma_wait3A_893] : memref<32x8x128xf32, #tpu.memory_space<vmem>> -> memref<1x8x128xf32, #tpu.memory_space<vmem>>
    %dma_wait3A_895 = tpu.memref_squeeze %dma_wait3A_894 : memref<1x8x128xf32, #tpu.memory_space<vmem>> -> memref<8x128xf32, #tpu.memory_space<vmem>>
    %dma_wait3A_896 = tpu.memref_slice %arg2[%multiple_of3A_518, %multiple_of3A_521] : memref<1024x32000xf32, #tpu.memory_space<hbm>> -> memref<8x128xf32, #tpu.memory_space<hbm>>
    tpu.wait_dma2 semaphore(%arg12 : memref<!tpu.dma_semaphore, #tpu.memory_space<semaphore_mem>>) src(%dma_wait3A_896 : memref<8x128xf32, #tpu.memory_space<hbm>>) dst(%dma_wait3A_895 : memref<8x128xf32, #tpu.memory_space<vmem>>)
    %dma_wait3A_897 = arith.constant 30 : i32
    %dma_wait3A_898 = arith.constant 0 : i32
    %dma_wait3A_899 = arith.constant 0 : i32
    %dma_wait3A_900 = tpu.memref_slice %arg8[%dma_wait3A_897, %dma_wait3A_898, %dma_wait3A_899] : memref<32x8x128xf32, #tpu.memory_space<vmem>> -> memref<1x8x128xf32, #tpu.memory_space<vmem>>
    %dma_wait3A_901 = tpu.memref_squeeze %dma_wait3A_900 : memref<1x8x128xf32, #tpu.memory_space<vmem>> -> memref<8x128xf32, #tpu.memory_space<vmem>>
    %dma_wait3A_902 = tpu.memref_slice %arg2[%multiple_of3A_535, %multiple_of3A_538] : memref<1024x32000xf32, #tpu.memory_space<hbm>> -> memref<8x128xf32, #tpu.memory_space<hbm>>
    %dma_wait3A_903 = arith.constant 0 : i32
    %dma_wait3A_904 = arith.constant 0 : i32
    %dma_wait3A_905 = tpu.memref_slice %arg8[%dma_wait3A_897, %dma_wait3A_903, %dma_wait3A_904] : memref<32x8x128xf32, #tpu.memory_space<vmem>> -> memref<1x8x128xf32, #tpu.memory_space<vmem>>
    %dma_wait3A_906 = tpu.memref_squeeze %dma_wait3A_905 : memref<1x8x128xf32, #tpu.memory_space<vmem>> -> memref<8x128xf32, #tpu.memory_space<vmem>>
    %dma_wait3A_907 = tpu.memref_slice %arg2[%multiple_of3A_535, %multiple_of3A_538] : memref<1024x32000xf32, #tpu.memory_space<hbm>> -> memref<8x128xf32, #tpu.memory_space<hbm>>
    tpu.wait_dma2 semaphore(%arg12 : memref<!tpu.dma_semaphore, #tpu.memory_space<semaphore_mem>>) src(%dma_wait3A_907 : memref<8x128xf32, #tpu.memory_space<hbm>>) dst(%dma_wait3A_906 : memref<8x128xf32, #tpu.memory_space<vmem>>)
    %dma_wait3A_908 = arith.constant 31 : i32
    %dma_wait3A_909 = arith.constant 0 : i32
    %dma_wait3A_910 = arith.constant 0 : i32
    %dma_wait3A_911 = tpu.memref_slice %arg8[%dma_wait3A_908, %dma_wait3A_909, %dma_wait3A_910] : memref<32x8x128xf32, #tpu.memory_space<vmem>> -> memref<1x8x128xf32, #tpu.memory_space<vmem>>
    %dma_wait3A_912 = tpu.memref_squeeze %dma_wait3A_911 : memref<1x8x128xf32, #tpu.memory_space<vmem>> -> memref<8x128xf32, #tpu.memory_space<vmem>>
    %dma_wait3A_913 = tpu.memref_slice %arg2[%multiple_of3A_552, %multiple_of3A_555] : memref<1024x32000xf32, #tpu.memory_space<hbm>> -> memref<8x128xf32, #tpu.memory_space<hbm>>
    %dma_wait3A_914 = arith.constant 0 : i32
    %dma_wait3A_915 = arith.constant 0 : i32
    %dma_wait3A_916 = tpu.memref_slice %arg8[%dma_wait3A_908, %dma_wait3A_914, %dma_wait3A_915] : memref<32x8x128xf32, #tpu.memory_space<vmem>> -> memref<1x8x128xf32, #tpu.memory_space<vmem>>
    %dma_wait3A_917 = tpu.memref_squeeze %dma_wait3A_916 : memref<1x8x128xf32, #tpu.memory_space<vmem>> -> memref<8x128xf32, #tpu.memory_space<vmem>>
    %dma_wait3A_918 = tpu.memref_slice %arg2[%multiple_of3A_552, %multiple_of3A_555] : memref<1024x32000xf32, #tpu.memory_space<hbm>> -> memref<8x128xf32, #tpu.memory_space<hbm>>
    tpu.wait_dma2 semaphore(%arg12 : memref<!tpu.dma_semaphore, #tpu.memory_space<semaphore_mem>>) src(%dma_wait3A_918 : memref<8x128xf32, #tpu.memory_space<hbm>>) dst(%dma_wait3A_917 : memref<8x128xf32, #tpu.memory_space<vmem>>)
    %dma_wait3A_919 = arith.constant 0 : i32
    %dma_wait3A_920 = tpu.memref_slice %arg3[%multiple_of3A, %dma_wait3A_919] : memref<1024x256xf32, #tpu.memory_space<hbm>> -> memref<32x256xf32, #tpu.memory_space<hbm>>
    %dma_wait3A_921 = arith.constant 0 : i32
    %dma_wait3A_922 = tpu.memref_slice %arg3[%multiple_of3A, %dma_wait3A_921] : memref<1024x256xf32, #tpu.memory_space<hbm>> -> memref<32x256xf32, #tpu.memory_space<hbm>>
    tpu.wait_dma2 semaphore(%arg13 : memref<!tpu.dma_semaphore, #tpu.memory_space<semaphore_mem>>) src(%dma_wait3A_922 : memref<32x256xf32, #tpu.memory_space<hbm>>) dst(%arg9 : memref<32x256xf32, #tpu.memory_space<vmem>>)
    %get3A_923 = arith.constant 0 : index
    %get3A_924 = tpu.vector_load %arg6[%get3A_923] {strides = array<i32>} : memref<32xi32, #tpu.memory_space<vmem>>, vector<16xi32>,
    %get3A_925 = vector.shape_cast %get3A_924 : vector<16xi32> to vector<16xi32>
    %get3A_926 = arith.constant 0 : index
    %get3A_927 = tpu.vector_load %arg7[%get3A_926] {strides = array<i32>} : memref<32xi32, #tpu.memory_space<vmem>>, vector<16xi32>,
    %get3A_928 = vector.shape_cast %get3A_927 : vector<16xi32> to vector<16xi32>
    %and3A_929 = arith.constant 112 : i32
    %and3A_930 = vector.broadcast %and3A_929 : i32 to vector<16xi32>
    %and3A_931 = arith.andi %get3A_928, %and3A_930 : vector<16xi32>
    %and3A_932 = arith.constant 15 : i32
    %and3A_933 = vector.broadcast %and3A_932 : i32 to vector<16xi32>
    %and3A_934 = arith.andi %get3A_928, %and3A_933 : vector<16xi32>
    %and3A_935 = arith.constant 240 : i32
    %and3A_936 = vector.broadcast %and3A_935 : i32 to vector<16xi32>
    %and3A_937 = arith.andi %get3A_925, %and3A_936 : vector<16xi32>
    %and3A_938 = arith.constant 15 : i32
    %and3A_939 = vector.broadcast %and3A_938 : i32 to vector<16xi32>
    %and3A_940 = arith.andi %get3A_925, %and3A_939 : vector<16xi32>
    %broadcast_in_dim3A = arith.constant 0.000000e+00 : f32
    %broadcast_in_dim3A_941 = vector.broadcast %broadcast_in_dim3A : f32 to vector<16xf32>
    %broadcast_in_dim3A_942 = arith.constant 0.000000e+00 : f32
    %broadcast_in_dim3A_943 = vector.broadcast %broadcast_in_dim3A_942 : f32 to vector<16xf32>
    %slice3A_944 = vector.extract_strided_slice %and3A_931 {offsets = [0], sizes = [1], strides = [1]} : vector<16xi32> to vector<1xi32>
    %squeeze3A_945 = vector.extract %slice3A_944[0] : i32 from vector<1xi32>
    %multiple_of3A_946 = tpu.assume_multiple %squeeze3A_945, 16 : i32
    %get3A_947 = arith.constant 0 : i32
    %get3A_948 = arith.constant 0 : i32
    %get3A_949 = arith.index_cast %get3A_947 : i32 to index
    %get3A_950 = arith.index_cast %get3A_948 : i32 to index
    %get3A_951 = arith.index_cast %multiple_of3A_946 : i32 to index
    %get3A_952 = tpu.vector_load %arg8[%get3A_949, %get3A_950, %get3A_951] {strides = array<i32>} : memref<32x8x128xf32, #tpu.memory_space<vmem>>, vector<1x1x16xf32>,
    %get3A_953 = vector.shape_cast %get3A_952 : vector<1x1x16xf32> to vector<16xf32>
    %slice3A_954 = vector.extract_strided_slice %and3A_934 {offsets = [0], sizes = [1], strides = [1]} : vector<16xi32> to vector<1xi32>
    %squeeze3A_955 = vector.extract %slice3A_954[0] : i32 from vector<1xi32>
    %broadcast_in_dim3A_956 = vector.broadcast %squeeze3A_955 : i32 to vector<16xi32>
    %broadcast_in_dim3A_957 = vector.shape_cast %broadcast_in_dim3A_956 : vector<16xi32> to vector<16x1xi32>
    %gather3A = vector.shape_cast %broadcast_in_dim3A_957 : vector<16x1xi32> to vector<16xi32>
    %gather3A_958 = tpu.dynamic_gather %get3A_953[%gather3A] in [0] : vector<16xf32>, vector<16xi32> -> vector<16xf32>
    %eq3A = arith.constant 0 : i32
    %eq3A_959 = vector.broadcast %eq3A : i32 to vector<16xi32>
    %eq3A_960 = arith.cmpi eq, %iota3A, %eq3A_959 : vector<16xi32>
    %select_n3A = arith.select %eq3A_960, %gather3A_958, %broadcast_in_dim3A_941 : vector<16xi1>, vector<16xf32>
    %slice3A_961 = vector.extract_strided_slice %and3A_937 {offsets = [0], sizes = [1], strides = [1]} : vector<16xi32> to vector<1xi32>
    %squeeze3A_962 = vector.extract %slice3A_961[0] : i32 from vector<1xi32>
    %multiple_of3A_963 = tpu.assume_multiple %squeeze3A_962, 16 : i32
    %get3A_964 = arith.constant 0 : i32
    %get3A_965 = arith.index_cast %get3A_964 : i32 to index
    %get3A_966 = arith.index_cast %multiple_of3A_963 : i32 to index
    %get3A_967 = tpu.vector_load %arg9[%get3A_965, %get3A_966] {strides = array<i32>} : memref<32x256xf32, #tpu.memory_space<vmem>>, vector<1x16xf32>,
    %get3A_968 = vector.shape_cast %get3A_967 : vector<1x16xf32> to vector<16xf32>
    %slice3A_969 = vector.extract_strided_slice %and3A_940 {offsets = [0], sizes = [1], strides = [1]} : vector<16xi32> to vector<1xi32>
    %squeeze3A_970 = vector.extract %slice3A_969[0] : i32 from vector<1xi32>
    %broadcast_in_dim3A_971 = vector.broadcast %squeeze3A_970 : i32 to vector<16xi32>
    %broadcast_in_dim3A_972 = vector.shape_cast %broadcast_in_dim3A_971 : vector<16xi32> to vector<16x1xi32>
    %gather3A_973 = vector.shape_cast %broadcast_in_dim3A_972 : vector<16x1xi32> to vector<16xi32>
    %gather3A_974 = tpu.dynamic_gather %get3A_968[%gather3A_973] in [0] : vector<16xf32>, vector<16xi32> -> vector<16xf32>
    %eq3A_975 = arith.constant 0 : i32
    %eq3A_976 = vector.broadcast %eq3A_975 : i32 to vector<16xi32>
    %eq3A_977 = arith.cmpi eq, %iota3A, %eq3A_976 : vector<16xi32>
    %select_n3A_978 = arith.select %eq3A_977, %gather3A_974, %broadcast_in_dim3A_943 : vector<16xi1>, vector<16xf32>
    %slice3A_979 = vector.extract_strided_slice %and3A_931 {offsets = [1], sizes = [1], strides = [1]} : vector<16xi32> to vector<1xi32>
    %squeeze3A_980 = vector.extract %slice3A_979[0] : i32 from vector<1xi32>
    %multiple_of3A_981 = tpu.assume_multiple %squeeze3A_980, 16 : i32
    %get3A_982 = arith.constant 1 : i32
    %get3A_983 = arith.constant 1 : i32
    %get3A_984 = arith.index_cast %get3A_982 : i32 to index
    %get3A_985 = arith.index_cast %get3A_983 : i32 to index
    %get3A_986 = arith.index_cast %multiple_of3A_981 : i32 to index
    %get3A_987 = tpu.vector_load %arg8[%get3A_984, %get3A_985, %get3A_986] {strides = array<i32>} : memref<32x8x128xf32, #tpu.memory_space<vmem>>, vector<1x1x16xf32>,
    %get3A_988 = vector.shape_cast %get3A_987 : vector<1x1x16xf32> to vector<16xf32>
    %slice3A_989 = vector.extract_strided_slice %and3A_934 {offsets = [1], sizes = [1], strides = [1]} : vector<16xi32> to vector<1xi32>
    %squeeze3A_990 = vector.extract %slice3A_989[0] : i32 from vector<1xi32>
    %broadcast_in_dim3A_991 = vector.broadcast %squeeze3A_990 : i32 to vector<16xi32>
    %broadcast_in_dim3A_992 = vector.shape_cast %broadcast_in_dim3A_991 : vector<16xi32> to vector<16x1xi32>
    %gather3A_993 = vector.shape_cast %broadcast_in_dim3A_992 : vector<16x1xi32> to vector<16xi32>
    %gather3A_994 = tpu.dynamic_gather %get3A_988[%gather3A_993] in [0] : vector<16xf32>, vector<16xi32> -> vector<16xf32>
    %eq3A_995 = arith.constant 1 : i32
    %eq3A_996 = vector.broadcast %eq3A_995 : i32 to vector<16xi32>
    %eq3A_997 = arith.cmpi eq, %iota3A, %eq3A_996 : vector<16xi32>
    %select_n3A_998 = arith.select %eq3A_997, %gather3A_994, %select_n3A : vector<16xi1>, vector<16xf32>
    %slice3A_999 = vector.extract_strided_slice %and3A_937 {offsets = [1], sizes = [1], strides = [1]} : vector<16xi32> to vector<1xi32>
    %squeeze3A_1000 = vector.extract %slice3A_999[0] : i32 from vector<1xi32>
    %multiple_of3A_1001 = tpu.assume_multiple %squeeze3A_1000, 16 : i32
    %get3A_1002 = arith.constant 1 : i32
    %get3A_1003 = arith.index_cast %get3A_1002 : i32 to index
    %get3A_1004 = arith.index_cast %multiple_of3A_1001 : i32 to index
    %get3A_1005 = tpu.vector_load %arg9[%get3A_1003, %get3A_1004] {strides = array<i32>} : memref<32x256xf32, #tpu.memory_space<vmem>>, vector<1x16xf32>,
    %get3A_1006 = vector.shape_cast %get3A_1005 : vector<1x16xf32> to vector<16xf32>
    %slice3A_1007 = vector.extract_strided_slice %and3A_940 {offsets = [1], sizes = [1], strides = [1]} : vector<16xi32> to vector<1xi32>
    %squeeze3A_1008 = vector.extract %slice3A_1007[0] : i32 from vector<1xi32>
    %broadcast_in_dim3A_1009 = vector.broadcast %squeeze3A_1008 : i32 to vector<16xi32>
    %broadcast_in_dim3A_1010 = vector.shape_cast %broadcast_in_dim3A_1009 : vector<16xi32> to vector<16x1xi32>
    %gather3A_1011 = vector.shape_cast %broadcast_in_dim3A_1010 : vector<16x1xi32> to vector<16xi32>
    %gather3A_1012 = tpu.dynamic_gather %get3A_1006[%gather3A_1011] in [0] : vector<16xf32>, vector<16xi32> -> vector<16xf32>
    %eq3A_1013 = arith.constant 1 : i32
    %eq3A_1014 = vector.broadcast %eq3A_1013 : i32 to vector<16xi32>
    %eq3A_1015 = arith.cmpi eq, %iota3A, %eq3A_1014 : vector<16xi32>
    %select_n3A_1016 = arith.select %eq3A_1015, %gather3A_1012, %select_n3A_978 : vector<16xi1>, vector<16xf32>
    %slice3A_1017 = vector.extract_strided_slice %and3A_931 {offsets = [2], sizes = [1], strides = [1]} : vector<16xi32> to vector<1xi32>
    %squeeze3A_1018 = vector.extract %slice3A_1017[0] : i32 from vector<1xi32>
    %multiple_of3A_1019 = tpu.assume_multiple %squeeze3A_1018, 16 : i32
    %get3A_1020 = arith.constant 2 : i32
    %get3A_1021 = arith.constant 2 : i32
    %get3A_1022 = arith.index_cast %get3A_1020 : i32 to index
    %get3A_1023 = arith.index_cast %get3A_1021 : i32 to index
    %get3A_1024 = arith.index_cast %multiple_of3A_1019 : i32 to index
    %get3A_1025 = tpu.vector_load %arg8[%get3A_1022, %get3A_1023, %get3A_1024] {strides = array<i32>} : memref<32x8x128xf32, #tpu.memory_space<vmem>>, vector<1x1x16xf32>,
    %get3A_1026 = vector.shape_cast %get3A_1025 : vector<1x1x16xf32> to vector<16xf32>
    %slice3A_1027 = vector.extract_strided_slice %and3A_934 {offsets = [2], sizes = [1], strides = [1]} : vector<16xi32> to vector<1xi32>
    %squeeze3A_1028 = vector.extract %slice3A_1027[0] : i32 from vector<1xi32>
    %broadcast_in_dim3A_1029 = vector.broadcast %squeeze3A_1028 : i32 to vector<16xi32>
    %broadcast_in_dim3A_1030 = vector.shape_cast %broadcast_in_dim3A_1029 : vector<16xi32> to vector<16x1xi32>
    %gather3A_1031 = vector.shape_cast %broadcast_in_dim3A_1030 : vector<16x1xi32> to vector<16xi32>
    %gather3A_1032 = tpu.dynamic_gather %get3A_1026[%gather3A_1031] in [0] : vector<16xf32>, vector<16xi32> -> vector<16xf32>
    %eq3A_1033 = arith.constant 2 : i32
    %eq3A_1034 = vector.broadcast %eq3A_1033 : i32 to vector<16xi32>
    %eq3A_1035 = arith.cmpi eq, %iota3A, %eq3A_1034 : vector<16xi32>
    %select_n3A_1036 = arith.select %eq3A_1035, %gather3A_1032, %select_n3A_998 : vector<16xi1>, vector<16xf32>
    %slice3A_1037 = vector.extract_strided_slice %and3A_937 {offsets = [2], sizes = [1], strides = [1]} : vector<16xi32> to vector<1xi32>
    %squeeze3A_1038 = vector.extract %slice3A_1037[0] : i32 from vector<1xi32>
    %multiple_of3A_1039 = tpu.assume_multiple %squeeze3A_1038, 16 : i32
    %get3A_1040 = arith.constant 2 : i32
    %get3A_1041 = arith.index_cast %get3A_1040 : i32 to index
    %get3A_1042 = arith.index_cast %multiple_of3A_1039 : i32 to index
    %get3A_1043 = tpu.vector_load %arg9[%get3A_1041, %get3A_1042] {strides = array<i32>} : memref<32x256xf32, #tpu.memory_space<vmem>>, vector<1x16xf32>,
    %get3A_1044 = vector.shape_cast %get3A_1043 : vector<1x16xf32> to vector<16xf32>
    %slice3A_1045 = vector.extract_strided_slice %and3A_940 {offsets = [2], sizes = [1], strides = [1]} : vector<16xi32> to vector<1xi32>
    %squeeze3A_1046 = vector.extract %slice3A_1045[0] : i32 from vector<1xi32>
    %broadcast_in_dim3A_1047 = vector.broadcast %squeeze3A_1046 : i32 to vector<16xi32>
    %broadcast_in_dim3A_1048 = vector.shape_cast %broadcast_in_dim3A_1047 : vector<16xi32> to vector<16x1xi32>
    %gather3A_1049 = vector.shape_cast %broadcast_in_dim3A_1048 : vector<16x1xi32> to vector<16xi32>
    %gather3A_1050 = tpu.dynamic_gather %get3A_1044[%gather3A_1049] in [0] : vector<16xf32>, vector<16xi32> -> vector<16xf32>
    %eq3A_1051 = arith.constant 2 : i32
    %eq3A_1052 = vector.broadcast %eq3A_1051 : i32 to vector<16xi32>
    %eq3A_1053 = arith.cmpi eq, %iota3A, %eq3A_1052 : vector<16xi32>
    %select_n3A_1054 = arith.select %eq3A_1053, %gather3A_1050, %select_n3A_1016 : vector<16xi1>, vector<16xf32>
    %slice3A_1055 = vector.extract_strided_slice %and3A_931 {offsets = [3], sizes = [1], strides = [1]} : vector<16xi32> to vector<1xi32>
    %squeeze3A_1056 = vector.extract %slice3A_1055[0] : i32 from vector<1xi32>
    %multiple_of3A_1057 = tpu.assume_multiple %squeeze3A_1056, 16 : i32
    %get3A_1058 = arith.constant 3 : i32
    %get3A_1059 = arith.constant 3 : i32
    %get3A_1060 = arith.index_cast %get3A_1058 : i32 to index
    %get3A_1061 = arith.index_cast %get3A_1059 : i32 to index
    %get3A_1062 = arith.index_cast %multiple_of3A_1057 : i32 to index
    %get3A_1063 = tpu.vector_load %arg8[%get3A_1060, %get3A_1061, %get3A_1062] {strides = array<i32>} : memref<32x8x128xf32, #tpu.memory_space<vmem>>, vector<1x1x16xf32>,
    %get3A_1064 = vector.shape_cast %get3A_1063 : vector<1x1x16xf32> to vector<16xf32>
    %slice3A_1065 = vector.extract_strided_slice %and3A_934 {offsets = [3], sizes = [1], strides = [1]} : vector<16xi32> to vector<1xi32>
    %squeeze3A_1066 = vector.extract %slice3A_1065[0] : i32 from vector<1xi32>
    %broadcast_in_dim3A_1067 = vector.broadcast %squeeze3A_1066 : i32 to vector<16xi32>
    %broadcast_in_dim3A_1068 = vector.shape_cast %broadcast_in_dim3A_1067 : vector<16xi32> to vector<16x1xi32>
    %gather3A_1069 = vector.shape_cast %broadcast_in_dim3A_1068 : vector<16x1xi32> to vector<16xi32>
    %gather3A_1070 = tpu.dynamic_gather %get3A_1064[%gather3A_1069] in [0] : vector<16xf32>, vector<16xi32> -> vector<16xf32>
    %eq3A_1071 = arith.constant 3 : i32
    %eq3A_1072 = vector.broadcast %eq3A_1071 : i32 to vector<16xi32>
    %eq3A_1073 = arith.cmpi eq, %iota3A, %eq3A_1072 : vector<16xi32>
    %select_n3A_1074 = arith.select %eq3A_1073, %gather3A_1070, %select_n3A_1036 : vector<16xi1>, vector<16xf32>
    %slice3A_1075 = vector.extract_strided_slice %and3A_937 {offsets = [3], sizes = [1], strides = [1]} : vector<16xi32> to vector<1xi32>
    %squeeze3A_1076 = vector.extract %slice3A_1075[0] : i32 from vector<1xi32>
    %multiple_of3A_1077 = tpu.assume_multiple %squeeze3A_1076, 16 : i32
    %get3A_1078 = arith.constant 3 : i32
    %get3A_1079 = arith.index_cast %get3A_1078 : i32 to index
    %get3A_1080 = arith.index_cast %multiple_of3A_1077 : i32 to index
    %get3A_1081 = tpu.vector_load %arg9[%get3A_1079, %get3A_1080] {strides = array<i32>} : memref<32x256xf32, #tpu.memory_space<vmem>>, vector<1x16xf32>,
    %get3A_1082 = vector.shape_cast %get3A_1081 : vector<1x16xf32> to vector<16xf32>
    %slice3A_1083 = vector.extract_strided_slice %and3A_940 {offsets = [3], sizes = [1], strides = [1]} : vector<16xi32> to vector<1xi32>
    %squeeze3A_1084 = vector.extract %slice3A_1083[0] : i32 from vector<1xi32>
    %broadcast_in_dim3A_1085 = vector.broadcast %squeeze3A_1084 : i32 to vector<16xi32>
    %broadcast_in_dim3A_1086 = vector.shape_cast %broadcast_in_dim3A_1085 : vector<16xi32> to vector<16x1xi32>
    %gather3A_1087 = vector.shape_cast %broadcast_in_dim3A_1086 : vector<16x1xi32> to vector<16xi32>
    %gather3A_1088 = tpu.dynamic_gather %get3A_1082[%gather3A_1087] in [0] : vector<16xf32>, vector<16xi32> -> vector<16xf32>
    %eq3A_1089 = arith.constant 3 : i32
    %eq3A_1090 = vector.broadcast %eq3A_1089 : i32 to vector<16xi32>
    %eq3A_1091 = arith.cmpi eq, %iota3A, %eq3A_1090 : vector<16xi32>
    %select_n3A_1092 = arith.select %eq3A_1091, %gather3A_1088, %select_n3A_1054 : vector<16xi1>, vector<16xf32>
    %slice3A_1093 = vector.extract_strided_slice %and3A_931 {offsets = [4], sizes = [1], strides = [1]} : vector<16xi32> to vector<1xi32>
    %squeeze3A_1094 = vector.extract %slice3A_1093[0] : i32 from vector<1xi32>
    %multiple_of3A_1095 = tpu.assume_multiple %squeeze3A_1094, 16 : i32
    %get3A_1096 = arith.constant 4 : i32
    %get3A_1097 = arith.constant 4 : i32
    %get3A_1098 = arith.index_cast %get3A_1096 : i32 to index
    %get3A_1099 = arith.index_cast %get3A_1097 : i32 to index
    %get3A_1100 = arith.index_cast %multiple_of3A_1095 : i32 to index
    %get3A_1101 = tpu.vector_load %arg8[%get3A_1098, %get3A_1099, %get3A_1100] {strides = array<i32>} : memref<32x8x128xf32, #tpu.memory_space<vmem>>, vector<1x1x16xf32>,
    %get3A_1102 = vector.shape_cast %get3A_1101 : vector<1x1x16xf32> to vector<16xf32>
    %slice3A_1103 = vector.extract_strided_slice %and3A_934 {offsets = [4], sizes = [1], strides = [1]} : vector<16xi32> to vector<1xi32>
    %squeeze3A_1104 = vector.extract %slice3A_1103[0] : i32 from vector<1xi32>
    %broadcast_in_dim3A_1105 = vector.broadcast %squeeze3A_1104 : i32 to vector<16xi32>
    %broadcast_in_dim3A_1106 = vector.shape_cast %broadcast_in_dim3A_1105 : vector<16xi32> to vector<16x1xi32>
    %gather3A_1107 = vector.shape_cast %broadcast_in_dim3A_1106 : vector<16x1xi32> to vector<16xi32>
    %gather3A_1108 = tpu.dynamic_gather %get3A_1102[%gather3A_1107] in [0] : vector<16xf32>, vector<16xi32> -> vector<16xf32>
    %eq3A_1109 = arith.constant 4 : i32
    %eq3A_1110 = vector.broadcast %eq3A_1109 : i32 to vector<16xi32>
    %eq3A_1111 = arith.cmpi eq, %iota3A, %eq3A_1110 : vector<16xi32>
    %select_n3A_1112 = arith.select %eq3A_1111, %gather3A_1108, %select_n3A_1074 : vector<16xi1>, vector<16xf32>
    %slice3A_1113 = vector.extract_strided_slice %and3A_937 {offsets = [4], sizes = [1], strides = [1]} : vector<16xi32> to vector<1xi32>
    %squeeze3A_1114 = vector.extract %slice3A_1113[0] : i32 from vector<1xi32>
    %multiple_of3A_1115 = tpu.assume_multiple %squeeze3A_1114, 16 : i32
    %get3A_1116 = arith.constant 4 : i32
    %get3A_1117 = arith.index_cast %get3A_1116 : i32 to index
    %get3A_1118 = arith.index_cast %multiple_of3A_1115 : i32 to index
    %get3A_1119 = tpu.vector_load %arg9[%get3A_1117, %get3A_1118] {strides = array<i32>} : memref<32x256xf32, #tpu.memory_space<vmem>>, vector<1x16xf32>,
    %get3A_1120 = vector.shape_cast %get3A_1119 : vector<1x16xf32> to vector<16xf32>
    %slice3A_1121 = vector.extract_strided_slice %and3A_940 {offsets = [4], sizes = [1], strides = [1]} : vector<16xi32> to vector<1xi32>
    %squeeze3A_1122 = vector.extract %slice3A_1121[0] : i32 from vector<1xi32>
    %broadcast_in_dim3A_1123 = vector.broadcast %squeeze3A_1122 : i32 to vector<16xi32>
    %broadcast_in_dim3A_1124 = vector.shape_cast %broadcast_in_dim3A_1123 : vector<16xi32> to vector<16x1xi32>
    %gather3A_1125 = vector.shape_cast %broadcast_in_dim3A_1124 : vector<16x1xi32> to vector<16xi32>
    %gather3A_1126 = tpu.dynamic_gather %get3A_1120[%gather3A_1125] in [0] : vector<16xf32>, vector<16xi32> -> vector<16xf32>
    %eq3A_1127 = arith.constant 4 : i32
    %eq3A_1128 = vector.broadcast %eq3A_1127 : i32 to vector<16xi32>
    %eq3A_1129 = arith.cmpi eq, %iota3A, %eq3A_1128 : vector<16xi32>
    %select_n3A_1130 = arith.select %eq3A_1129, %gather3A_1126, %select_n3A_1092 : vector<16xi1>, vector<16xf32>
    %slice3A_1131 = vector.extract_strided_slice %and3A_931 {offsets = [5], sizes = [1], strides = [1]} : vector<16xi32> to vector<1xi32>
    %squeeze3A_1132 = vector.extract %slice3A_1131[0] : i32 from vector<1xi32>
    %multiple_of3A_1133 = tpu.assume_multiple %squeeze3A_1132, 16 : i32
    %get3A_1134 = arith.constant 5 : i32
    %get3A_1135 = arith.constant 5 : i32
    %get3A_1136 = arith.index_cast %get3A_1134 : i32 to index
    %get3A_1137 = arith.index_cast %get3A_1135 : i32 to index
    %get3A_1138 = arith.index_cast %multiple_of3A_1133 : i32 to index
    %get3A_1139 = tpu.vector_load %arg8[%get3A_1136, %get3A_1137, %get3A_1138] {strides = array<i32>} : memref<32x8x128xf32, #tpu.memory_space<vmem>>, vector<1x1x16xf32>,
    %get3A_1140 = vector.shape_cast %get3A_1139 : vector<1x1x16xf32> to vector<16xf32>
    %slice3A_1141 = vector.extract_strided_slice %and3A_934 {offsets = [5], sizes = [1], strides = [1]} : vector<16xi32> to vector<1xi32>
    %squeeze3A_1142 = vector.extract %slice3A_1141[0] : i32 from vector<1xi32>
    %broadcast_in_dim3A_1143 = vector.broadcast %squeeze3A_1142 : i32 to vector<16xi32>
    %broadcast_in_dim3A_1144 = vector.shape_cast %broadcast_in_dim3A_1143 : vector<16xi32> to vector<16x1xi32>
    %gather3A_1145 = vector.shape_cast %broadcast_in_dim3A_1144 : vector<16x1xi32> to vector<16xi32>
    %gather3A_1146 = tpu.dynamic_gather %get3A_1140[%gather3A_1145] in [0] : vector<16xf32>, vector<16xi32> -> vector<16xf32>
    %eq3A_1147 = arith.constant 5 : i32
    %eq3A_1148 = vector.broadcast %eq3A_1147 : i32 to vector<16xi32>
    %eq3A_1149 = arith.cmpi eq, %iota3A, %eq3A_1148 : vector<16xi32>
    %select_n3A_1150 = arith.select %eq3A_1149, %gather3A_1146, %select_n3A_1112 : vector<16xi1>, vector<16xf32>
    %slice3A_1151 = vector.extract_strided_slice %and3A_937 {offsets = [5], sizes = [1], strides = [1]} : vector<16xi32> to vector<1xi32>
    %squeeze3A_1152 = vector.extract %slice3A_1151[0] : i32 from vector<1xi32>
    %multiple_of3A_1153 = tpu.assume_multiple %squeeze3A_1152, 16 : i32
    %get3A_1154 = arith.constant 5 : i32
    %get3A_1155 = arith.index_cast %get3A_1154 : i32 to index
    %get3A_1156 = arith.index_cast %multiple_of3A_1153 : i32 to index
    %get3A_1157 = tpu.vector_load %arg9[%get3A_1155, %get3A_1156] {strides = array<i32>} : memref<32x256xf32, #tpu.memory_space<vmem>>, vector<1x16xf32>,
    %get3A_1158 = vector.shape_cast %get3A_1157 : vector<1x16xf32> to vector<16xf32>
    %slice3A_1159 = vector.extract_strided_slice %and3A_940 {offsets = [5], sizes = [1], strides = [1]} : vector<16xi32> to vector<1xi32>
    %squeeze3A_1160 = vector.extract %slice3A_1159[0] : i32 from vector<1xi32>
    %broadcast_in_dim3A_1161 = vector.broadcast %squeeze3A_1160 : i32 to vector<16xi32>
    %broadcast_in_dim3A_1162 = vector.shape_cast %broadcast_in_dim3A_1161 : vector<16xi32> to vector<16x1xi32>
    %gather3A_1163 = vector.shape_cast %broadcast_in_dim3A_1162 : vector<16x1xi32> to vector<16xi32>
    %gather3A_1164 = tpu.dynamic_gather %get3A_1158[%gather3A_1163] in [0] : vector<16xf32>, vector<16xi32> -> vector<16xf32>
    %eq3A_1165 = arith.constant 5 : i32
    %eq3A_1166 = vector.broadcast %eq3A_1165 : i32 to vector<16xi32>
    %eq3A_1167 = arith.cmpi eq, %iota3A, %eq3A_1166 : vector<16xi32>
    %select_n3A_1168 = arith.select %eq3A_1167, %gather3A_1164, %select_n3A_1130 : vector<16xi1>, vector<16xf32>
    %slice3A_1169 = vector.extract_strided_slice %and3A_931 {offsets = [6], sizes = [1], strides = [1]} : vector<16xi32> to vector<1xi32>
    %squeeze3A_1170 = vector.extract %slice3A_1169[0] : i32 from vector<1xi32>
    %multiple_of3A_1171 = tpu.assume_multiple %squeeze3A_1170, 16 : i32
    %get3A_1172 = arith.constant 6 : i32
    %get3A_1173 = arith.constant 6 : i32
    %get3A_1174 = arith.index_cast %get3A_1172 : i32 to index
    %get3A_1175 = arith.index_cast %get3A_1173 : i32 to index
    %get3A_1176 = arith.index_cast %multiple_of3A_1171 : i32 to index
    %get3A_1177 = tpu.vector_load %arg8[%get3A_1174, %get3A_1175, %get3A_1176] {strides = array<i32>} : memref<32x8x128xf32, #tpu.memory_space<vmem>>, vector<1x1x16xf32>,
    %get3A_1178 = vector.shape_cast %get3A_1177 : vector<1x1x16xf32> to vector<16xf32>
    %slice3A_1179 = vector.extract_strided_slice %and3A_934 {offsets = [6], sizes = [1], strides = [1]} : vector<16xi32> to vector<1xi32>
    %squeeze3A_1180 = vector.extract %slice3A_1179[0] : i32 from vector<1xi32>
    %broadcast_in_dim3A_1181 = vector.broadcast %squeeze3A_1180 : i32 to vector<16xi32>
    %broadcast_in_dim3A_1182 = vector.shape_cast %broadcast_in_dim3A_1181 : vector<16xi32> to vector<16x1xi32>
    %gather3A_1183 = vector.shape_cast %broadcast_in_dim3A_1182 : vector<16x1xi32> to vector<16xi32>
    %gather3A_1184 = tpu.dynamic_gather %get3A_1178[%gather3A_1183] in [0] : vector<16xf32>, vector<16xi32> -> vector<16xf32>
    %eq3A_1185 = arith.constant 6 : i32
    %eq3A_1186 = vector.broadcast %eq3A_1185 : i32 to vector<16xi32>
    %eq3A_1187 = arith.cmpi eq, %iota3A, %eq3A_1186 : vector<16xi32>
    %select_n3A_1188 = arith.select %eq3A_1187, %gather3A_1184, %select_n3A_1150 : vector<16xi1>, vector<16xf32>
    %slice3A_1189 = vector.extract_strided_slice %and3A_937 {offsets = [6], sizes = [1], strides = [1]} : vector<16xi32> to vector<1xi32>
    %squeeze3A_1190 = vector.extract %slice3A_1189[0] : i32 from vector<1xi32>
    %multiple_of3A_1191 = tpu.assume_multiple %squeeze3A_1190, 16 : i32
    %get3A_1192 = arith.constant 6 : i32
    %get3A_1193 = arith.index_cast %get3A_1192 : i32 to index
    %get3A_1194 = arith.index_cast %multiple_of3A_1191 : i32 to index
    %get3A_1195 = tpu.vector_load %arg9[%get3A_1193, %get3A_1194] {strides = array<i32>} : memref<32x256xf32, #tpu.memory_space<vmem>>, vector<1x16xf32>,
    %get3A_1196 = vector.shape_cast %get3A_1195 : vector<1x16xf32> to vector<16xf32>
    %slice3A_1197 = vector.extract_strided_slice %and3A_940 {offsets = [6], sizes = [1], strides = [1]} : vector<16xi32> to vector<1xi32>
    %squeeze3A_1198 = vector.extract %slice3A_1197[0] : i32 from vector<1xi32>
    %broadcast_in_dim3A_1199 = vector.broadcast %squeeze3A_1198 : i32 to vector<16xi32>
    %broadcast_in_dim3A_1200 = vector.shape_cast %broadcast_in_dim3A_1199 : vector<16xi32> to vector<16x1xi32>
    %gather3A_1201 = vector.shape_cast %broadcast_in_dim3A_1200 : vector<16x1xi32> to vector<16xi32>
    %gather3A_1202 = tpu.dynamic_gather %get3A_1196[%gather3A_1201] in [0] : vector<16xf32>, vector<16xi32> -> vector<16xf32>
    %eq3A_1203 = arith.constant 6 : i32
    %eq3A_1204 = vector.broadcast %eq3A_1203 : i32 to vector<16xi32>
    %eq3A_1205 = arith.cmpi eq, %iota3A, %eq3A_1204 : vector<16xi32>
    %select_n3A_1206 = arith.select %eq3A_1205, %gather3A_1202, %select_n3A_1168 : vector<16xi1>, vector<16xf32>
    %slice3A_1207 = vector.extract_strided_slice %and3A_931 {offsets = [7], sizes = [1], strides = [1]} : vector<16xi32> to vector<1xi32>
    %squeeze3A_1208 = vector.extract %slice3A_1207[0] : i32 from vector<1xi32>
    %multiple_of3A_1209 = tpu.assume_multiple %squeeze3A_1208, 16 : i32
    %get3A_1210 = arith.constant 7 : i32
    %get3A_1211 = arith.constant 7 : i32
    %get3A_1212 = arith.index_cast %get3A_1210 : i32 to index
    %get3A_1213 = arith.index_cast %get3A_1211 : i32 to index
    %get3A_1214 = arith.index_cast %multiple_of3A_1209 : i32 to index
    %get3A_1215 = tpu.vector_load %arg8[%get3A_1212, %get3A_1213, %get3A_1214] {strides = array<i32>} : memref<32x8x128xf32, #tpu.memory_space<vmem>>, vector<1x1x16xf32>,
    %get3A_1216 = vector.shape_cast %get3A_1215 : vector<1x1x16xf32> to vector<16xf32>
    %slice3A_1217 = vector.extract_strided_slice %and3A_934 {offsets = [7], sizes = [1], strides = [1]} : vector<16xi32> to vector<1xi32>
    %squeeze3A_1218 = vector.extract %slice3A_1217[0] : i32 from vector<1xi32>
    %broadcast_in_dim3A_1219 = vector.broadcast %squeeze3A_1218 : i32 to vector<16xi32>
    %broadcast_in_dim3A_1220 = vector.shape_cast %broadcast_in_dim3A_1219 : vector<16xi32> to vector<16x1xi32>
    %gather3A_1221 = vector.shape_cast %broadcast_in_dim3A_1220 : vector<16x1xi32> to vector<16xi32>
    %gather3A_1222 = tpu.dynamic_gather %get3A_1216[%gather3A_1221] in [0] : vector<16xf32>, vector<16xi32> -> vector<16xf32>
    %eq3A_1223 = arith.constant 7 : i32
    %eq3A_1224 = vector.broadcast %eq3A_1223 : i32 to vector<16xi32>
    %eq3A_1225 = arith.cmpi eq, %iota3A, %eq3A_1224 : vector<16xi32>
    %select_n3A_1226 = arith.select %eq3A_1225, %gather3A_1222, %select_n3A_1188 : vector<16xi1>, vector<16xf32>
    %slice3A_1227 = vector.extract_strided_slice %and3A_937 {offsets = [7], sizes = [1], strides = [1]} : vector<16xi32> to vector<1xi32>
    %squeeze3A_1228 = vector.extract %slice3A_1227[0] : i32 from vector<1xi32>
    %multiple_of3A_1229 = tpu.assume_multiple %squeeze3A_1228, 16 : i32
    %get3A_1230 = arith.constant 7 : i32
    %get3A_1231 = arith.index_cast %get3A_1230 : i32 to index
    %get3A_1232 = arith.index_cast %multiple_of3A_1229 : i32 to index
    %get3A_1233 = tpu.vector_load %arg9[%get3A_1231, %get3A_1232] {strides = array<i32>} : memref<32x256xf32, #tpu.memory_space<vmem>>, vector<1x16xf32>,
    %get3A_1234 = vector.shape_cast %get3A_1233 : vector<1x16xf32> to vector<16xf32>
    %slice3A_1235 = vector.extract_strided_slice %and3A_940 {offsets = [7], sizes = [1], strides = [1]} : vector<16xi32> to vector<1xi32>
    %squeeze3A_1236 = vector.extract %slice3A_1235[0] : i32 from vector<1xi32>
    %broadcast_in_dim3A_1237 = vector.broadcast %squeeze3A_1236 : i32 to vector<16xi32>
    %broadcast_in_dim3A_1238 = vector.shape_cast %broadcast_in_dim3A_1237 : vector<16xi32> to vector<16x1xi32>
    %gather3A_1239 = vector.shape_cast %broadcast_in_dim3A_1238 : vector<16x1xi32> to vector<16xi32>
    %gather3A_1240 = tpu.dynamic_gather %get3A_1234[%gather3A_1239] in [0] : vector<16xf32>, vector<16xi32> -> vector<16xf32>
    %eq3A_1241 = arith.constant 7 : i32
    %eq3A_1242 = vector.broadcast %eq3A_1241 : i32 to vector<16xi32>
    %eq3A_1243 = arith.cmpi eq, %iota3A, %eq3A_1242 : vector<16xi32>
    %select_n3A_1244 = arith.select %eq3A_1243, %gather3A_1240, %select_n3A_1206 : vector<16xi1>, vector<16xf32>
    %slice3A_1245 = vector.extract_strided_slice %and3A_931 {offsets = [8], sizes = [1], strides = [1]} : vector<16xi32> to vector<1xi32>
    %squeeze3A_1246 = vector.extract %slice3A_1245[0] : i32 from vector<1xi32>
    %multiple_of3A_1247 = tpu.assume_multiple %squeeze3A_1246, 16 : i32
    %get3A_1248 = arith.constant 8 : i32
    %get3A_1249 = arith.constant 0 : i32
    %get3A_1250 = arith.index_cast %get3A_1248 : i32 to index
    %get3A_1251 = arith.index_cast %get3A_1249 : i32 to index
    %get3A_1252 = arith.index_cast %multiple_of3A_1247 : i32 to index
    %get3A_1253 = tpu.vector_load %arg8[%get3A_1250, %get3A_1251, %get3A_1252] {strides = array<i32>} : memref<32x8x128xf32, #tpu.memory_space<vmem>>, vector<1x1x16xf32>,
    %get3A_1254 = vector.shape_cast %get3A_1253 : vector<1x1x16xf32> to vector<16xf32>
    %slice3A_1255 = vector.extract_strided_slice %and3A_934 {offsets = [8], sizes = [1], strides = [1]} : vector<16xi32> to vector<1xi32>
    %squeeze3A_1256 = vector.extract %slice3A_1255[0] : i32 from vector<1xi32>
    %broadcast_in_dim3A_1257 = vector.broadcast %squeeze3A_1256 : i32 to vector<16xi32>
    %broadcast_in_dim3A_1258 = vector.shape_cast %broadcast_in_dim3A_1257 : vector<16xi32> to vector<16x1xi32>
    %gather3A_1259 = vector.shape_cast %broadcast_in_dim3A_1258 : vector<16x1xi32> to vector<16xi32>
    %gather3A_1260 = tpu.dynamic_gather %get3A_1254[%gather3A_1259] in [0] : vector<16xf32>, vector<16xi32> -> vector<16xf32>
    %eq3A_1261 = arith.constant 8 : i32
    %eq3A_1262 = vector.broadcast %eq3A_1261 : i32 to vector<16xi32>
    %eq3A_1263 = arith.cmpi eq, %iota3A, %eq3A_1262 : vector<16xi32>
    %select_n3A_1264 = arith.select %eq3A_1263, %gather3A_1260, %select_n3A_1226 : vector<16xi1>, vector<16xf32>
    %slice3A_1265 = vector.extract_strided_slice %and3A_937 {offsets = [8], sizes = [1], strides = [1]} : vector<16xi32> to vector<1xi32>
    %squeeze3A_1266 = vector.extract %slice3A_1265[0] : i32 from vector<1xi32>
    %multiple_of3A_1267 = tpu.assume_multiple %squeeze3A_1266, 16 : i32
    %get3A_1268 = arith.constant 8 : i32
    %get3A_1269 = arith.index_cast %get3A_1268 : i32 to index
    %get3A_1270 = arith.index_cast %multiple_of3A_1267 : i32 to index
    %get3A_1271 = tpu.vector_load %arg9[%get3A_1269, %get3A_1270] {strides = array<i32>} : memref<32x256xf32, #tpu.memory_space<vmem>>, vector<1x16xf32>,
    %get3A_1272 = vector.shape_cast %get3A_1271 : vector<1x16xf32> to vector<16xf32>
    %slice3A_1273 = vector.extract_strided_slice %and3A_940 {offsets = [8], sizes = [1], strides = [1]} : vector<16xi32> to vector<1xi32>
    %squeeze3A_1274 = vector.extract %slice3A_1273[0] : i32 from vector<1xi32>
    %broadcast_in_dim3A_1275 = vector.broadcast %squeeze3A_1274 : i32 to vector<16xi32>
    %broadcast_in_dim3A_1276 = vector.shape_cast %broadcast_in_dim3A_1275 : vector<16xi32> to vector<16x1xi32>
    %gather3A_1277 = vector.shape_cast %broadcast_in_dim3A_1276 : vector<16x1xi32> to vector<16xi32>
    %gather3A_1278 = tpu.dynamic_gather %get3A_1272[%gather3A_1277] in [0] : vector<16xf32>, vector<16xi32> -> vector<16xf32>
    %eq3A_1279 = arith.constant 8 : i32
    %eq3A_1280 = vector.broadcast %eq3A_1279 : i32 to vector<16xi32>
    %eq3A_1281 = arith.cmpi eq, %iota3A, %eq3A_1280 : vector<16xi32>
    %select_n3A_1282 = arith.select %eq3A_1281, %gather3A_1278, %select_n3A_1244 : vector<16xi1>, vector<16xf32>
    %slice3A_1283 = vector.extract_strided_slice %and3A_931 {offsets = [9], sizes = [1], strides = [1]} : vector<16xi32> to vector<1xi32>
    %squeeze3A_1284 = vector.extract %slice3A_1283[0] : i32 from vector<1xi32>
    %multiple_of3A_1285 = tpu.assume_multiple %squeeze3A_1284, 16 : i32
    %get3A_1286 = arith.constant 9 : i32
    %get3A_1287 = arith.constant 1 : i32
    %get3A_1288 = arith.index_cast %get3A_1286 : i32 to index
    %get3A_1289 = arith.index_cast %get3A_1287 : i32 to index
    %get3A_1290 = arith.index_cast %multiple_of3A_1285 : i32 to index
    %get3A_1291 = tpu.vector_load %arg8[%get3A_1288, %get3A_1289, %get3A_1290] {strides = array<i32>} : memref<32x8x128xf32, #tpu.memory_space<vmem>>, vector<1x1x16xf32>,
    %get3A_1292 = vector.shape_cast %get3A_1291 : vector<1x1x16xf32> to vector<16xf32>
    %slice3A_1293 = vector.extract_strided_slice %and3A_934 {offsets = [9], sizes = [1], strides = [1]} : vector<16xi32> to vector<1xi32>
    %squeeze3A_1294 = vector.extract %slice3A_1293[0] : i32 from vector<1xi32>
    %broadcast_in_dim3A_1295 = vector.broadcast %squeeze3A_1294 : i32 to vector<16xi32>
    %broadcast_in_dim3A_1296 = vector.shape_cast %broadcast_in_dim3A_1295 : vector<16xi32> to vector<16x1xi32>
    %gather3A_1297 = vector.shape_cast %broadcast_in_dim3A_1296 : vector<16x1xi32> to vector<16xi32>
    %gather3A_1298 = tpu.dynamic_gather %get3A_1292[%gather3A_1297] in [0] : vector<16xf32>, vector<16xi32> -> vector<16xf32>
    %eq3A_1299 = arith.constant 9 : i32
    %eq3A_1300 = vector.broadcast %eq3A_1299 : i32 to vector<16xi32>
    %eq3A_1301 = arith.cmpi eq, %iota3A, %eq3A_1300 : vector<16xi32>
    %select_n3A_1302 = arith.select %eq3A_1301, %gather3A_1298, %select_n3A_1264 : vector<16xi1>, vector<16xf32>
    %slice3A_1303 = vector.extract_strided_slice %and3A_937 {offsets = [9], sizes = [1], strides = [1]} : vector<16xi32> to vector<1xi32>
    %squeeze3A_1304 = vector.extract %slice3A_1303[0] : i32 from vector<1xi32>
    %multiple_of3A_1305 = tpu.assume_multiple %squeeze3A_1304, 16 : i32
    %get3A_1306 = arith.constant 9 : i32
    %get3A_1307 = arith.index_cast %get3A_1306 : i32 to index
    %get3A_1308 = arith.index_cast %multiple_of3A_1305 : i32 to index
    %get3A_1309 = tpu.vector_load %arg9[%get3A_1307, %get3A_1308] {strides = array<i32>} : memref<32x256xf32, #tpu.memory_space<vmem>>, vector<1x16xf32>,
    %get3A_1310 = vector.shape_cast %get3A_1309 : vector<1x16xf32> to vector<16xf32>
    %slice3A_1311 = vector.extract_strided_slice %and3A_940 {offsets = [9], sizes = [1], strides = [1]} : vector<16xi32> to vector<1xi32>
    %squeeze3A_1312 = vector.extract %slice3A_1311[0] : i32 from vector<1xi32>
    %broadcast_in_dim3A_1313 = vector.broadcast %squeeze3A_1312 : i32 to vector<16xi32>
    %broadcast_in_dim3A_1314 = vector.shape_cast %broadcast_in_dim3A_1313 : vector<16xi32> to vector<16x1xi32>
    %gather3A_1315 = vector.shape_cast %broadcast_in_dim3A_1314 : vector<16x1xi32> to vector<16xi32>
    %gather3A_1316 = tpu.dynamic_gather %get3A_1310[%gather3A_1315] in [0] : vector<16xf32>, vector<16xi32> -> vector<16xf32>
    %eq3A_1317 = arith.constant 9 : i32
    %eq3A_1318 = vector.broadcast %eq3A_1317 : i32 to vector<16xi32>
    %eq3A_1319 = arith.cmpi eq, %iota3A, %eq3A_1318 : vector<16xi32>
    %select_n3A_1320 = arith.select %eq3A_1319, %gather3A_1316, %select_n3A_1282 : vector<16xi1>, vector<16xf32>
    %slice3A_1321 = vector.extract_strided_slice %and3A_931 {offsets = [10], sizes = [1], strides = [1]} : vector<16xi32> to vector<1xi32>
    %squeeze3A_1322 = vector.extract %slice3A_1321[0] : i32 from vector<1xi32>
    %multiple_of3A_1323 = tpu.assume_multiple %squeeze3A_1322, 16 : i32
    %get3A_1324 = arith.constant 10 : i32
    %get3A_1325 = arith.constant 2 : i32
    %get3A_1326 = arith.index_cast %get3A_1324 : i32 to index
    %get3A_1327 = arith.index_cast %get3A_1325 : i32 to index
    %get3A_1328 = arith.index_cast %multiple_of3A_1323 : i32 to index
    %get3A_1329 = tpu.vector_load %arg8[%get3A_1326, %get3A_1327, %get3A_1328] {strides = array<i32>} : memref<32x8x128xf32, #tpu.memory_space<vmem>>, vector<1x1x16xf32>,
    %get3A_1330 = vector.shape_cast %get3A_1329 : vector<1x1x16xf32> to vector<16xf32>
    %slice3A_1331 = vector.extract_strided_slice %and3A_934 {offsets = [10], sizes = [1], strides = [1]} : vector<16xi32> to vector<1xi32>
    %squeeze3A_1332 = vector.extract %slice3A_1331[0] : i32 from vector<1xi32>
    %broadcast_in_dim3A_1333 = vector.broadcast %squeeze3A_1332 : i32 to vector<16xi32>
    %broadcast_in_dim3A_1334 = vector.shape_cast %broadcast_in_dim3A_1333 : vector<16xi32> to vector<16x1xi32>
    %gather3A_1335 = vector.shape_cast %broadcast_in_dim3A_1334 : vector<16x1xi32> to vector<16xi32>
    %gather3A_1336 = tpu.dynamic_gather %get3A_1330[%gather3A_1335] in [0] : vector<16xf32>, vector<16xi32> -> vector<16xf32>
    %eq3A_1337 = arith.constant 10 : i32
    %eq3A_1338 = vector.broadcast %eq3A_1337 : i32 to vector<16xi32>
    %eq3A_1339 = arith.cmpi eq, %iota3A, %eq3A_1338 : vector<16xi32>
    %select_n3A_1340 = arith.select %eq3A_1339, %gather3A_1336, %select_n3A_1302 : vector<16xi1>, vector<16xf32>
    %slice3A_1341 = vector.extract_strided_slice %and3A_937 {offsets = [10], sizes = [1], strides = [1]} : vector<16xi32> to vector<1xi32>
    %squeeze3A_1342 = vector.extract %slice3A_1341[0] : i32 from vector<1xi32>
    %multiple_of3A_1343 = tpu.assume_multiple %squeeze3A_1342, 16 : i32
    %get3A_1344 = arith.constant 10 : i32
    %get3A_1345 = arith.index_cast %get3A_1344 : i32 to index
    %get3A_1346 = arith.index_cast %multiple_of3A_1343 : i32 to index
    %get3A_1347 = tpu.vector_load %arg9[%get3A_1345, %get3A_1346] {strides = array<i32>} : memref<32x256xf32, #tpu.memory_space<vmem>>, vector<1x16xf32>,
    %get3A_1348 = vector.shape_cast %get3A_1347 : vector<1x16xf32> to vector<16xf32>
    %slice3A_1349 = vector.extract_strided_slice %and3A_940 {offsets = [10], sizes = [1], strides = [1]} : vector<16xi32> to vector<1xi32>
    %squeeze3A_1350 = vector.extract %slice3A_1349[0] : i32 from vector<1xi32>
    %broadcast_in_dim3A_1351 = vector.broadcast %squeeze3A_1350 : i32 to vector<16xi32>
    %broadcast_in_dim3A_1352 = vector.shape_cast %broadcast_in_dim3A_1351 : vector<16xi32> to vector<16x1xi32>
    %gather3A_1353 = vector.shape_cast %broadcast_in_dim3A_1352 : vector<16x1xi32> to vector<16xi32>
    %gather3A_1354 = tpu.dynamic_gather %get3A_1348[%gather3A_1353] in [0] : vector<16xf32>, vector<16xi32> -> vector<16xf32>
    %eq3A_1355 = arith.constant 10 : i32
    %eq3A_1356 = vector.broadcast %eq3A_1355 : i32 to vector<16xi32>
    %eq3A_1357 = arith.cmpi eq, %iota3A, %eq3A_1356 : vector<16xi32>
    %select_n3A_1358 = arith.select %eq3A_1357, %gather3A_1354, %select_n3A_1320 : vector<16xi1>, vector<16xf32>
    %slice3A_1359 = vector.extract_strided_slice %and3A_931 {offsets = [11], sizes = [1], strides = [1]} : vector<16xi32> to vector<1xi32>
    %squeeze3A_1360 = vector.extract %slice3A_1359[0] : i32 from vector<1xi32>
    %multiple_of3A_1361 = tpu.assume_multiple %squeeze3A_1360, 16 : i32
    %get3A_1362 = arith.constant 11 : i32
    %get3A_1363 = arith.constant 3 : i32
    %get3A_1364 = arith.index_cast %get3A_1362 : i32 to index
    %get3A_1365 = arith.index_cast %get3A_1363 : i32 to index
    %get3A_1366 = arith.index_cast %multiple_of3A_1361 : i32 to index
    %get3A_1367 = tpu.vector_load %arg8[%get3A_1364, %get3A_1365, %get3A_1366] {strides = array<i32>} : memref<32x8x128xf32, #tpu.memory_space<vmem>>, vector<1x1x16xf32>,
    %get3A_1368 = vector.shape_cast %get3A_1367 : vector<1x1x16xf32> to vector<16xf32>
    %slice3A_1369 = vector.extract_strided_slice %and3A_934 {offsets = [11], sizes = [1], strides = [1]} : vector<16xi32> to vector<1xi32>
    %squeeze3A_1370 = vector.extract %slice3A_1369[0] : i32 from vector<1xi32>
    %broadcast_in_dim3A_1371 = vector.broadcast %squeeze3A_1370 : i32 to vector<16xi32>
    %broadcast_in_dim3A_1372 = vector.shape_cast %broadcast_in_dim3A_1371 : vector<16xi32> to vector<16x1xi32>
    %gather3A_1373 = vector.shape_cast %broadcast_in_dim3A_1372 : vector<16x1xi32> to vector<16xi32>
    %gather3A_1374 = tpu.dynamic_gather %get3A_1368[%gather3A_1373] in [0] : vector<16xf32>, vector<16xi32> -> vector<16xf32>
    %eq3A_1375 = arith.constant 11 : i32
    %eq3A_1376 = vector.broadcast %eq3A_1375 : i32 to vector<16xi32>
    %eq3A_1377 = arith.cmpi eq, %iota3A, %eq3A_1376 : vector<16xi32>
    %select_n3A_1378 = arith.select %eq3A_1377, %gather3A_1374, %select_n3A_1340 : vector<16xi1>, vector<16xf32>
    %slice3A_1379 = vector.extract_strided_slice %and3A_937 {offsets = [11], sizes = [1], strides = [1]} : vector<16xi32> to vector<1xi32>
    %squeeze3A_1380 = vector.extract %slice3A_1379[0] : i32 from vector<1xi32>
    %multiple_of3A_1381 = tpu.assume_multiple %squeeze3A_1380, 16 : i32
    %get3A_1382 = arith.constant 11 : i32
    %get3A_1383 = arith.index_cast %get3A_1382 : i32 to index
    %get3A_1384 = arith.index_cast %multiple_of3A_1381 : i32 to index
    %get3A_1385 = tpu.vector_load %arg9[%get3A_1383, %get3A_1384] {strides = array<i32>} : memref<32x256xf32, #tpu.memory_space<vmem>>, vector<1x16xf32>,
    %get3A_1386 = vector.shape_cast %get3A_1385 : vector<1x16xf32> to vector<16xf32>
    %slice3A_1387 = vector.extract_strided_slice %and3A_940 {offsets = [11], sizes = [1], strides = [1]} : vector<16xi32> to vector<1xi32>
    %squeeze3A_1388 = vector.extract %slice3A_1387[0] : i32 from vector<1xi32>
    %broadcast_in_dim3A_1389 = vector.broadcast %squeeze3A_1388 : i32 to vector<16xi32>
    %broadcast_in_dim3A_1390 = vector.shape_cast %broadcast_in_dim3A_1389 : vector<16xi32> to vector<16x1xi32>
    %gather3A_1391 = vector.shape_cast %broadcast_in_dim3A_1390 : vector<16x1xi32> to vector<16xi32>
    %gather3A_1392 = tpu.dynamic_gather %get3A_1386[%gather3A_1391] in [0] : vector<16xf32>, vector<16xi32> -> vector<16xf32>
    %eq3A_1393 = arith.constant 11 : i32
    %eq3A_1394 = vector.broadcast %eq3A_1393 : i32 to vector<16xi32>
    %eq3A_1395 = arith.cmpi eq, %iota3A, %eq3A_1394 : vector<16xi32>
    %select_n3A_1396 = arith.select %eq3A_1395, %gather3A_1392, %select_n3A_1358 : vector<16xi1>, vector<16xf32>
    %slice3A_1397 = vector.extract_strided_slice %and3A_931 {offsets = [12], sizes = [1], strides = [1]} : vector<16xi32> to vector<1xi32>
    %squeeze3A_1398 = vector.extract %slice3A_1397[0] : i32 from vector<1xi32>
    %multiple_of3A_1399 = tpu.assume_multiple %squeeze3A_1398, 16 : i32
    %get3A_1400 = arith.constant 12 : i32
    %get3A_1401 = arith.constant 4 : i32
    %get3A_1402 = arith.index_cast %get3A_1400 : i32 to index
    %get3A_1403 = arith.index_cast %get3A_1401 : i32 to index
    %get3A_1404 = arith.index_cast %multiple_of3A_1399 : i32 to index
    %get3A_1405 = tpu.vector_load %arg8[%get3A_1402, %get3A_1403, %get3A_1404] {strides = array<i32>} : memref<32x8x128xf32, #tpu.memory_space<vmem>>, vector<1x1x16xf32>,
    %get3A_1406 = vector.shape_cast %get3A_1405 : vector<1x1x16xf32> to vector<16xf32>
    %slice3A_1407 = vector.extract_strided_slice %and3A_934 {offsets = [12], sizes = [1], strides = [1]} : vector<16xi32> to vector<1xi32>
    %squeeze3A_1408 = vector.extract %slice3A_1407[0] : i32 from vector<1xi32>
    %broadcast_in_dim3A_1409 = vector.broadcast %squeeze3A_1408 : i32 to vector<16xi32>
    %broadcast_in_dim3A_1410 = vector.shape_cast %broadcast_in_dim3A_1409 : vector<16xi32> to vector<16x1xi32>
    %gather3A_1411 = vector.shape_cast %broadcast_in_dim3A_1410 : vector<16x1xi32> to vector<16xi32>
    %gather3A_1412 = tpu.dynamic_gather %get3A_1406[%gather3A_1411] in [0] : vector<16xf32>, vector<16xi32> -> vector<16xf32>
    %eq3A_1413 = arith.constant 12 : i32
    %eq3A_1414 = vector.broadcast %eq3A_1413 : i32 to vector<16xi32>
    %eq3A_1415 = arith.cmpi eq, %iota3A, %eq3A_1414 : vector<16xi32>
    %select_n3A_1416 = arith.select %eq3A_1415, %gather3A_1412, %select_n3A_1378 : vector<16xi1>, vector<16xf32>
    %slice3A_1417 = vector.extract_strided_slice %and3A_937 {offsets = [12], sizes = [1], strides = [1]} : vector<16xi32> to vector<1xi32>
    %squeeze3A_1418 = vector.extract %slice3A_1417[0] : i32 from vector<1xi32>
    %multiple_of3A_1419 = tpu.assume_multiple %squeeze3A_1418, 16 : i32
    %get3A_1420 = arith.constant 12 : i32
    %get3A_1421 = arith.index_cast %get3A_1420 : i32 to index
    %get3A_1422 = arith.index_cast %multiple_of3A_1419 : i32 to index
    %get3A_1423 = tpu.vector_load %arg9[%get3A_1421, %get3A_1422] {strides = array<i32>} : memref<32x256xf32, #tpu.memory_space<vmem>>, vector<1x16xf32>,
    %get3A_1424 = vector.shape_cast %get3A_1423 : vector<1x16xf32> to vector<16xf32>
    %slice3A_1425 = vector.extract_strided_slice %and3A_940 {offsets = [12], sizes = [1], strides = [1]} : vector<16xi32> to vector<1xi32>
    %squeeze3A_1426 = vector.extract %slice3A_1425[0] : i32 from vector<1xi32>
    %broadcast_in_dim3A_1427 = vector.broadcast %squeeze3A_1426 : i32 to vector<16xi32>
    %broadcast_in_dim3A_1428 = vector.shape_cast %broadcast_in_dim3A_1427 : vector<16xi32> to vector<16x1xi32>
    %gather3A_1429 = vector.shape_cast %broadcast_in_dim3A_1428 : vector<16x1xi32> to vector<16xi32>
    %gather3A_1430 = tpu.dynamic_gather %get3A_1424[%gather3A_1429] in [0] : vector<16xf32>, vector<16xi32> -> vector<16xf32>
    %eq3A_1431 = arith.constant 12 : i32
    %eq3A_1432 = vector.broadcast %eq3A_1431 : i32 to vector<16xi32>
    %eq3A_1433 = arith.cmpi eq, %iota3A, %eq3A_1432 : vector<16xi32>
    %select_n3A_1434 = arith.select %eq3A_1433, %gather3A_1430, %select_n3A_1396 : vector<16xi1>, vector<16xf32>
    %slice3A_1435 = vector.extract_strided_slice %and3A_931 {offsets = [13], sizes = [1], strides = [1]} : vector<16xi32> to vector<1xi32>
    %squeeze3A_1436 = vector.extract %slice3A_1435[0] : i32 from vector<1xi32>
    %multiple_of3A_1437 = tpu.assume_multiple %squeeze3A_1436, 16 : i32
    %get3A_1438 = arith.constant 13 : i32
    %get3A_1439 = arith.constant 5 : i32
    %get3A_1440 = arith.index_cast %get3A_1438 : i32 to index
    %get3A_1441 = arith.index_cast %get3A_1439 : i32 to index
    %get3A_1442 = arith.index_cast %multiple_of3A_1437 : i32 to index
    %get3A_1443 = tpu.vector_load %arg8[%get3A_1440, %get3A_1441, %get3A_1442] {strides = array<i32>} : memref<32x8x128xf32, #tpu.memory_space<vmem>>, vector<1x1x16xf32>,
    %get3A_1444 = vector.shape_cast %get3A_1443 : vector<1x1x16xf32> to vector<16xf32>
    %slice3A_1445 = vector.extract_strided_slice %and3A_934 {offsets = [13], sizes = [1], strides = [1]} : vector<16xi32> to vector<1xi32>
    %squeeze3A_1446 = vector.extract %slice3A_1445[0] : i32 from vector<1xi32>
    %broadcast_in_dim3A_1447 = vector.broadcast %squeeze3A_1446 : i32 to vector<16xi32>
    %broadcast_in_dim3A_1448 = vector.shape_cast %broadcast_in_dim3A_1447 : vector<16xi32> to vector<16x1xi32>
    %gather3A_1449 = vector.shape_cast %broadcast_in_dim3A_1448 : vector<16x1xi32> to vector<16xi32>
    %gather3A_1450 = tpu.dynamic_gather %get3A_1444[%gather3A_1449] in [0] : vector<16xf32>, vector<16xi32> -> vector<16xf32>
    %eq3A_1451 = arith.constant 13 : i32
    %eq3A_1452 = vector.broadcast %eq3A_1451 : i32 to vector<16xi32>
    %eq3A_1453 = arith.cmpi eq, %iota3A, %eq3A_1452 : vector<16xi32>
    %select_n3A_1454 = arith.select %eq3A_1453, %gather3A_1450, %select_n3A_1416 : vector<16xi1>, vector<16xf32>
    %slice3A_1455 = vector.extract_strided_slice %and3A_937 {offsets = [13], sizes = [1], strides = [1]} : vector<16xi32> to vector<1xi32>
    %squeeze3A_1456 = vector.extract %slice3A_1455[0] : i32 from vector<1xi32>
    %multiple_of3A_1457 = tpu.assume_multiple %squeeze3A_1456, 16 : i32
    %get3A_1458 = arith.constant 13 : i32
    %get3A_1459 = arith.index_cast %get3A_1458 : i32 to index
    %get3A_1460 = arith.index_cast %multiple_of3A_1457 : i32 to index
    %get3A_1461 = tpu.vector_load %arg9[%get3A_1459, %get3A_1460] {strides = array<i32>} : memref<32x256xf32, #tpu.memory_space<vmem>>, vector<1x16xf32>,
    %get3A_1462 = vector.shape_cast %get3A_1461 : vector<1x16xf32> to vector<16xf32>
    %slice3A_1463 = vector.extract_strided_slice %and3A_940 {offsets = [13], sizes = [1], strides = [1]} : vector<16xi32> to vector<1xi32>
    %squeeze3A_1464 = vector.extract %slice3A_1463[0] : i32 from vector<1xi32>
    %broadcast_in_dim3A_1465 = vector.broadcast %squeeze3A_1464 : i32 to vector<16xi32>
    %broadcast_in_dim3A_1466 = vector.shape_cast %broadcast_in_dim3A_1465 : vector<16xi32> to vector<16x1xi32>
    %gather3A_1467 = vector.shape_cast %broadcast_in_dim3A_1466 : vector<16x1xi32> to vector<16xi32>
    %gather3A_1468 = tpu.dynamic_gather %get3A_1462[%gather3A_1467] in [0] : vector<16xf32>, vector<16xi32> -> vector<16xf32>
    %eq3A_1469 = arith.constant 13 : i32
    %eq3A_1470 = vector.broadcast %eq3A_1469 : i32 to vector<16xi32>
    %eq3A_1471 = arith.cmpi eq, %iota3A, %eq3A_1470 : vector<16xi32>
    %select_n3A_1472 = arith.select %eq3A_1471, %gather3A_1468, %select_n3A_1434 : vector<16xi1>, vector<16xf32>
    %slice3A_1473 = vector.extract_strided_slice %and3A_931 {offsets = [14], sizes = [1], strides = [1]} : vector<16xi32> to vector<1xi32>
    %squeeze3A_1474 = vector.extract %slice3A_1473[0] : i32 from vector<1xi32>
    %multiple_of3A_1475 = tpu.assume_multiple %squeeze3A_1474, 16 : i32
    %get3A_1476 = arith.constant 14 : i32
    %get3A_1477 = arith.constant 6 : i32
    %get3A_1478 = arith.index_cast %get3A_1476 : i32 to index
    %get3A_1479 = arith.index_cast %get3A_1477 : i32 to index
    %get3A_1480 = arith.index_cast %multiple_of3A_1475 : i32 to index
    %get3A_1481 = tpu.vector_load %arg8[%get3A_1478, %get3A_1479, %get3A_1480] {strides = array<i32>} : memref<32x8x128xf32, #tpu.memory_space<vmem>>, vector<1x1x16xf32>,
    %get3A_1482 = vector.shape_cast %get3A_1481 : vector<1x1x16xf32> to vector<16xf32>
    %slice3A_1483 = vector.extract_strided_slice %and3A_934 {offsets = [14], sizes = [1], strides = [1]} : vector<16xi32> to vector<1xi32>
    %squeeze3A_1484 = vector.extract %slice3A_1483[0] : i32 from vector<1xi32>
    %broadcast_in_dim3A_1485 = vector.broadcast %squeeze3A_1484 : i32 to vector<16xi32>
    %broadcast_in_dim3A_1486 = vector.shape_cast %broadcast_in_dim3A_1485 : vector<16xi32> to vector<16x1xi32>
    %gather3A_1487 = vector.shape_cast %broadcast_in_dim3A_1486 : vector<16x1xi32> to vector<16xi32>
    %gather3A_1488 = tpu.dynamic_gather %get3A_1482[%gather3A_1487] in [0] : vector<16xf32>, vector<16xi32> -> vector<16xf32>
    %eq3A_1489 = arith.constant 14 : i32
    %eq3A_1490 = vector.broadcast %eq3A_1489 : i32 to vector<16xi32>
    %eq3A_1491 = arith.cmpi eq, %iota3A, %eq3A_1490 : vector<16xi32>
    %select_n3A_1492 = arith.select %eq3A_1491, %gather3A_1488, %select_n3A_1454 : vector<16xi1>, vector<16xf32>
    %slice3A_1493 = vector.extract_strided_slice %and3A_937 {offsets = [14], sizes = [1], strides = [1]} : vector<16xi32> to vector<1xi32>
    %squeeze3A_1494 = vector.extract %slice3A_1493[0] : i32 from vector<1xi32>
    %multiple_of3A_1495 = tpu.assume_multiple %squeeze3A_1494, 16 : i32
    %get3A_1496 = arith.constant 14 : i32
    %get3A_1497 = arith.index_cast %get3A_1496 : i32 to index
    %get3A_1498 = arith.index_cast %multiple_of3A_1495 : i32 to index
    %get3A_1499 = tpu.vector_load %arg9[%get3A_1497, %get3A_1498] {strides = array<i32>} : memref<32x256xf32, #tpu.memory_space<vmem>>, vector<1x16xf32>,
    %get3A_1500 = vector.shape_cast %get3A_1499 : vector<1x16xf32> to vector<16xf32>
    %slice3A_1501 = vector.extract_strided_slice %and3A_940 {offsets = [14], sizes = [1], strides = [1]} : vector<16xi32> to vector<1xi32>
    %squeeze3A_1502 = vector.extract %slice3A_1501[0] : i32 from vector<1xi32>
    %broadcast_in_dim3A_1503 = vector.broadcast %squeeze3A_1502 : i32 to vector<16xi32>
    %broadcast_in_dim3A_1504 = vector.shape_cast %broadcast_in_dim3A_1503 : vector<16xi32> to vector<16x1xi32>
    %gather3A_1505 = vector.shape_cast %broadcast_in_dim3A_1504 : vector<16x1xi32> to vector<16xi32>
    %gather3A_1506 = tpu.dynamic_gather %get3A_1500[%gather3A_1505] in [0] : vector<16xf32>, vector<16xi32> -> vector<16xf32>
    %eq3A_1507 = arith.constant 14 : i32
    %eq3A_1508 = vector.broadcast %eq3A_1507 : i32 to vector<16xi32>
    %eq3A_1509 = arith.cmpi eq, %iota3A, %eq3A_1508 : vector<16xi32>
    %select_n3A_1510 = arith.select %eq3A_1509, %gather3A_1506, %select_n3A_1472 : vector<16xi1>, vector<16xf32>
    %slice3A_1511 = vector.extract_strided_slice %and3A_931 {offsets = [15], sizes = [1], strides = [1]} : vector<16xi32> to vector<1xi32>
    %squeeze3A_1512 = vector.extract %slice3A_1511[0] : i32 from vector<1xi32>
    %multiple_of3A_1513 = tpu.assume_multiple %squeeze3A_1512, 16 : i32
    %get3A_1514 = arith.constant 15 : i32
    %get3A_1515 = arith.constant 7 : i32
    %get3A_1516 = arith.index_cast %get3A_1514 : i32 to index
    %get3A_1517 = arith.index_cast %get3A_1515 : i32 to index
    %get3A_1518 = arith.index_cast %multiple_of3A_1513 : i32 to index
    %get3A_1519 = tpu.vector_load %arg8[%get3A_1516, %get3A_1517, %get3A_1518] {strides = array<i32>} : memref<32x8x128xf32, #tpu.memory_space<vmem>>, vector<1x1x16xf32>,
    %get3A_1520 = vector.shape_cast %get3A_1519 : vector<1x1x16xf32> to vector<16xf32>
    %slice3A_1521 = vector.extract_strided_slice %and3A_934 {offsets = [15], sizes = [1], strides = [1]} : vector<16xi32> to vector<1xi32>
    %squeeze3A_1522 = vector.extract %slice3A_1521[0] : i32 from vector<1xi32>
    %broadcast_in_dim3A_1523 = vector.broadcast %squeeze3A_1522 : i32 to vector<16xi32>
    %broadcast_in_dim3A_1524 = vector.shape_cast %broadcast_in_dim3A_1523 : vector<16xi32> to vector<16x1xi32>
    %gather3A_1525 = vector.shape_cast %broadcast_in_dim3A_1524 : vector<16x1xi32> to vector<16xi32>
    %gather3A_1526 = tpu.dynamic_gather %get3A_1520[%gather3A_1525] in [0] : vector<16xf32>, vector<16xi32> -> vector<16xf32>
    %eq3A_1527 = arith.constant 15 : i32
    %eq3A_1528 = vector.broadcast %eq3A_1527 : i32 to vector<16xi32>
    %eq3A_1529 = arith.cmpi eq, %iota3A, %eq3A_1528 : vector<16xi32>
    %select_n3A_1530 = arith.select %eq3A_1529, %gather3A_1526, %select_n3A_1492 : vector<16xi1>, vector<16xf32>
    %slice3A_1531 = vector.extract_strided_slice %and3A_937 {offsets = [15], sizes = [1], strides = [1]} : vector<16xi32> to vector<1xi32>
    %squeeze3A_1532 = vector.extract %slice3A_1531[0] : i32 from vector<1xi32>
    %multiple_of3A_1533 = tpu.assume_multiple %squeeze3A_1532, 16 : i32
    %get3A_1534 = arith.constant 15 : i32
    %get3A_1535 = arith.index_cast %get3A_1534 : i32 to index
    %get3A_1536 = arith.index_cast %multiple_of3A_1533 : i32 to index
    %get3A_1537 = tpu.vector_load %arg9[%get3A_1535, %get3A_1536] {strides = array<i32>} : memref<32x256xf32, #tpu.memory_space<vmem>>, vector<1x16xf32>,
    %get3A_1538 = vector.shape_cast %get3A_1537 : vector<1x16xf32> to vector<16xf32>
    %slice3A_1539 = vector.extract_strided_slice %and3A_940 {offsets = [15], sizes = [1], strides = [1]} : vector<16xi32> to vector<1xi32>
    %squeeze3A_1540 = vector.extract %slice3A_1539[0] : i32 from vector<1xi32>
    %broadcast_in_dim3A_1541 = vector.broadcast %squeeze3A_1540 : i32 to vector<16xi32>
    %broadcast_in_dim3A_1542 = vector.shape_cast %broadcast_in_dim3A_1541 : vector<16xi32> to vector<16x1xi32>
    %gather3A_1543 = vector.shape_cast %broadcast_in_dim3A_1542 : vector<16x1xi32> to vector<16xi32>
    %gather3A_1544 = tpu.dynamic_gather %get3A_1538[%gather3A_1543] in [0] : vector<16xf32>, vector<16xi32> -> vector<16xf32>
    %eq3A_1545 = arith.constant 15 : i32
    %eq3A_1546 = vector.broadcast %eq3A_1545 : i32 to vector<16xi32>
    %eq3A_1547 = arith.cmpi eq, %iota3A, %eq3A_1546 : vector<16xi32>
    %select_n3A_1548 = arith.select %eq3A_1547, %gather3A_1544, %select_n3A_1510 : vector<16xi1>, vector<16xf32>
    %eq3A_1549 = arith.constant 0 : i32
    %eq3A_1550 = vector.broadcast %eq3A_1549 : i32 to vector<16xi32>
    %eq3A_1551 = arith.cmpi eq, %get3A_925, %eq3A_1550 : vector<16xi32>
    %jit3A = arith.constant 0.000000e+00 : f32
    %broadcast_in_dim3A_1552 = vector.broadcast %jit3A : f32 to vector<16xf32>
    %select_n3A_1553 = arith.select %eq3A_1551, %broadcast_in_dim3A_1552, %select_n3A_1548 : vector<16xi1>, vector<16xf32>
    %add3A_1554 = arith.constant 1.000000e-10 : f32
    %add3A_1555 = vector.broadcast %add3A_1554 : f32 to vector<16xf32>
    %add3A_1556 = arith.addf %select_n3A_1553, %add3A_1555 : vector<16xf32>
    %eq3A_1557 = arith.constant 0 : i32
    %eq3A_1558 = vector.broadcast %eq3A_1557 : i32 to vector<16xi32>
    %eq3A_1559 = arith.cmpi eq, %get3A_925, %eq3A_1558 : vector<16xi32>
    %ne3A = arith.constant 0 : i32
    %ne3A_1560 = vector.broadcast %ne3A : i32 to vector<16xi32>
    %ne3A_1561 = arith.cmpi ne, %get3A_928, %ne3A_1560 : vector<16xi32>
    %or3A = arith.ori %eq3A_1559, %ne3A_1561 : vector<16xi1>
    %add3A_1562 = arith.addf %add3A_1556, %select_n3A_1530 : vector<16xf32>
    %select_n3A_1563 = arith.select %or3A, %add3A_1562, %add3A_1556 : vector<16xi1>, vector<16xf32>
    %add3A_1564 = arith.constant 1.000000e-10 : f32
    %add3A_1565 = vector.broadcast %add3A_1564 : f32 to vector<16xf32>
    %add3A_1566 = arith.addf %select_n3A_1563, %add3A_1565 : vector<16xf32>
    %bitcast_convert_type3A = tpu.bitcast %add3A_1566 : vector<16xf32> -> vector<16xi32>
    %shift_right_arithmetic3A = arith.constant 23 : i32
    %shift_right_arithmetic3A_1567 = vector.broadcast %shift_right_arithmetic3A : i32 to vector<16xi32>
    %shift_right_arithmetic3A_1568 = arith.shrsi %bitcast_convert_type3A, %shift_right_arithmetic3A_1567 : vector<16xi32>
    %sub3A = arith.constant 127 : i32
    %sub3A_1569 = vector.broadcast %sub3A : i32 to vector<16xi32>
    %sub3A_1570 = arith.subi %shift_right_arithmetic3A_1568, %sub3A_1569 : vector<16xi32>
    %and3A_1571 = arith.constant 8388607 : i32
    %and3A_1572 = vector.broadcast %and3A_1571 : i32 to vector<16xi32>
    %and3A_1573 = arith.andi %bitcast_convert_type3A, %and3A_1572 : vector<16xi32>
    %or3A_1574 = arith.constant 1065353216 : i32
    %or3A_1575 = vector.broadcast %or3A_1574 : i32 to vector<16xi32>
    %or3A_1576 = arith.ori %and3A_1573, %or3A_1575 : vector<16xi32>
    %bitcast_convert_type3A_1577 = tpu.bitcast %or3A_1576 : vector<16xi32> -> vector<16xf32>
    %gt3A = arith.constant 1.41421354 : f32
    %gt3A_1578 = vector.broadcast %gt3A : f32 to vector<16xf32>
    %gt3A_1579 = arith.cmpf ogt, %bitcast_convert_type3A_1577, %gt3A_1578 : vector<16xf32>
    %mul3A_1580 = arith.constant 5.000000e-01 : f32
    %mul3A_1581 = vector.broadcast %mul3A_1580 : f32 to vector<16xf32>
    %mul3A_1582 = arith.mulf %bitcast_convert_type3A_1577, %mul3A_1581 : vector<16xf32>
    %select_n3A_1583 = arith.select %gt3A_1579, %mul3A_1582, %bitcast_convert_type3A_1577 : vector<16xi1>, vector<16xf32>
    %convert_element_type3A = arith.sitofp %sub3A_1570 : vector<16xi32> to vector<16xf32>
    %jit3A_1584 = arith.constant 1.000000e+00 : f32
    %jit3A_1585 = arith.constant 0.000000e+00 : f32
    %broadcast_in_dim3A_1586 = vector.broadcast %jit3A_1584 : f32 to vector<16xf32>
    %broadcast_in_dim3A_1587 = vector.broadcast %jit3A_1585 : f32 to vector<16xf32>
    %select_n3A_1588 = arith.select %gt3A_1579, %broadcast_in_dim3A_1586, %broadcast_in_dim3A_1587 : vector<16xi1>, vector<16xf32>
    %add3A_1589 = arith.addf %convert_element_type3A, %select_n3A_1588 : vector<16xf32>
    %sub3A_1590 = arith.constant 1.000000e+00 : f32
    %sub3A_1591 = vector.broadcast %sub3A_1590 : f32 to vector<16xf32>
    %sub3A_1592 = arith.subf %select_n3A_1583, %sub3A_1591 : vector<16xf32>
    %add3A_1593 = arith.constant 1.000000e+00 : f32
    %add3A_1594 = vector.broadcast %add3A_1593 : f32 to vector<16xf32>
    %add3A_1595 = arith.addf %select_n3A_1583, %add3A_1594 : vector<16xf32>
    %div3A = arith.divf %sub3A_1592, %add3A_1595 : vector<16xf32>
    %mul3A_1596 = arith.mulf %div3A, %div3A : vector<16xf32>
    %mul3A_1597 = arith.constant 0.222222224 : f32
    %mul3A_1598 = vector.broadcast %mul3A_1597 : f32 to vector<16xf32>
    %mul3A_1599 = arith.mulf %mul3A_1596, %mul3A_1598 : vector<16xf32>
    %add3A_1600 = arith.constant 0.285714298 : f32
    %add3A_1601 = vector.broadcast %add3A_1600 : f32 to vector<16xf32>
    %add3A_1602 = arith.addf %add3A_1601, %mul3A_1599 : vector<16xf32>
    %mul3A_1603 = arith.mulf %mul3A_1596, %add3A_1602 : vector<16xf32>
    %add3A_1604 = arith.constant 4.000000e-01 : f32
    %add3A_1605 = vector.broadcast %add3A_1604 : f32 to vector<16xf32>
    %add3A_1606 = arith.addf %add3A_1605, %mul3A_1603 : vector<16xf32>
    %mul3A_1607 = arith.mulf %mul3A_1596, %add3A_1606 : vector<16xf32>
    %add3A_1608 = arith.constant 0.666666686 : f32
    %add3A_1609 = vector.broadcast %add3A_1608 : f32 to vector<16xf32>
    %add3A_1610 = arith.addf %add3A_1609, %mul3A_1607 : vector<16xf32>
    %mul3A_1611 = arith.mulf %mul3A_1596, %add3A_1610 : vector<16xf32>
    %add3A_1612 = arith.constant 2.000000e+00 : f32
    %add3A_1613 = vector.broadcast %add3A_1612 : f32 to vector<16xf32>
    %add3A_1614 = arith.addf %add3A_1613, %mul3A_1611 : vector<16xf32>
    %mul3A_1615 = arith.mulf %div3A, %add3A_1614 : vector<16xf32>
    %mul3A_1616 = arith.constant 0.693147182 : f32
    %mul3A_1617 = vector.broadcast %mul3A_1616 : f32 to vector<16xf32>
    %mul3A_1618 = arith.mulf %add3A_1589, %mul3A_1617 : vector<16xf32>
    %add3A_1619 = arith.addf %mul3A_1618, %mul3A_1615 : vector<16xf32>
    %neg3A = arith.constant 0.000000e+00 : f32
    %neg3A_1620 = vector.broadcast %neg3A : f32 to vector<16xf32>
    %neg3A_1621 = arith.subf %neg3A_1620, %add3A_1619 : vector<16xf32>
    %eq3A_1622 = arith.constant 0 : i32
    %eq3A_1623 = vector.broadcast %eq3A_1622 : i32 to vector<16xi32>
    %eq3A_1624 = arith.cmpi eq, %get3A_928, %eq3A_1623 : vector<16xi32>
    %jit3A_1625 = arith.constant 0.000000e+00 : f32
    %broadcast_in_dim3A_1626 = vector.broadcast %jit3A_1625 : f32 to vector<16xf32>
    %select_n3A_1627 = arith.select %eq3A_1624, %broadcast_in_dim3A_1626, %neg3A_1621 : vector<16xi1>, vector<16xf32>
    %swap3A = arith.constant 0 : index
    %swap3A_1628 = tpu.vector_load %arg10[%swap3A] {strides = array<i32>} : memref<32xf32, #tpu.memory_space<vmem>>, vector<16xf32>,
    %swap3A_1629 = vector.shape_cast %swap3A_1628 : vector<16xf32> to vector<16xf32>
    %swap3A_1630 = vector.shape_cast %select_n3A_1627 : vector<16xf32> to vector<16xf32>
    tpu.vector_store %arg10[%swap3A], %swap3A_1630 {strides = array<i32>} : memref<32xf32, #tpu.memory_space<vmem>>, vector<16xf32>,
    %get3A_1631 = arith.constant 16 : index
    %get3A_1632 = tpu.vector_load %arg6[%get3A_1631] {strides = array<i32>} : memref<32xi32, #tpu.memory_space<vmem>>, vector<16xi32>,
    %get3A_1633 = vector.shape_cast %get3A_1632 : vector<16xi32> to vector<16xi32>
    %get3A_1634 = arith.constant 16 : index
    %get3A_1635 = tpu.vector_load %arg7[%get3A_1634] {strides = array<i32>} : memref<32xi32, #tpu.memory_space<vmem>>, vector<16xi32>,
    %get3A_1636 = vector.shape_cast %get3A_1635 : vector<16xi32> to vector<16xi32>
    %and3A_1637 = arith.constant 112 : i32
    %and3A_1638 = vector.broadcast %and3A_1637 : i32 to vector<16xi32>
    %and3A_1639 = arith.andi %get3A_1636, %and3A_1638 : vector<16xi32>
    %and3A_1640 = arith.constant 15 : i32
    %and3A_1641 = vector.broadcast %and3A_1640 : i32 to vector<16xi32>
    %and3A_1642 = arith.andi %get3A_1636, %and3A_1641 : vector<16xi32>
    %and3A_1643 = arith.constant 240 : i32
    %and3A_1644 = vector.broadcast %and3A_1643 : i32 to vector<16xi32>
    %and3A_1645 = arith.andi %get3A_1633, %and3A_1644 : vector<16xi32>
    %and3A_1646 = arith.constant 15 : i32
    %and3A_1647 = vector.broadcast %and3A_1646 : i32 to vector<16xi32>
    %and3A_1648 = arith.andi %get3A_1633, %and3A_1647 : vector<16xi32>
    %broadcast_in_dim3A_1649 = arith.constant 0.000000e+00 : f32
    %broadcast_in_dim3A_1650 = vector.broadcast %broadcast_in_dim3A_1649 : f32 to vector<16xf32>
    %broadcast_in_dim3A_1651 = arith.constant 0.000000e+00 : f32
    %broadcast_in_dim3A_1652 = vector.broadcast %broadcast_in_dim3A_1651 : f32 to vector<16xf32>
    %slice3A_1653 = vector.extract_strided_slice %and3A_1639 {offsets = [0], sizes = [1], strides = [1]} : vector<16xi32> to vector<1xi32>
    %squeeze3A_1654 = vector.extract %slice3A_1653[0] : i32 from vector<1xi32>
    %multiple_of3A_1655 = tpu.assume_multiple %squeeze3A_1654, 16 : i32
    %get3A_1656 = arith.constant 16 : i32
    %get3A_1657 = arith.constant 0 : i32
    %get3A_1658 = arith.index_cast %get3A_1656 : i32 to index
    %get3A_1659 = arith.index_cast %get3A_1657 : i32 to index
    %get3A_1660 = arith.index_cast %multiple_of3A_1655 : i32 to index
    %get3A_1661 = tpu.vector_load %arg8[%get3A_1658, %get3A_1659, %get3A_1660] {strides = array<i32>} : memref<32x8x128xf32, #tpu.memory_space<vmem>>, vector<1x1x16xf32>,
    %get3A_1662 = vector.shape_cast %get3A_1661 : vector<1x1x16xf32> to vector<16xf32>
    %slice3A_1663 = vector.extract_strided_slice %and3A_1642 {offsets = [0], sizes = [1], strides = [1]} : vector<16xi32> to vector<1xi32>
    %squeeze3A_1664 = vector.extract %slice3A_1663[0] : i32 from vector<1xi32>
    %broadcast_in_dim3A_1665 = vector.broadcast %squeeze3A_1664 : i32 to vector<16xi32>
    %broadcast_in_dim3A_1666 = vector.shape_cast %broadcast_in_dim3A_1665 : vector<16xi32> to vector<16x1xi32>
    %gather3A_1667 = vector.shape_cast %broadcast_in_dim3A_1666 : vector<16x1xi32> to vector<16xi32>
    %gather3A_1668 = tpu.dynamic_gather %get3A_1662[%gather3A_1667] in [0] : vector<16xf32>, vector<16xi32> -> vector<16xf32>
    %eq3A_1669 = arith.constant 0 : i32
    %eq3A_1670 = vector.broadcast %eq3A_1669 : i32 to vector<16xi32>
    %eq3A_1671 = arith.cmpi eq, %iota3A, %eq3A_1670 : vector<16xi32>
    %select_n3A_1672 = arith.select %eq3A_1671, %gather3A_1668, %broadcast_in_dim3A_1650 : vector<16xi1>, vector<16xf32>
    %slice3A_1673 = vector.extract_strided_slice %and3A_1645 {offsets = [0], sizes = [1], strides = [1]} : vector<16xi32> to vector<1xi32>
    %squeeze3A_1674 = vector.extract %slice3A_1673[0] : i32 from vector<1xi32>
    %multiple_of3A_1675 = tpu.assume_multiple %squeeze3A_1674, 16 : i32
    %get3A_1676 = arith.constant 16 : i32
    %get3A_1677 = arith.index_cast %get3A_1676 : i32 to index
    %get3A_1678 = arith.index_cast %multiple_of3A_1675 : i32 to index
    %get3A_1679 = tpu.vector_load %arg9[%get3A_1677, %get3A_1678] {strides = array<i32>} : memref<32x256xf32, #tpu.memory_space<vmem>>, vector<1x16xf32>,
    %get3A_1680 = vector.shape_cast %get3A_1679 : vector<1x16xf32> to vector<16xf32>
    %slice3A_1681 = vector.extract_strided_slice %and3A_1648 {offsets = [0], sizes = [1], strides = [1]} : vector<16xi32> to vector<1xi32>
    %squeeze3A_1682 = vector.extract %slice3A_1681[0] : i32 from vector<1xi32>
    %broadcast_in_dim3A_1683 = vector.broadcast %squeeze3A_1682 : i32 to vector<16xi32>
    %broadcast_in_dim3A_1684 = vector.shape_cast %broadcast_in_dim3A_1683 : vector<16xi32> to vector<16x1xi32>
    %gather3A_1685 = vector.shape_cast %broadcast_in_dim3A_1684 : vector<16x1xi32> to vector<16xi32>
    %gather3A_1686 = tpu.dynamic_gather %get3A_1680[%gather3A_1685] in [0] : vector<16xf32>, vector<16xi32> -> vector<16xf32>
    %eq3A_1687 = arith.constant 0 : i32
    %eq3A_1688 = vector.broadcast %eq3A_1687 : i32 to vector<16xi32>
    %eq3A_1689 = arith.cmpi eq, %iota3A, %eq3A_1688 : vector<16xi32>
    %select_n3A_1690 = arith.select %eq3A_1689, %gather3A_1686, %broadcast_in_dim3A_1652 : vector<16xi1>, vector<16xf32>
    %slice3A_1691 = vector.extract_strided_slice %and3A_1639 {offsets = [1], sizes = [1], strides = [1]} : vector<16xi32> to vector<1xi32>
    %squeeze3A_1692 = vector.extract %slice3A_1691[0] : i32 from vector<1xi32>
    %multiple_of3A_1693 = tpu.assume_multiple %squeeze3A_1692, 16 : i32
    %get3A_1694 = arith.constant 17 : i32
    %get3A_1695 = arith.constant 1 : i32
    %get3A_1696 = arith.index_cast %get3A_1694 : i32 to index
    %get3A_1697 = arith.index_cast %get3A_1695 : i32 to index
    %get3A_1698 = arith.index_cast %multiple_of3A_1693 : i32 to index
    %get3A_1699 = tpu.vector_load %arg8[%get3A_1696, %get3A_1697, %get3A_1698] {strides = array<i32>} : memref<32x8x128xf32, #tpu.memory_space<vmem>>, vector<1x1x16xf32>,
    %get3A_1700 = vector.shape_cast %get3A_1699 : vector<1x1x16xf32> to vector<16xf32>
    %slice3A_1701 = vector.extract_strided_slice %and3A_1642 {offsets = [1], sizes = [1], strides = [1]} : vector<16xi32> to vector<1xi32>
    %squeeze3A_1702 = vector.extract %slice3A_1701[0] : i32 from vector<1xi32>
    %broadcast_in_dim3A_1703 = vector.broadcast %squeeze3A_1702 : i32 to vector<16xi32>
    %broadcast_in_dim3A_1704 = vector.shape_cast %broadcast_in_dim3A_1703 : vector<16xi32> to vector<16x1xi32>
    %gather3A_1705 = vector.shape_cast %broadcast_in_dim3A_1704 : vector<16x1xi32> to vector<16xi32>
    %gather3A_1706 = tpu.dynamic_gather %get3A_1700[%gather3A_1705] in [0] : vector<16xf32>, vector<16xi32> -> vector<16xf32>
    %eq3A_1707 = arith.constant 1 : i32
    %eq3A_1708 = vector.broadcast %eq3A_1707 : i32 to vector<16xi32>
    %eq3A_1709 = arith.cmpi eq, %iota3A, %eq3A_1708 : vector<16xi32>
    %select_n3A_1710 = arith.select %eq3A_1709, %gather3A_1706, %select_n3A_1672 : vector<16xi1>, vector<16xf32>
    %slice3A_1711 = vector.extract_strided_slice %and3A_1645 {offsets = [1], sizes = [1], strides = [1]} : vector<16xi32> to vector<1xi32>
    %squeeze3A_1712 = vector.extract %slice3A_1711[0] : i32 from vector<1xi32>
    %multiple_of3A_1713 = tpu.assume_multiple %squeeze3A_1712, 16 : i32
    %get3A_1714 = arith.constant 17 : i32
    %get3A_1715 = arith.index_cast %get3A_1714 : i32 to index
    %get3A_1716 = arith.index_cast %multiple_of3A_1713 : i32 to index
    %get3A_1717 = tpu.vector_load %arg9[%get3A_1715, %get3A_1716] {strides = array<i32>} : memref<32x256xf32, #tpu.memory_space<vmem>>, vector<1x16xf32>,
    %get3A_1718 = vector.shape_cast %get3A_1717 : vector<1x16xf32> to vector<16xf32>
    %slice3A_1719 = vector.extract_strided_slice %and3A_1648 {offsets = [1], sizes = [1], strides = [1]} : vector<16xi32> to vector<1xi32>
    %squeeze3A_1720 = vector.extract %slice3A_1719[0] : i32 from vector<1xi32>
    %broadcast_in_dim3A_1721 = vector.broadcast %squeeze3A_1720 : i32 to vector<16xi32>
    %broadcast_in_dim3A_1722 = vector.shape_cast %broadcast_in_dim3A_1721 : vector<16xi32> to vector<16x1xi32>
    %gather3A_1723 = vector.shape_cast %broadcast_in_dim3A_1722 : vector<16x1xi32> to vector<16xi32>
    %gather3A_1724 = tpu.dynamic_gather %get3A_1718[%gather3A_1723] in [0] : vector<16xf32>, vector<16xi32> -> vector<16xf32>
    %eq3A_1725 = arith.constant 1 : i32
    %eq3A_1726 = vector.broadcast %eq3A_1725 : i32 to vector<16xi32>
    %eq3A_1727 = arith.cmpi eq, %iota3A, %eq3A_1726 : vector<16xi32>
    %select_n3A_1728 = arith.select %eq3A_1727, %gather3A_1724, %select_n3A_1690 : vector<16xi1>, vector<16xf32>
    %slice3A_1729 = vector.extract_strided_slice %and3A_1639 {offsets = [2], sizes = [1], strides = [1]} : vector<16xi32> to vector<1xi32>
    %squeeze3A_1730 = vector.extract %slice3A_1729[0] : i32 from vector<1xi32>
    %multiple_of3A_1731 = tpu.assume_multiple %squeeze3A_1730, 16 : i32
    %get3A_1732 = arith.constant 18 : i32
    %get3A_1733 = arith.constant 2 : i32
    %get3A_1734 = arith.index_cast %get3A_1732 : i32 to index
    %get3A_1735 = arith.index_cast %get3A_1733 : i32 to index
    %get3A_1736 = arith.index_cast %multiple_of3A_1731 : i32 to index
    %get3A_1737 = tpu.vector_load %arg8[%get3A_1734, %get3A_1735, %get3A_1736] {strides = array<i32>} : memref<32x8x128xf32, #tpu.memory_space<vmem>>, vector<1x1x16xf32>,
    %get3A_1738 = vector.shape_cast %get3A_1737 : vector<1x1x16xf32> to vector<16xf32>
    %slice3A_1739 = vector.extract_strided_slice %and3A_1642 {offsets = [2], sizes = [1], strides = [1]} : vector<16xi32> to vector<1xi32>
    %squeeze3A_1740 = vector.extract %slice3A_1739[0] : i32 from vector<1xi32>
    %broadcast_in_dim3A_1741 = vector.broadcast %squeeze3A_1740 : i32 to vector<16xi32>
    %broadcast_in_dim3A_1742 = vector.shape_cast %broadcast_in_dim3A_1741 : vector<16xi32> to vector<16x1xi32>
    %gather3A_1743 = vector.shape_cast %broadcast_in_dim3A_1742 : vector<16x1xi32> to vector<16xi32>
    %gather3A_1744 = tpu.dynamic_gather %get3A_1738[%gather3A_1743] in [0] : vector<16xf32>, vector<16xi32> -> vector<16xf32>
    %eq3A_1745 = arith.constant 2 : i32
    %eq3A_1746 = vector.broadcast %eq3A_1745 : i32 to vector<16xi32>
    %eq3A_1747 = arith.cmpi eq, %iota3A, %eq3A_1746 : vector<16xi32>
    %select_n3A_1748 = arith.select %eq3A_1747, %gather3A_1744, %select_n3A_1710 : vector<16xi1>, vector<16xf32>
    %slice3A_1749 = vector.extract_strided_slice %and3A_1645 {offsets = [2], sizes = [1], strides = [1]} : vector<16xi32> to vector<1xi32>
    %squeeze3A_1750 = vector.extract %slice3A_1749[0] : i32 from vector<1xi32>
    %multiple_of3A_1751 = tpu.assume_multiple %squeeze3A_1750, 16 : i32
    %get3A_1752 = arith.constant 18 : i32
    %get3A_1753 = arith.index_cast %get3A_1752 : i32 to index
    %get3A_1754 = arith.index_cast %multiple_of3A_1751 : i32 to index
    %get3A_1755 = tpu.vector_load %arg9[%get3A_1753, %get3A_1754] {strides = array<i32>} : memref<32x256xf32, #tpu.memory_space<vmem>>, vector<1x16xf32>,
    %get3A_1756 = vector.shape_cast %get3A_1755 : vector<1x16xf32> to vector<16xf32>
    %slice3A_1757 = vector.extract_strided_slice %and3A_1648 {offsets = [2], sizes = [1], strides = [1]} : vector<16xi32> to vector<1xi32>
    %squeeze3A_1758 = vector.extract %slice3A_1757[0] : i32 from vector<1xi32>
    %broadcast_in_dim3A_1759 = vector.broadcast %squeeze3A_1758 : i32 to vector<16xi32>
    %broadcast_in_dim3A_1760 = vector.shape_cast %broadcast_in_dim3A_1759 : vector<16xi32> to vector<16x1xi32>
    %gather3A_1761 = vector.shape_cast %broadcast_in_dim3A_1760 : vector<16x1xi32> to vector<16xi32>
    %gather3A_1762 = tpu.dynamic_gather %get3A_1756[%gather3A_1761] in [0] : vector<16xf32>, vector<16xi32> -> vector<16xf32>
    %eq3A_1763 = arith.constant 2 : i32
    %eq3A_1764 = vector.broadcast %eq3A_1763 : i32 to vector<16xi32>
    %eq3A_1765 = arith.cmpi eq, %iota3A, %eq3A_1764 : vector<16xi32>
    %select_n3A_1766 = arith.select %eq3A_1765, %gather3A_1762, %select_n3A_1728 : vector<16xi1>, vector<16xf32>
    %slice3A_1767 = vector.extract_strided_slice %and3A_1639 {offsets = [3], sizes = [1], strides = [1]} : vector<16xi32> to vector<1xi32>
    %squeeze3A_1768 = vector.extract %slice3A_1767[0] : i32 from vector<1xi32>
    %multiple_of3A_1769 = tpu.assume_multiple %squeeze3A_1768, 16 : i32
    %get3A_1770 = arith.constant 19 : i32
    %get3A_1771 = arith.constant 3 : i32
    %get3A_1772 = arith.index_cast %get3A_1770 : i32 to index
    %get3A_1773 = arith.index_cast %get3A_1771 : i32 to index
    %get3A_1774 = arith.index_cast %multiple_of3A_1769 : i32 to index
    %get3A_1775 = tpu.vector_load %arg8[%get3A_1772, %get3A_1773, %get3A_1774] {strides = array<i32>} : memref<32x8x128xf32, #tpu.memory_space<vmem>>, vector<1x1x16xf32>,
    %get3A_1776 = vector.shape_cast %get3A_1775 : vector<1x1x16xf32> to vector<16xf32>
    %slice3A_1777 = vector.extract_strided_slice %and3A_1642 {offsets = [3], sizes = [1], strides = [1]} : vector<16xi32> to vector<1xi32>
    %squeeze3A_1778 = vector.extract %slice3A_1777[0] : i32 from vector<1xi32>
    %broadcast_in_dim3A_1779 = vector.broadcast %squeeze3A_1778 : i32 to vector<16xi32>
    %broadcast_in_dim3A_1780 = vector.shape_cast %broadcast_in_dim3A_1779 : vector<16xi32> to vector<16x1xi32>
    %gather3A_1781 = vector.shape_cast %broadcast_in_dim3A_1780 : vector<16x1xi32> to vector<16xi32>
    %gather3A_1782 = tpu.dynamic_gather %get3A_1776[%gather3A_1781] in [0] : vector<16xf32>, vector<16xi32> -> vector<16xf32>
    %eq3A_1783 = arith.constant 3 : i32
    %eq3A_1784 = vector.broadcast %eq3A_1783 : i32 to vector<16xi32>
    %eq3A_1785 = arith.cmpi eq, %iota3A, %eq3A_1784 : vector<16xi32>
    %select_n3A_1786 = arith.select %eq3A_1785, %gather3A_1782, %select_n3A_1748 : vector<16xi1>, vector<16xf32>
    %slice3A_1787 = vector.extract_strided_slice %and3A_1645 {offsets = [3], sizes = [1], strides = [1]} : vector<16xi32> to vector<1xi32>
    %squeeze3A_1788 = vector.extract %slice3A_1787[0] : i32 from vector<1xi32>
    %multiple_of3A_1789 = tpu.assume_multiple %squeeze3A_1788, 16 : i32
    %get3A_1790 = arith.constant 19 : i32
    %get3A_1791 = arith.index_cast %get3A_1790 : i32 to index
    %get3A_1792 = arith.index_cast %multiple_of3A_1789 : i32 to index
    %get3A_1793 = tpu.vector_load %arg9[%get3A_1791, %get3A_1792] {strides = array<i32>} : memref<32x256xf32, #tpu.memory_space<vmem>>, vector<1x16xf32>,
    %get3A_1794 = vector.shape_cast %get3A_1793 : vector<1x16xf32> to vector<16xf32>
    %slice3A_1795 = vector.extract_strided_slice %and3A_1648 {offsets = [3], sizes = [1], strides = [1]} : vector<16xi32> to vector<1xi32>
    %squeeze3A_1796 = vector.extract %slice3A_1795[0] : i32 from vector<1xi32>
    %broadcast_in_dim3A_1797 = vector.broadcast %squeeze3A_1796 : i32 to vector<16xi32>
    %broadcast_in_dim3A_1798 = vector.shape_cast %broadcast_in_dim3A_1797 : vector<16xi32> to vector<16x1xi32>
    %gather3A_1799 = vector.shape_cast %broadcast_in_dim3A_1798 : vector<16x1xi32> to vector<16xi32>
    %gather3A_1800 = tpu.dynamic_gather %get3A_1794[%gather3A_1799] in [0] : vector<16xf32>, vector<16xi32> -> vector<16xf32>
    %eq3A_1801 = arith.constant 3 : i32
    %eq3A_1802 = vector.broadcast %eq3A_1801 : i32 to vector<16xi32>
    %eq3A_1803 = arith.cmpi eq, %iota3A, %eq3A_1802 : vector<16xi32>
    %select_n3A_1804 = arith.select %eq3A_1803, %gather3A_1800, %select_n3A_1766 : vector<16xi1>, vector<16xf32>
    %slice3A_1805 = vector.extract_strided_slice %and3A_1639 {offsets = [4], sizes = [1], strides = [1]} : vector<16xi32> to vector<1xi32>
    %squeeze3A_1806 = vector.extract %slice3A_1805[0] : i32 from vector<1xi32>
    %multiple_of3A_1807 = tpu.assume_multiple %squeeze3A_1806, 16 : i32
    %get3A_1808 = arith.constant 20 : i32
    %get3A_1809 = arith.constant 4 : i32
    %get3A_1810 = arith.index_cast %get3A_1808 : i32 to index
    %get3A_1811 = arith.index_cast %get3A_1809 : i32 to index
    %get3A_1812 = arith.index_cast %multiple_of3A_1807 : i32 to index
    %get3A_1813 = tpu.vector_load %arg8[%get3A_1810, %get3A_1811, %get3A_1812] {strides = array<i32>} : memref<32x8x128xf32, #tpu.memory_space<vmem>>, vector<1x1x16xf32>,
    %get3A_1814 = vector.shape_cast %get3A_1813 : vector<1x1x16xf32> to vector<16xf32>
    %slice3A_1815 = vector.extract_strided_slice %and3A_1642 {offsets = [4], sizes = [1], strides = [1]} : vector<16xi32> to vector<1xi32>
    %squeeze3A_1816 = vector.extract %slice3A_1815[0] : i32 from vector<1xi32>
    %broadcast_in_dim3A_1817 = vector.broadcast %squeeze3A_1816 : i32 to vector<16xi32>
    %broadcast_in_dim3A_1818 = vector.shape_cast %broadcast_in_dim3A_1817 : vector<16xi32> to vector<16x1xi32>
    %gather3A_1819 = vector.shape_cast %broadcast_in_dim3A_1818 : vector<16x1xi32> to vector<16xi32>
    %gather3A_1820 = tpu.dynamic_gather %get3A_1814[%gather3A_1819] in [0] : vector<16xf32>, vector<16xi32> -> vector<16xf32>
    %eq3A_1821 = arith.constant 4 : i32
    %eq3A_1822 = vector.broadcast %eq3A_1821 : i32 to vector<16xi32>
    %eq3A_1823 = arith.cmpi eq, %iota3A, %eq3A_1822 : vector<16xi32>
    %select_n3A_1824 = arith.select %eq3A_1823, %gather3A_1820, %select_n3A_1786 : vector<16xi1>, vector<16xf32>
    %slice3A_1825 = vector.extract_strided_slice %and3A_1645 {offsets = [4], sizes = [1], strides = [1]} : vector<16xi32> to vector<1xi32>
    %squeeze3A_1826 = vector.extract %slice3A_1825[0] : i32 from vector<1xi32>
    %multiple_of3A_1827 = tpu.assume_multiple %squeeze3A_1826, 16 : i32
    %get3A_1828 = arith.constant 20 : i32
    %get3A_1829 = arith.index_cast %get3A_1828 : i32 to index
    %get3A_1830 = arith.index_cast %multiple_of3A_1827 : i32 to index
    %get3A_1831 = tpu.vector_load %arg9[%get3A_1829, %get3A_1830] {strides = array<i32>} : memref<32x256xf32, #tpu.memory_space<vmem>>, vector<1x16xf32>,
    %get3A_1832 = vector.shape_cast %get3A_1831 : vector<1x16xf32> to vector<16xf32>
    %slice3A_1833 = vector.extract_strided_slice %and3A_1648 {offsets = [4], sizes = [1], strides = [1]} : vector<16xi32> to vector<1xi32>
    %squeeze3A_1834 = vector.extract %slice3A_1833[0] : i32 from vector<1xi32>
    %broadcast_in_dim3A_1835 = vector.broadcast %squeeze3A_1834 : i32 to vector<16xi32>
    %broadcast_in_dim3A_1836 = vector.shape_cast %broadcast_in_dim3A_1835 : vector<16xi32> to vector<16x1xi32>
    %gather3A_1837 = vector.shape_cast %broadcast_in_dim3A_1836 : vector<16x1xi32> to vector<16xi32>
    %gather3A_1838 = tpu.dynamic_gather %get3A_1832[%gather3A_1837] in [0] : vector<16xf32>, vector<16xi32> -> vector<16xf32>
    %eq3A_1839 = arith.constant 4 : i32
    %eq3A_1840 = vector.broadcast %eq3A_1839 : i32 to vector<16xi32>
    %eq3A_1841 = arith.cmpi eq, %iota3A, %eq3A_1840 : vector<16xi32>
    %select_n3A_1842 = arith.select %eq3A_1841, %gather3A_1838, %select_n3A_1804 : vector<16xi1>, vector<16xf32>
    %slice3A_1843 = vector.extract_strided_slice %and3A_1639 {offsets = [5], sizes = [1], strides = [1]} : vector<16xi32> to vector<1xi32>
    %squeeze3A_1844 = vector.extract %slice3A_1843[0] : i32 from vector<1xi32>
    %multiple_of3A_1845 = tpu.assume_multiple %squeeze3A_1844, 16 : i32
    %get3A_1846 = arith.constant 21 : i32
    %get3A_1847 = arith.constant 5 : i32
    %get3A_1848 = arith.index_cast %get3A_1846 : i32 to index
    %get3A_1849 = arith.index_cast %get3A_1847 : i32 to index
    %get3A_1850 = arith.index_cast %multiple_of3A_1845 : i32 to index
    %get3A_1851 = tpu.vector_load %arg8[%get3A_1848, %get3A_1849, %get3A_1850] {strides = array<i32>} : memref<32x8x128xf32, #tpu.memory_space<vmem>>, vector<1x1x16xf32>,
    %get3A_1852 = vector.shape_cast %get3A_1851 : vector<1x1x16xf32> to vector<16xf32>
    %slice3A_1853 = vector.extract_strided_slice %and3A_1642 {offsets = [5], sizes = [1], strides = [1]} : vector<16xi32> to vector<1xi32>
    %squeeze3A_1854 = vector.extract %slice3A_1853[0] : i32 from vector<1xi32>
    %broadcast_in_dim3A_1855 = vector.broadcast %squeeze3A_1854 : i32 to vector<16xi32>
    %broadcast_in_dim3A_1856 = vector.shape_cast %broadcast_in_dim3A_1855 : vector<16xi32> to vector<16x1xi32>
    %gather3A_1857 = vector.shape_cast %broadcast_in_dim3A_1856 : vector<16x1xi32> to vector<16xi32>
    %gather3A_1858 = tpu.dynamic_gather %get3A_1852[%gather3A_1857] in [0] : vector<16xf32>, vector<16xi32> -> vector<16xf32>
    %eq3A_1859 = arith.constant 5 : i32
    %eq3A_1860 = vector.broadcast %eq3A_1859 : i32 to vector<16xi32>
    %eq3A_1861 = arith.cmpi eq, %iota3A, %eq3A_1860 : vector<16xi32>
    %select_n3A_1862 = arith.select %eq3A_1861, %gather3A_1858, %select_n3A_1824 : vector<16xi1>, vector<16xf32>
    %slice3A_1863 = vector.extract_strided_slice %and3A_1645 {offsets = [5], sizes = [1], strides = [1]} : vector<16xi32> to vector<1xi32>
    %squeeze3A_1864 = vector.extract %slice3A_1863[0] : i32 from vector<1xi32>
    %multiple_of3A_1865 = tpu.assume_multiple %squeeze3A_1864, 16 : i32
    %get3A_1866 = arith.constant 21 : i32
    %get3A_1867 = arith.index_cast %get3A_1866 : i32 to index
    %get3A_1868 = arith.index_cast %multiple_of3A_1865 : i32 to index
    %get3A_1869 = tpu.vector_load %arg9[%get3A_1867, %get3A_1868] {strides = array<i32>} : memref<32x256xf32, #tpu.memory_space<vmem>>, vector<1x16xf32>,
    %get3A_1870 = vector.shape_cast %get3A_1869 : vector<1x16xf32> to vector<16xf32>
    %slice3A_1871 = vector.extract_strided_slice %and3A_1648 {offsets = [5], sizes = [1], strides = [1]} : vector<16xi32> to vector<1xi32>
    %squeeze3A_1872 = vector.extract %slice3A_1871[0] : i32 from vector<1xi32>
    %broadcast_in_dim3A_1873 = vector.broadcast %squeeze3A_1872 : i32 to vector<16xi32>
    %broadcast_in_dim3A_1874 = vector.shape_cast %broadcast_in_dim3A_1873 : vector<16xi32> to vector<16x1xi32>
    %gather3A_1875 = vector.shape_cast %broadcast_in_dim3A_1874 : vector<16x1xi32> to vector<16xi32>
    %gather3A_1876 = tpu.dynamic_gather %get3A_1870[%gather3A_1875] in [0] : vector<16xf32>, vector<16xi32> -> vector<16xf32>
    %eq3A_1877 = arith.constant 5 : i32
    %eq3A_1878 = vector.broadcast %eq3A_1877 : i32 to vector<16xi32>
    %eq3A_1879 = arith.cmpi eq, %iota3A, %eq3A_1878 : vector<16xi32>
    %select_n3A_1880 = arith.select %eq3A_1879, %gather3A_1876, %select_n3A_1842 : vector<16xi1>, vector<16xf32>
    %slice3A_1881 = vector.extract_strided_slice %and3A_1639 {offsets = [6], sizes = [1], strides = [1]} : vector<16xi32> to vector<1xi32>
    %squeeze3A_1882 = vector.extract %slice3A_1881[0] : i32 from vector<1xi32>
    %multiple_of3A_1883 = tpu.assume_multiple %squeeze3A_1882, 16 : i32
    %get3A_1884 = arith.constant 22 : i32
    %get3A_1885 = arith.constant 6 : i32
    %get3A_1886 = arith.index_cast %get3A_1884 : i32 to index
    %get3A_1887 = arith.index_cast %get3A_1885 : i32 to index
    %get3A_1888 = arith.index_cast %multiple_of3A_1883 : i32 to index
    %get3A_1889 = tpu.vector_load %arg8[%get3A_1886, %get3A_1887, %get3A_1888] {strides = array<i32>} : memref<32x8x128xf32, #tpu.memory_space<vmem>>, vector<1x1x16xf32>,
    %get3A_1890 = vector.shape_cast %get3A_1889 : vector<1x1x16xf32> to vector<16xf32>
    %slice3A_1891 = vector.extract_strided_slice %and3A_1642 {offsets = [6], sizes = [1], strides = [1]} : vector<16xi32> to vector<1xi32>
    %squeeze3A_1892 = vector.extract %slice3A_1891[0] : i32 from vector<1xi32>
    %broadcast_in_dim3A_1893 = vector.broadcast %squeeze3A_1892 : i32 to vector<16xi32>
    %broadcast_in_dim3A_1894 = vector.shape_cast %broadcast_in_dim3A_1893 : vector<16xi32> to vector<16x1xi32>
    %gather3A_1895 = vector.shape_cast %broadcast_in_dim3A_1894 : vector<16x1xi32> to vector<16xi32>
    %gather3A_1896 = tpu.dynamic_gather %get3A_1890[%gather3A_1895] in [0] : vector<16xf32>, vector<16xi32> -> vector<16xf32>
    %eq3A_1897 = arith.constant 6 : i32
    %eq3A_1898 = vector.broadcast %eq3A_1897 : i32 to vector<16xi32>
    %eq3A_1899 = arith.cmpi eq, %iota3A, %eq3A_1898 : vector<16xi32>
    %select_n3A_1900 = arith.select %eq3A_1899, %gather3A_1896, %select_n3A_1862 : vector<16xi1>, vector<16xf32>
    %slice3A_1901 = vector.extract_strided_slice %and3A_1645 {offsets = [6], sizes = [1], strides = [1]} : vector<16xi32> to vector<1xi32>
    %squeeze3A_1902 = vector.extract %slice3A_1901[0] : i32 from vector<1xi32>
    %multiple_of3A_1903 = tpu.assume_multiple %squeeze3A_1902, 16 : i32
    %get3A_1904 = arith.constant 22 : i32
    %get3A_1905 = arith.index_cast %get3A_1904 : i32 to index
    %get3A_1906 = arith.index_cast %multiple_of3A_1903 : i32 to index
    %get3A_1907 = tpu.vector_load %arg9[%get3A_1905, %get3A_1906] {strides = array<i32>} : memref<32x256xf32, #tpu.memory_space<vmem>>, vector<1x16xf32>,
    %get3A_1908 = vector.shape_cast %get3A_1907 : vector<1x16xf32> to vector<16xf32>
    %slice3A_1909 = vector.extract_strided_slice %and3A_1648 {offsets = [6], sizes = [1], strides = [1]} : vector<16xi32> to vector<1xi32>
    %squeeze3A_1910 = vector.extract %slice3A_1909[0] : i32 from vector<1xi32>
    %broadcast_in_dim3A_1911 = vector.broadcast %squeeze3A_1910 : i32 to vector<16xi32>
    %broadcast_in_dim3A_1912 = vector.shape_cast %broadcast_in_dim3A_1911 : vector<16xi32> to vector<16x1xi32>
    %gather3A_1913 = vector.shape_cast %broadcast_in_dim3A_1912 : vector<16x1xi32> to vector<16xi32>
    %gather3A_1914 = tpu.dynamic_gather %get3A_1908[%gather3A_1913] in [0] : vector<16xf32>, vector<16xi32> -> vector<16xf32>
    %eq3A_1915 = arith.constant 6 : i32
    %eq3A_1916 = vector.broadcast %eq3A_1915 : i32 to vector<16xi32>
    %eq3A_1917 = arith.cmpi eq, %iota3A, %eq3A_1916 : vector<16xi32>
    %select_n3A_1918 = arith.select %eq3A_1917, %gather3A_1914, %select_n3A_1880 : vector<16xi1>, vector<16xf32>
    %slice3A_1919 = vector.extract_strided_slice %and3A_1639 {offsets = [7], sizes = [1], strides = [1]} : vector<16xi32> to vector<1xi32>
    %squeeze3A_1920 = vector.extract %slice3A_1919[0] : i32 from vector<1xi32>
    %multiple_of3A_1921 = tpu.assume_multiple %squeeze3A_1920, 16 : i32
    %get3A_1922 = arith.constant 23 : i32
    %get3A_1923 = arith.constant 7 : i32
    %get3A_1924 = arith.index_cast %get3A_1922 : i32 to index
    %get3A_1925 = arith.index_cast %get3A_1923 : i32 to index
    %get3A_1926 = arith.index_cast %multiple_of3A_1921 : i32 to index
    %get3A_1927 = tpu.vector_load %arg8[%get3A_1924, %get3A_1925, %get3A_1926] {strides = array<i32>} : memref<32x8x128xf32, #tpu.memory_space<vmem>>, vector<1x1x16xf32>,
    %get3A_1928 = vector.shape_cast %get3A_1927 : vector<1x1x16xf32> to vector<16xf32>
    %slice3A_1929 = vector.extract_strided_slice %and3A_1642 {offsets = [7], sizes = [1], strides = [1]} : vector<16xi32> to vector<1xi32>
    %squeeze3A_1930 = vector.extract %slice3A_1929[0] : i32 from vector<1xi32>
    %broadcast_in_dim3A_1931 = vector.broadcast %squeeze3A_1930 : i32 to vector<16xi32>
    %broadcast_in_dim3A_1932 = vector.shape_cast %broadcast_in_dim3A_1931 : vector<16xi32> to vector<16x1xi32>
    %gather3A_1933 = vector.shape_cast %broadcast_in_dim3A_1932 : vector<16x1xi32> to vector<16xi32>
    %gather3A_1934 = tpu.dynamic_gather %get3A_1928[%gather3A_1933] in [0] : vector<16xf32>, vector<16xi32> -> vector<16xf32>
    %eq3A_1935 = arith.constant 7 : i32
    %eq3A_1936 = vector.broadcast %eq3A_1935 : i32 to vector<16xi32>
    %eq3A_1937 = arith.cmpi eq, %iota3A, %eq3A_1936 : vector<16xi32>
    %select_n3A_1938 = arith.select %eq3A_1937, %gather3A_1934, %select_n3A_1900 : vector<16xi1>, vector<16xf32>
    %slice3A_1939 = vector.extract_strided_slice %and3A_1645 {offsets = [7], sizes = [1], strides = [1]} : vector<16xi32> to vector<1xi32>
    %squeeze3A_1940 = vector.extract %slice3A_1939[0] : i32 from vector<1xi32>
    %multiple_of3A_1941 = tpu.assume_multiple %squeeze3A_1940, 16 : i32
    %get3A_1942 = arith.constant 23 : i32
    %get3A_1943 = arith.index_cast %get3A_1942 : i32 to index
    %get3A_1944 = arith.index_cast %multiple_of3A_1941 : i32 to index
    %get3A_1945 = tpu.vector_load %arg9[%get3A_1943, %get3A_1944] {strides = array<i32>} : memref<32x256xf32, #tpu.memory_space<vmem>>, vector<1x16xf32>,
    %get3A_1946 = vector.shape_cast %get3A_1945 : vector<1x16xf32> to vector<16xf32>
    %slice3A_1947 = vector.extract_strided_slice %and3A_1648 {offsets = [7], sizes = [1], strides = [1]} : vector<16xi32> to vector<1xi32>
    %squeeze3A_1948 = vector.extract %slice3A_1947[0] : i32 from vector<1xi32>
    %broadcast_in_dim3A_1949 = vector.broadcast %squeeze3A_1948 : i32 to vector<16xi32>
    %broadcast_in_dim3A_1950 = vector.shape_cast %broadcast_in_dim3A_1949 : vector<16xi32> to vector<16x1xi32>
    %gather3A_1951 = vector.shape_cast %broadcast_in_dim3A_1950 : vector<16x1xi32> to vector<16xi32>
    %gather3A_1952 = tpu.dynamic_gather %get3A_1946[%gather3A_1951] in [0] : vector<16xf32>, vector<16xi32> -> vector<16xf32>
    %eq3A_1953 = arith.constant 7 : i32
    %eq3A_1954 = vector.broadcast %eq3A_1953 : i32 to vector<16xi32>
    %eq3A_1955 = arith.cmpi eq, %iota3A, %eq3A_1954 : vector<16xi32>
    %select_n3A_1956 = arith.select %eq3A_1955, %gather3A_1952, %select_n3A_1918 : vector<16xi1>, vector<16xf32>
    %slice3A_1957 = vector.extract_strided_slice %and3A_1639 {offsets = [8], sizes = [1], strides = [1]} : vector<16xi32> to vector<1xi32>
    %squeeze3A_1958 = vector.extract %slice3A_1957[0] : i32 from vector<1xi32>
    %multiple_of3A_1959 = tpu.assume_multiple %squeeze3A_1958, 16 : i32
    %get3A_1960 = arith.constant 24 : i32
    %get3A_1961 = arith.constant 0 : i32
    %get3A_1962 = arith.index_cast %get3A_1960 : i32 to index
    %get3A_1963 = arith.index_cast %get3A_1961 : i32 to index
    %get3A_1964 = arith.index_cast %multiple_of3A_1959 : i32 to index
    %get3A_1965 = tpu.vector_load %arg8[%get3A_1962, %get3A_1963, %get3A_1964] {strides = array<i32>} : memref<32x8x128xf32, #tpu.memory_space<vmem>>, vector<1x1x16xf32>,
    %get3A_1966 = vector.shape_cast %get3A_1965 : vector<1x1x16xf32> to vector<16xf32>
    %slice3A_1967 = vector.extract_strided_slice %and3A_1642 {offsets = [8], sizes = [1], strides = [1]} : vector<16xi32> to vector<1xi32>
    %squeeze3A_1968 = vector.extract %slice3A_1967[0] : i32 from vector<1xi32>
    %broadcast_in_dim3A_1969 = vector.broadcast %squeeze3A_1968 : i32 to vector<16xi32>
    %broadcast_in_dim3A_1970 = vector.shape_cast %broadcast_in_dim3A_1969 : vector<16xi32> to vector<16x1xi32>
    %gather3A_1971 = vector.shape_cast %broadcast_in_dim3A_1970 : vector<16x1xi32> to vector<16xi32>
    %gather3A_1972 = tpu.dynamic_gather %get3A_1966[%gather3A_1971] in [0] : vector<16xf32>, vector<16xi32> -> vector<16xf32>
    %eq3A_1973 = arith.constant 8 : i32
    %eq3A_1974 = vector.broadcast %eq3A_1973 : i32 to vector<16xi32>
    %eq3A_1975 = arith.cmpi eq, %iota3A, %eq3A_1974 : vector<16xi32>
    %select_n3A_1976 = arith.select %eq3A_1975, %gather3A_1972, %select_n3A_1938 : vector<16xi1>, vector<16xf32>
    %slice3A_1977 = vector.extract_strided_slice %and3A_1645 {offsets = [8], sizes = [1], strides = [1]} : vector<16xi32> to vector<1xi32>
    %squeeze3A_1978 = vector.extract %slice3A_1977[0] : i32 from vector<1xi32>
    %multiple_of3A_1979 = tpu.assume_multiple %squeeze3A_1978, 16 : i32
    %get3A_1980 = arith.constant 24 : i32
    %get3A_1981 = arith.index_cast %get3A_1980 : i32 to index
    %get3A_1982 = arith.index_cast %multiple_of3A_1979 : i32 to index
    %get3A_1983 = tpu.vector_load %arg9[%get3A_1981, %get3A_1982] {strides = array<i32>} : memref<32x256xf32, #tpu.memory_space<vmem>>, vector<1x16xf32>,
    %get3A_1984 = vector.shape_cast %get3A_1983 : vector<1x16xf32> to vector<16xf32>
    %slice3A_1985 = vector.extract_strided_slice %and3A_1648 {offsets = [8], sizes = [1], strides = [1]} : vector<16xi32> to vector<1xi32>
    %squeeze3A_1986 = vector.extract %slice3A_1985[0] : i32 from vector<1xi32>
    %broadcast_in_dim3A_1987 = vector.broadcast %squeeze3A_1986 : i32 to vector<16xi32>
    %broadcast_in_dim3A_1988 = vector.shape_cast %broadcast_in_dim3A_1987 : vector<16xi32> to vector<16x1xi32>
    %gather3A_1989 = vector.shape_cast %broadcast_in_dim3A_1988 : vector<16x1xi32> to vector<16xi32>
    %gather3A_1990 = tpu.dynamic_gather %get3A_1984[%gather3A_1989] in [0] : vector<16xf32>, vector<16xi32> -> vector<16xf32>
    %eq3A_1991 = arith.constant 8 : i32
    %eq3A_1992 = vector.broadcast %eq3A_1991 : i32 to vector<16xi32>
    %eq3A_1993 = arith.cmpi eq, %iota3A, %eq3A_1992 : vector<16xi32>
    %select_n3A_1994 = arith.select %eq3A_1993, %gather3A_1990, %select_n3A_1956 : vector<16xi1>, vector<16xf32>
    %slice3A_1995 = vector.extract_strided_slice %and3A_1639 {offsets = [9], sizes = [1], strides = [1]} : vector<16xi32> to vector<1xi32>
    %squeeze3A_1996 = vector.extract %slice3A_1995[0] : i32 from vector<1xi32>
    %multiple_of3A_1997 = tpu.assume_multiple %squeeze3A_1996, 16 : i32
    %get3A_1998 = arith.constant 25 : i32
    %get3A_1999 = arith.constant 1 : i32
    %get3A_2000 = arith.index_cast %get3A_1998 : i32 to index
    %get3A_2001 = arith.index_cast %get3A_1999 : i32 to index
    %get3A_2002 = arith.index_cast %multiple_of3A_1997 : i32 to index
    %get3A_2003 = tpu.vector_load %arg8[%get3A_2000, %get3A_2001, %get3A_2002] {strides = array<i32>} : memref<32x8x128xf32, #tpu.memory_space<vmem>>, vector<1x1x16xf32>,
    %get3A_2004 = vector.shape_cast %get3A_2003 : vector<1x1x16xf32> to vector<16xf32>
    %slice3A_2005 = vector.extract_strided_slice %and3A_1642 {offsets = [9], sizes = [1], strides = [1]} : vector<16xi32> to vector<1xi32>
    %squeeze3A_2006 = vector.extract %slice3A_2005[0] : i32 from vector<1xi32>
    %broadcast_in_dim3A_2007 = vector.broadcast %squeeze3A_2006 : i32 to vector<16xi32>
    %broadcast_in_dim3A_2008 = vector.shape_cast %broadcast_in_dim3A_2007 : vector<16xi32> to vector<16x1xi32>
    %gather3A_2009 = vector.shape_cast %broadcast_in_dim3A_2008 : vector<16x1xi32> to vector<16xi32>
    %gather3A_2010 = tpu.dynamic_gather %get3A_2004[%gather3A_2009] in [0] : vector<16xf32>, vector<16xi32> -> vector<16xf32>
    %eq3A_2011 = arith.constant 9 : i32
    %eq3A_2012 = vector.broadcast %eq3A_2011 : i32 to vector<16xi32>
    %eq3A_2013 = arith.cmpi eq, %iota3A, %eq3A_2012 : vector<16xi32>
    %select_n3A_2014 = arith.select %eq3A_2013, %gather3A_2010, %select_n3A_1976 : vector<16xi1>, vector<16xf32>
    %slice3A_2015 = vector.extract_strided_slice %and3A_1645 {offsets = [9], sizes = [1], strides = [1]} : vector<16xi32> to vector<1xi32>
    %squeeze3A_2016 = vector.extract %slice3A_2015[0] : i32 from vector<1xi32>
    %multiple_of3A_2017 = tpu.assume_multiple %squeeze3A_2016, 16 : i32
    %get3A_2018 = arith.constant 25 : i32
    %get3A_2019 = arith.index_cast %get3A_2018 : i32 to index
    %get3A_2020 = arith.index_cast %multiple_of3A_2017 : i32 to index
    %get3A_2021 = tpu.vector_load %arg9[%get3A_2019, %get3A_2020] {strides = array<i32>} : memref<32x256xf32, #tpu.memory_space<vmem>>, vector<1x16xf32>,
    %get3A_2022 = vector.shape_cast %get3A_2021 : vector<1x16xf32> to vector<16xf32>
    %slice3A_2023 = vector.extract_strided_slice %and3A_1648 {offsets = [9], sizes = [1], strides = [1]} : vector<16xi32> to vector<1xi32>
    %squeeze3A_2024 = vector.extract %slice3A_2023[0] : i32 from vector<1xi32>
    %broadcast_in_dim3A_2025 = vector.broadcast %squeeze3A_2024 : i32 to vector<16xi32>
    %broadcast_in_dim3A_2026 = vector.shape_cast %broadcast_in_dim3A_2025 : vector<16xi32> to vector<16x1xi32>
    %gather3A_2027 = vector.shape_cast %broadcast_in_dim3A_2026 : vector<16x1xi32> to vector<16xi32>
    %gather3A_2028 = tpu.dynamic_gather %get3A_2022[%gather3A_2027] in [0] : vector<16xf32>, vector<16xi32> -> vector<16xf32>
    %eq3A_2029 = arith.constant 9 : i32
    %eq3A_2030 = vector.broadcast %eq3A_2029 : i32 to vector<16xi32>
    %eq3A_2031 = arith.cmpi eq, %iota3A, %eq3A_2030 : vector<16xi32>
    %select_n3A_2032 = arith.select %eq3A_2031, %gather3A_2028, %select_n3A_1994 : vector<16xi1>, vector<16xf32>
    %slice3A_2033 = vector.extract_strided_slice %and3A_1639 {offsets = [10], sizes = [1], strides = [1]} : vector<16xi32> to vector<1xi32>
    %squeeze3A_2034 = vector.extract %slice3A_2033[0] : i32 from vector<1xi32>
    %multiple_of3A_2035 = tpu.assume_multiple %squeeze3A_2034, 16 : i32
    %get3A_2036 = arith.constant 26 : i32
    %get3A_2037 = arith.constant 2 : i32
    %get3A_2038 = arith.index_cast %get3A_2036 : i32 to index
    %get3A_2039 = arith.index_cast %get3A_2037 : i32 to index
    %get3A_2040 = arith.index_cast %multiple_of3A_2035 : i32 to index
    %get3A_2041 = tpu.vector_load %arg8[%get3A_2038, %get3A_2039, %get3A_2040] {strides = array<i32>} : memref<32x8x128xf32, #tpu.memory_space<vmem>>, vector<1x1x16xf32>,
    %get3A_2042 = vector.shape_cast %get3A_2041 : vector<1x1x16xf32> to vector<16xf32>
    %slice3A_2043 = vector.extract_strided_slice %and3A_1642 {offsets = [10], sizes = [1], strides = [1]} : vector<16xi32> to vector<1xi32>
    %squeeze3A_2044 = vector.extract %slice3A_2043[0] : i32 from vector<1xi32>
    %broadcast_in_dim3A_2045 = vector.broadcast %squeeze3A_2044 : i32 to vector<16xi32>
    %broadcast_in_dim3A_2046 = vector.shape_cast %broadcast_in_dim3A_2045 : vector<16xi32> to vector<16x1xi32>
    %gather3A_2047 = vector.shape_cast %broadcast_in_dim3A_2046 : vector<16x1xi32> to vector<16xi32>
    %gather3A_2048 = tpu.dynamic_gather %get3A_2042[%gather3A_2047] in [0] : vector<16xf32>, vector<16xi32> -> vector<16xf32>
    %eq3A_2049 = arith.constant 10 : i32
    %eq3A_2050 = vector.broadcast %eq3A_2049 : i32 to vector<16xi32>
    %eq3A_2051 = arith.cmpi eq, %iota3A, %eq3A_2050 : vector<16xi32>
    %select_n3A_2052 = arith.select %eq3A_2051, %gather3A_2048, %select_n3A_2014 : vector<16xi1>, vector<16xf32>
    %slice3A_2053 = vector.extract_strided_slice %and3A_1645 {offsets = [10], sizes = [1], strides = [1]} : vector<16xi32> to vector<1xi32>
    %squeeze3A_2054 = vector.extract %slice3A_2053[0] : i32 from vector<1xi32>
    %multiple_of3A_2055 = tpu.assume_multiple %squeeze3A_2054, 16 : i32
    %get3A_2056 = arith.constant 26 : i32
    %get3A_2057 = arith.index_cast %get3A_2056 : i32 to index
    %get3A_2058 = arith.index_cast %multiple_of3A_2055 : i32 to index
    %get3A_2059 = tpu.vector_load %arg9[%get3A_2057, %get3A_2058] {strides = array<i32>} : memref<32x256xf32, #tpu.memory_space<vmem>>, vector<1x16xf32>,
    %get3A_2060 = vector.shape_cast %get3A_2059 : vector<1x16xf32> to vector<16xf32>
    %slice3A_2061 = vector.extract_strided_slice %and3A_1648 {offsets = [10], sizes = [1], strides = [1]} : vector<16xi32> to vector<1xi32>
    %squeeze3A_2062 = vector.extract %slice3A_2061[0] : i32 from vector<1xi32>
    %broadcast_in_dim3A_2063 = vector.broadcast %squeeze3A_2062 : i32 to vector<16xi32>
    %broadcast_in_dim3A_2064 = vector.shape_cast %broadcast_in_dim3A_2063 : vector<16xi32> to vector<16x1xi32>
    %gather3A_2065 = vector.shape_cast %broadcast_in_dim3A_2064 : vector<16x1xi32> to vector<16xi32>
    %gather3A_2066 = tpu.dynamic_gather %get3A_2060[%gather3A_2065] in [0] : vector<16xf32>, vector<16xi32> -> vector<16xf32>
    %eq3A_2067 = arith.constant 10 : i32
    %eq3A_2068 = vector.broadcast %eq3A_2067 : i32 to vector<16xi32>
    %eq3A_2069 = arith.cmpi eq, %iota3A, %eq3A_2068 : vector<16xi32>
    %select_n3A_2070 = arith.select %eq3A_2069, %gather3A_2066, %select_n3A_2032 : vector<16xi1>, vector<16xf32>
    %slice3A_2071 = vector.extract_strided_slice %and3A_1639 {offsets = [11], sizes = [1], strides = [1]} : vector<16xi32> to vector<1xi32>
    %squeeze3A_2072 = vector.extract %slice3A_2071[0] : i32 from vector<1xi32>
    %multiple_of3A_2073 = tpu.assume_multiple %squeeze3A_2072, 16 : i32
    %get3A_2074 = arith.constant 27 : i32
    %get3A_2075 = arith.constant 3 : i32
    %get3A_2076 = arith.index_cast %get3A_2074 : i32 to index
    %get3A_2077 = arith.index_cast %get3A_2075 : i32 to index
    %get3A_2078 = arith.index_cast %multiple_of3A_2073 : i32 to index
    %get3A_2079 = tpu.vector_load %arg8[%get3A_2076, %get3A_2077, %get3A_2078] {strides = array<i32>} : memref<32x8x128xf32, #tpu.memory_space<vmem>>, vector<1x1x16xf32>,
    %get3A_2080 = vector.shape_cast %get3A_2079 : vector<1x1x16xf32> to vector<16xf32>
    %slice3A_2081 = vector.extract_strided_slice %and3A_1642 {offsets = [11], sizes = [1], strides = [1]} : vector<16xi32> to vector<1xi32>
    %squeeze3A_2082 = vector.extract %slice3A_2081[0] : i32 from vector<1xi32>
    %broadcast_in_dim3A_2083 = vector.broadcast %squeeze3A_2082 : i32 to vector<16xi32>
    %broadcast_in_dim3A_2084 = vector.shape_cast %broadcast_in_dim3A_2083 : vector<16xi32> to vector<16x1xi32>
    %gather3A_2085 = vector.shape_cast %broadcast_in_dim3A_2084 : vector<16x1xi32> to vector<16xi32>
    %gather3A_2086 = tpu.dynamic_gather %get3A_2080[%gather3A_2085] in [0] : vector<16xf32>, vector<16xi32> -> vector<16xf32>
    %eq3A_2087 = arith.constant 11 : i32
    %eq3A_2088 = vector.broadcast %eq3A_2087 : i32 to vector<16xi32>
    %eq3A_2089 = arith.cmpi eq, %iota3A, %eq3A_2088 : vector<16xi32>
    %select_n3A_2090 = arith.select %eq3A_2089, %gather3A_2086, %select_n3A_2052 : vector<16xi1>, vector<16xf32>
    %slice3A_2091 = vector.extract_strided_slice %and3A_1645 {offsets = [11], sizes = [1], strides = [1]} : vector<16xi32> to vector<1xi32>
    %squeeze3A_2092 = vector.extract %slice3A_2091[0] : i32 from vector<1xi32>
    %multiple_of3A_2093 = tpu.assume_multiple %squeeze3A_2092, 16 : i32
    %get3A_2094 = arith.constant 27 : i32
    %get3A_2095 = arith.index_cast %get3A_2094 : i32 to index
    %get3A_2096 = arith.index_cast %multiple_of3A_2093 : i32 to index
    %get3A_2097 = tpu.vector_load %arg9[%get3A_2095, %get3A_2096] {strides = array<i32>} : memref<32x256xf32, #tpu.memory_space<vmem>>, vector<1x16xf32>,
    %get3A_2098 = vector.shape_cast %get3A_2097 : vector<1x16xf32> to vector<16xf32>
    %slice3A_2099 = vector.extract_strided_slice %and3A_1648 {offsets = [11], sizes = [1], strides = [1]} : vector<16xi32> to vector<1xi32>
    %squeeze3A_2100 = vector.extract %slice3A_2099[0] : i32 from vector<1xi32>
    %broadcast_in_dim3A_2101 = vector.broadcast %squeeze3A_2100 : i32 to vector<16xi32>
    %broadcast_in_dim3A_2102 = vector.shape_cast %broadcast_in_dim3A_2101 : vector<16xi32> to vector<16x1xi32>
    %gather3A_2103 = vector.shape_cast %broadcast_in_dim3A_2102 : vector<16x1xi32> to vector<16xi32>
    %gather3A_2104 = tpu.dynamic_gather %get3A_2098[%gather3A_2103] in [0] : vector<16xf32>, vector<16xi32> -> vector<16xf32>
    %eq3A_2105 = arith.constant 11 : i32
    %eq3A_2106 = vector.broadcast %eq3A_2105 : i32 to vector<16xi32>
    %eq3A_2107 = arith.cmpi eq, %iota3A, %eq3A_2106 : vector<16xi32>
    %select_n3A_2108 = arith.select %eq3A_2107, %gather3A_2104, %select_n3A_2070 : vector<16xi1>, vector<16xf32>
    %slice3A_2109 = vector.extract_strided_slice %and3A_1639 {offsets = [12], sizes = [1], strides = [1]} : vector<16xi32> to vector<1xi32>
    %squeeze3A_2110 = vector.extract %slice3A_2109[0] : i32 from vector<1xi32>
    %multiple_of3A_2111 = tpu.assume_multiple %squeeze3A_2110, 16 : i32
    %get3A_2112 = arith.constant 28 : i32
    %get3A_2113 = arith.constant 4 : i32
    %get3A_2114 = arith.index_cast %get3A_2112 : i32 to index
    %get3A_2115 = arith.index_cast %get3A_2113 : i32 to index
    %get3A_2116 = arith.index_cast %multiple_of3A_2111 : i32 to index
    %get3A_2117 = tpu.vector_load %arg8[%get3A_2114, %get3A_2115, %get3A_2116] {strides = array<i32>} : memref<32x8x128xf32, #tpu.memory_space<vmem>>, vector<1x1x16xf32>,
    %get3A_2118 = vector.shape_cast %get3A_2117 : vector<1x1x16xf32> to vector<16xf32>
    %slice3A_2119 = vector.extract_strided_slice %and3A_1642 {offsets = [12], sizes = [1], strides = [1]} : vector<16xi32> to vector<1xi32>
    %squeeze3A_2120 = vector.extract %slice3A_2119[0] : i32 from vector<1xi32>
    %broadcast_in_dim3A_2121 = vector.broadcast %squeeze3A_2120 : i32 to vector<16xi32>
    %broadcast_in_dim3A_2122 = vector.shape_cast %broadcast_in_dim3A_2121 : vector<16xi32> to vector<16x1xi32>
    %gather3A_2123 = vector.shape_cast %broadcast_in_dim3A_2122 : vector<16x1xi32> to vector<16xi32>
    %gather3A_2124 = tpu.dynamic_gather %get3A_2118[%gather3A_2123] in [0] : vector<16xf32>, vector<16xi32> -> vector<16xf32>
    %eq3A_2125 = arith.constant 12 : i32
    %eq3A_2126 = vector.broadcast %eq3A_2125 : i32 to vector<16xi32>
    %eq3A_2127 = arith.cmpi eq, %iota3A, %eq3A_2126 : vector<16xi32>
    %select_n3A_2128 = arith.select %eq3A_2127, %gather3A_2124, %select_n3A_2090 : vector<16xi1>, vector<16xf32>
    %slice3A_2129 = vector.extract_strided_slice %and3A_1645 {offsets = [12], sizes = [1], strides = [1]} : vector<16xi32> to vector<1xi32>
    %squeeze3A_2130 = vector.extract %slice3A_2129[0] : i32 from vector<1xi32>
    %multiple_of3A_2131 = tpu.assume_multiple %squeeze3A_2130, 16 : i32
    %get3A_2132 = arith.constant 28 : i32
    %get3A_2133 = arith.index_cast %get3A_2132 : i32 to index
    %get3A_2134 = arith.index_cast %multiple_of3A_2131 : i32 to index
    %get3A_2135 = tpu.vector_load %arg9[%get3A_2133, %get3A_2134] {strides = array<i32>} : memref<32x256xf32, #tpu.memory_space<vmem>>, vector<1x16xf32>,
    %get3A_2136 = vector.shape_cast %get3A_2135 : vector<1x16xf32> to vector<16xf32>
    %slice3A_2137 = vector.extract_strided_slice %and3A_1648 {offsets = [12], sizes = [1], strides = [1]} : vector<16xi32> to vector<1xi32>
    %squeeze3A_2138 = vector.extract %slice3A_2137[0] : i32 from vector<1xi32>
    %broadcast_in_dim3A_2139 = vector.broadcast %squeeze3A_2138 : i32 to vector<16xi32>
    %broadcast_in_dim3A_2140 = vector.shape_cast %broadcast_in_dim3A_2139 : vector<16xi32> to vector<16x1xi32>
    %gather3A_2141 = vector.shape_cast %broadcast_in_dim3A_2140 : vector<16x1xi32> to vector<16xi32>
    %gather3A_2142 = tpu.dynamic_gather %get3A_2136[%gather3A_2141] in [0] : vector<16xf32>, vector<16xi32> -> vector<16xf32>
    %eq3A_2143 = arith.constant 12 : i32
    %eq3A_2144 = vector.broadcast %eq3A_2143 : i32 to vector<16xi32>
    %eq3A_2145 = arith.cmpi eq, %iota3A, %eq3A_2144 : vector<16xi32>
    %select_n3A_2146 = arith.select %eq3A_2145, %gather3A_2142, %select_n3A_2108 : vector<16xi1>, vector<16xf32>
    %slice3A_2147 = vector.extract_strided_slice %and3A_1639 {offsets = [13], sizes = [1], strides = [1]} : vector<16xi32> to vector<1xi32>
    %squeeze3A_2148 = vector.extract %slice3A_2147[0] : i32 from vector<1xi32>
    %multiple_of3A_2149 = tpu.assume_multiple %squeeze3A_2148, 16 : i32
    %get3A_2150 = arith.constant 29 : i32
    %get3A_2151 = arith.constant 5 : i32
    %get3A_2152 = arith.index_cast %get3A_2150 : i32 to index
    %get3A_2153 = arith.index_cast %get3A_2151 : i32 to index
    %get3A_2154 = arith.index_cast %multiple_of3A_2149 : i32 to index
    %get3A_2155 = tpu.vector_load %arg8[%get3A_2152, %get3A_2153, %get3A_2154] {strides = array<i32>} : memref<32x8x128xf32, #tpu.memory_space<vmem>>, vector<1x1x16xf32>,
    %get3A_2156 = vector.shape_cast %get3A_2155 : vector<1x1x16xf32> to vector<16xf32>
    %slice3A_2157 = vector.extract_strided_slice %and3A_1642 {offsets = [13], sizes = [1], strides = [1]} : vector<16xi32> to vector<1xi32>
    %squeeze3A_2158 = vector.extract %slice3A_2157[0] : i32 from vector<1xi32>
    %broadcast_in_dim3A_2159 = vector.broadcast %squeeze3A_2158 : i32 to vector<16xi32>
    %broadcast_in_dim3A_2160 = vector.shape_cast %broadcast_in_dim3A_2159 : vector<16xi32> to vector<16x1xi32>
    %gather3A_2161 = vector.shape_cast %broadcast_in_dim3A_2160 : vector<16x1xi32> to vector<16xi32>
    %gather3A_2162 = tpu.dynamic_gather %get3A_2156[%gather3A_2161] in [0] : vector<16xf32>, vector<16xi32> -> vector<16xf32>
    %eq3A_2163 = arith.constant 13 : i32
    %eq3A_2164 = vector.broadcast %eq3A_2163 : i32 to vector<16xi32>
    %eq3A_2165 = arith.cmpi eq, %iota3A, %eq3A_2164 : vector<16xi32>
    %select_n3A_2166 = arith.select %eq3A_2165, %gather3A_2162, %select_n3A_2128 : vector<16xi1>, vector<16xf32>
    %slice3A_2167 = vector.extract_strided_slice %and3A_1645 {offsets = [13], sizes = [1], strides = [1]} : vector<16xi32> to vector<1xi32>
    %squeeze3A_2168 = vector.extract %slice3A_2167[0] : i32 from vector<1xi32>
    %multiple_of3A_2169 = tpu.assume_multiple %squeeze3A_2168, 16 : i32
    %get3A_2170 = arith.constant 29 : i32
    %get3A_2171 = arith.index_cast %get3A_2170 : i32 to index
    %get3A_2172 = arith.index_cast %multiple_of3A_2169 : i32 to index
    %get3A_2173 = tpu.vector_load %arg9[%get3A_2171, %get3A_2172] {strides = array<i32>} : memref<32x256xf32, #tpu.memory_space<vmem>>, vector<1x16xf32>,
    %get3A_2174 = vector.shape_cast %get3A_2173 : vector<1x16xf32> to vector<16xf32>
    %slice3A_2175 = vector.extract_strided_slice %and3A_1648 {offsets = [13], sizes = [1], strides = [1]} : vector<16xi32> to vector<1xi32>
    %squeeze3A_2176 = vector.extract %slice3A_2175[0] : i32 from vector<1xi32>
    %broadcast_in_dim3A_2177 = vector.broadcast %squeeze3A_2176 : i32 to vector<16xi32>
    %broadcast_in_dim3A_2178 = vector.shape_cast %broadcast_in_dim3A_2177 : vector<16xi32> to vector<16x1xi32>
    %gather3A_2179 = vector.shape_cast %broadcast_in_dim3A_2178 : vector<16x1xi32> to vector<16xi32>
    %gather3A_2180 = tpu.dynamic_gather %get3A_2174[%gather3A_2179] in [0] : vector<16xf32>, vector<16xi32> -> vector<16xf32>
    %eq3A_2181 = arith.constant 13 : i32
    %eq3A_2182 = vector.broadcast %eq3A_2181 : i32 to vector<16xi32>
    %eq3A_2183 = arith.cmpi eq, %iota3A, %eq3A_2182 : vector<16xi32>
    %select_n3A_2184 = arith.select %eq3A_2183, %gather3A_2180, %select_n3A_2146 : vector<16xi1>, vector<16xf32>
    %slice3A_2185 = vector.extract_strided_slice %and3A_1639 {offsets = [14], sizes = [1], strides = [1]} : vector<16xi32> to vector<1xi32>
    %squeeze3A_2186 = vector.extract %slice3A_2185[0] : i32 from vector<1xi32>
    %multiple_of3A_2187 = tpu.assume_multiple %squeeze3A_2186, 16 : i32
    %get3A_2188 = arith.constant 30 : i32
    %get3A_2189 = arith.constant 6 : i32
    %get3A_2190 = arith.index_cast %get3A_2188 : i32 to index
    %get3A_2191 = arith.index_cast %get3A_2189 : i32 to index
    %get3A_2192 = arith.index_cast %multiple_of3A_2187 : i32 to index
    %get3A_2193 = tpu.vector_load %arg8[%get3A_2190, %get3A_2191, %get3A_2192] {strides = array<i32>} : memref<32x8x128xf32, #tpu.memory_space<vmem>>, vector<1x1x16xf32>,
    %get3A_2194 = vector.shape_cast %get3A_2193 : vector<1x1x16xf32> to vector<16xf32>
    %slice3A_2195 = vector.extract_strided_slice %and3A_1642 {offsets = [14], sizes = [1], strides = [1]} : vector<16xi32> to vector<1xi32>
    %squeeze3A_2196 = vector.extract %slice3A_2195[0] : i32 from vector<1xi32>
    %broadcast_in_dim3A_2197 = vector.broadcast %squeeze3A_2196 : i32 to vector<16xi32>
    %broadcast_in_dim3A_2198 = vector.shape_cast %broadcast_in_dim3A_2197 : vector<16xi32> to vector<16x1xi32>
    %gather3A_2199 = vector.shape_cast %broadcast_in_dim3A_2198 : vector<16x1xi32> to vector<16xi32>
    %gather3A_2200 = tpu.dynamic_gather %get3A_2194[%gather3A_2199] in [0] : vector<16xf32>, vector<16xi32> -> vector<16xf32>
    %eq3A_2201 = arith.constant 14 : i32
    %eq3A_2202 = vector.broadcast %eq3A_2201 : i32 to vector<16xi32>
    %eq3A_2203 = arith.cmpi eq, %iota3A, %eq3A_2202 : vector<16xi32>
    %select_n3A_2204 = arith.select %eq3A_2203, %gather3A_2200, %select_n3A_2166 : vector<16xi1>, vector<16xf32>
    %slice3A_2205 = vector.extract_strided_slice %and3A_1645 {offsets = [14], sizes = [1], strides = [1]} : vector<16xi32> to vector<1xi32>
    %squeeze3A_2206 = vector.extract %slice3A_2205[0] : i32 from vector<1xi32>
    %multiple_of3A_2207 = tpu.assume_multiple %squeeze3A_2206, 16 : i32
    %get3A_2208 = arith.constant 30 : i32
    %get3A_2209 = arith.index_cast %get3A_2208 : i32 to index
    %get3A_2210 = arith.index_cast %multiple_of3A_2207 : i32 to index
    %get3A_2211 = tpu.vector_load %arg9[%get3A_2209, %get3A_2210] {strides = array<i32>} : memref<32x256xf32, #tpu.memory_space<vmem>>, vector<1x16xf32>,
    %get3A_2212 = vector.shape_cast %get3A_2211 : vector<1x16xf32> to vector<16xf32>
    %slice3A_2213 = vector.extract_strided_slice %and3A_1648 {offsets = [14], sizes = [1], strides = [1]} : vector<16xi32> to vector<1xi32>
    %squeeze3A_2214 = vector.extract %slice3A_2213[0] : i32 from vector<1xi32>
    %broadcast_in_dim3A_2215 = vector.broadcast %squeeze3A_2214 : i32 to vector<16xi32>
    %broadcast_in_dim3A_2216 = vector.shape_cast %broadcast_in_dim3A_2215 : vector<16xi32> to vector<16x1xi32>
    %gather3A_2217 = vector.shape_cast %broadcast_in_dim3A_2216 : vector<16x1xi32> to vector<16xi32>
    %gather3A_2218 = tpu.dynamic_gather %get3A_2212[%gather3A_2217] in [0] : vector<16xf32>, vector<16xi32> -> vector<16xf32>
    %eq3A_2219 = arith.constant 14 : i32
    %eq3A_2220 = vector.broadcast %eq3A_2219 : i32 to vector<16xi32>
    %eq3A_2221 = arith.cmpi eq, %iota3A, %eq3A_2220 : vector<16xi32>
    %select_n3A_2222 = arith.select %eq3A_2221, %gather3A_2218, %select_n3A_2184 : vector<16xi1>, vector<16xf32>
    %slice3A_2223 = vector.extract_strided_slice %and3A_1639 {offsets = [15], sizes = [1], strides = [1]} : vector<16xi32> to vector<1xi32>
    %squeeze3A_2224 = vector.extract %slice3A_2223[0] : i32 from vector<1xi32>
    %multiple_of3A_2225 = tpu.assume_multiple %squeeze3A_2224, 16 : i32
    %get3A_2226 = arith.constant 31 : i32
    %get3A_2227 = arith.constant 7 : i32
    %get3A_2228 = arith.index_cast %get3A_2226 : i32 to index
    %get3A_2229 = arith.index_cast %get3A_2227 : i32 to index
    %get3A_2230 = arith.index_cast %multiple_of3A_2225 : i32 to index
    %get3A_2231 = tpu.vector_load %arg8[%get3A_2228, %get3A_2229, %get3A_2230] {strides = array<i32>} : memref<32x8x128xf32, #tpu.memory_space<vmem>>, vector<1x1x16xf32>,
    %get3A_2232 = vector.shape_cast %get3A_2231 : vector<1x1x16xf32> to vector<16xf32>
    %slice3A_2233 = vector.extract_strided_slice %and3A_1642 {offsets = [15], sizes = [1], strides = [1]} : vector<16xi32> to vector<1xi32>
    %squeeze3A_2234 = vector.extract %slice3A_2233[0] : i32 from vector<1xi32>
    %broadcast_in_dim3A_2235 = vector.broadcast %squeeze3A_2234 : i32 to vector<16xi32>
    %broadcast_in_dim3A_2236 = vector.shape_cast %broadcast_in_dim3A_2235 : vector<16xi32> to vector<16x1xi32>
    %gather3A_2237 = vector.shape_cast %broadcast_in_dim3A_2236 : vector<16x1xi32> to vector<16xi32>
    %gather3A_2238 = tpu.dynamic_gather %get3A_2232[%gather3A_2237] in [0] : vector<16xf32>, vector<16xi32> -> vector<16xf32>
    %eq3A_2239 = arith.constant 15 : i32
    %eq3A_2240 = vector.broadcast %eq3A_2239 : i32 to vector<16xi32>
    %eq3A_2241 = arith.cmpi eq, %iota3A, %eq3A_2240 : vector<16xi32>
    %select_n3A_2242 = arith.select %eq3A_2241, %gather3A_2238, %select_n3A_2204 : vector<16xi1>, vector<16xf32>
    %slice3A_2243 = vector.extract_strided_slice %and3A_1645 {offsets = [15], sizes = [1], strides = [1]} : vector<16xi32> to vector<1xi32>
    %squeeze3A_2244 = vector.extract %slice3A_2243[0] : i32 from vector<1xi32>
    %multiple_of3A_2245 = tpu.assume_multiple %squeeze3A_2244, 16 : i32
    %get3A_2246 = arith.constant 31 : i32
    %get3A_2247 = arith.index_cast %get3A_2246 : i32 to index
    %get3A_2248 = arith.index_cast %multiple_of3A_2245 : i32 to index
    %get3A_2249 = tpu.vector_load %arg9[%get3A_2247, %get3A_2248] {strides = array<i32>} : memref<32x256xf32, #tpu.memory_space<vmem>>, vector<1x16xf32>,
    %get3A_2250 = vector.shape_cast %get3A_2249 : vector<1x16xf32> to vector<16xf32>
    %slice3A_2251 = vector.extract_strided_slice %and3A_1648 {offsets = [15], sizes = [1], strides = [1]} : vector<16xi32> to vector<1xi32>
    %squeeze3A_2252 = vector.extract %slice3A_2251[0] : i32 from vector<1xi32>
    %broadcast_in_dim3A_2253 = vector.broadcast %squeeze3A_2252 : i32 to vector<16xi32>
    %broadcast_in_dim3A_2254 = vector.shape_cast %broadcast_in_dim3A_2253 : vector<16xi32> to vector<16x1xi32>
    %gather3A_2255 = vector.shape_cast %broadcast_in_dim3A_2254 : vector<16x1xi32> to vector<16xi32>
    %gather3A_2256 = tpu.dynamic_gather %get3A_2250[%gather3A_2255] in [0] : vector<16xf32>, vector<16xi32> -> vector<16xf32>
    %eq3A_2257 = arith.constant 15 : i32
    %eq3A_2258 = vector.broadcast %eq3A_2257 : i32 to vector<16xi32>
    %eq3A_2259 = arith.cmpi eq, %iota3A, %eq3A_2258 : vector<16xi32>
    %select_n3A_2260 = arith.select %eq3A_2259, %gather3A_2256, %select_n3A_2222 : vector<16xi1>, vector<16xf32>
    %eq3A_2261 = arith.constant 0 : i32
    %eq3A_2262 = vector.broadcast %eq3A_2261 : i32 to vector<16xi32>
    %eq3A_2263 = arith.cmpi eq, %get3A_1633, %eq3A_2262 : vector<16xi32>
    %jit3A_2264 = arith.constant 0.000000e+00 : f32
    %broadcast_in_dim3A_2265 = vector.broadcast %jit3A_2264 : f32 to vector<16xf32>
    %select_n3A_2266 = arith.select %eq3A_2263, %broadcast_in_dim3A_2265, %select_n3A_2260 : vector<16xi1>, vector<16xf32>
    %add3A_2267 = arith.constant 1.000000e-10 : f32
    %add3A_2268 = vector.broadcast %add3A_2267 : f32 to vector<16xf32>
    %add3A_2269 = arith.addf %select_n3A_2266, %add3A_2268 : vector<16xf32>
    %eq3A_2270 = arith.constant 0 : i32
    %eq3A_2271 = vector.broadcast %eq3A_2270 : i32 to vector<16xi32>
    %eq3A_2272 = arith.cmpi eq, %get3A_1633, %eq3A_2271 : vector<16xi32>
    %ne3A_2273 = arith.constant 0 : i32
    %ne3A_2274 = vector.broadcast %ne3A_2273 : i32 to vector<16xi32>
    %ne3A_2275 = arith.cmpi ne, %get3A_1636, %ne3A_2274 : vector<16xi32>
    %or3A_2276 = arith.ori %eq3A_2272, %ne3A_2275 : vector<16xi1>
    %add3A_2277 = arith.addf %add3A_2269, %select_n3A_2242 : vector<16xf32>
    %select_n3A_2278 = arith.select %or3A_2276, %add3A_2277, %add3A_2269 : vector<16xi1>, vector<16xf32>
    %add3A_2279 = arith.constant 1.000000e-10 : f32
    %add3A_2280 = vector.broadcast %add3A_2279 : f32 to vector<16xf32>
    %add3A_2281 = arith.addf %select_n3A_2278, %add3A_2280 : vector<16xf32>
    %bitcast_convert_type3A_2282 = tpu.bitcast %add3A_2281 : vector<16xf32> -> vector<16xi32>
    %shift_right_arithmetic3A_2283 = arith.constant 23 : i32
    %shift_right_arithmetic3A_2284 = vector.broadcast %shift_right_arithmetic3A_2283 : i32 to vector<16xi32>
    %shift_right_arithmetic3A_2285 = arith.shrsi %bitcast_convert_type3A_2282, %shift_right_arithmetic3A_2284 : vector<16xi32>
    %sub3A_2286 = arith.constant 127 : i32
    %sub3A_2287 = vector.broadcast %sub3A_2286 : i32 to vector<16xi32>
    %sub3A_2288 = arith.subi %shift_right_arithmetic3A_2285, %sub3A_2287 : vector<16xi32>
    %and3A_2289 = arith.constant 8388607 : i32
    %and3A_2290 = vector.broadcast %and3A_2289 : i32 to vector<16xi32>
    %and3A_2291 = arith.andi %bitcast_convert_type3A_2282, %and3A_2290 : vector<16xi32>
    %or3A_2292 = arith.constant 1065353216 : i32
    %or3A_2293 = vector.broadcast %or3A_2292 : i32 to vector<16xi32>
    %or3A_2294 = arith.ori %and3A_2291, %or3A_2293 : vector<16xi32>
    %bitcast_convert_type3A_2295 = tpu.bitcast %or3A_2294 : vector<16xi32> -> vector<16xf32>
    %gt3A_2296 = arith.constant 1.41421354 : f32
    %gt3A_2297 = vector.broadcast %gt3A_2296 : f32 to vector<16xf32>
    %gt3A_2298 = arith.cmpf ogt, %bitcast_convert_type3A_2295, %gt3A_2297 : vector<16xf32>
    %mul3A_2299 = arith.constant 5.000000e-01 : f32
    %mul3A_2300 = vector.broadcast %mul3A_2299 : f32 to vector<16xf32>
    %mul3A_2301 = arith.mulf %bitcast_convert_type3A_2295, %mul3A_2300 : vector<16xf32>
    %select_n3A_2302 = arith.select %gt3A_2298, %mul3A_2301, %bitcast_convert_type3A_2295 : vector<16xi1>, vector<16xf32>
    %convert_element_type3A_2303 = arith.sitofp %sub3A_2288 : vector<16xi32> to vector<16xf32>
    %jit3A_2304 = arith.constant 1.000000e+00 : f32
    %jit3A_2305 = arith.constant 0.000000e+00 : f32
    %broadcast_in_dim3A_2306 = vector.broadcast %jit3A_2304 : f32 to vector<16xf32>
    %broadcast_in_dim3A_2307 = vector.broadcast %jit3A_2305 : f32 to vector<16xf32>
    %select_n3A_2308 = arith.select %gt3A_2298, %broadcast_in_dim3A_2306, %broadcast_in_dim3A_2307 : vector<16xi1>, vector<16xf32>
    %add3A_2309 = arith.addf %convert_element_type3A_2303, %select_n3A_2308 : vector<16xf32>
    %sub3A_2310 = arith.constant 1.000000e+00 : f32
    %sub3A_2311 = vector.broadcast %sub3A_2310 : f32 to vector<16xf32>
    %sub3A_2312 = arith.subf %select_n3A_2302, %sub3A_2311 : vector<16xf32>
    %add3A_2313 = arith.constant 1.000000e+00 : f32
    %add3A_2314 = vector.broadcast %add3A_2313 : f32 to vector<16xf32>
    %add3A_2315 = arith.addf %select_n3A_2302, %add3A_2314 : vector<16xf32>
    %div3A_2316 = arith.divf %sub3A_2312, %add3A_2315 : vector<16xf32>
    %mul3A_2317 = arith.mulf %div3A_2316, %div3A_2316 : vector<16xf32>
    %mul3A_2318 = arith.constant 0.222222224 : f32
    %mul3A_2319 = vector.broadcast %mul3A_2318 : f32 to vector<16xf32>
    %mul3A_2320 = arith.mulf %mul3A_2317, %mul3A_2319 : vector<16xf32>
    %add3A_2321 = arith.constant 0.285714298 : f32
    %add3A_2322 = vector.broadcast %add3A_2321 : f32 to vector<16xf32>
    %add3A_2323 = arith.addf %add3A_2322, %mul3A_2320 : vector<16xf32>
    %mul3A_2324 = arith.mulf %mul3A_2317, %add3A_2323 : vector<16xf32>
    %add3A_2325 = arith.constant 4.000000e-01 : f32
    %add3A_2326 = vector.broadcast %add3A_2325 : f32 to vector<16xf32>
    %add3A_2327 = arith.addf %add3A_2326, %mul3A_2324 : vector<16xf32>
    %mul3A_2328 = arith.mulf %mul3A_2317, %add3A_2327 : vector<16xf32>
    %add3A_2329 = arith.constant 0.666666686 : f32
    %add3A_2330 = vector.broadcast %add3A_2329 : f32 to vector<16xf32>
    %add3A_2331 = arith.addf %add3A_2330, %mul3A_2328 : vector<16xf32>
    %mul3A_2332 = arith.mulf %mul3A_2317, %add3A_2331 : vector<16xf32>
    %add3A_2333 = arith.constant 2.000000e+00 : f32
    %add3A_2334 = vector.broadcast %add3A_2333 : f32 to vector<16xf32>
    %add3A_2335 = arith.addf %add3A_2334, %mul3A_2332 : vector<16xf32>
    %mul3A_2336 = arith.mulf %div3A_2316, %add3A_2335 : vector<16xf32>
    %mul3A_2337 = arith.constant 0.693147182 : f32
    %mul3A_2338 = vector.broadcast %mul3A_2337 : f32 to vector<16xf32>
    %mul3A_2339 = arith.mulf %add3A_2309, %mul3A_2338 : vector<16xf32>
    %add3A_2340 = arith.addf %mul3A_2339, %mul3A_2336 : vector<16xf32>
    %neg3A_2341 = arith.constant 0.000000e+00 : f32
    %neg3A_2342 = vector.broadcast %neg3A_2341 : f32 to vector<16xf32>
    %neg3A_2343 = arith.subf %neg3A_2342, %add3A_2340 : vector<16xf32>
    %eq3A_2344 = arith.constant 0 : i32
    %eq3A_2345 = vector.broadcast %eq3A_2344 : i32 to vector<16xi32>
    %eq3A_2346 = arith.cmpi eq, %get3A_1636, %eq3A_2345 : vector<16xi32>
    %jit3A_2347 = arith.constant 0.000000e+00 : f32
    %broadcast_in_dim3A_2348 = vector.broadcast %jit3A_2347 : f32 to vector<16xf32>
    %select_n3A_2349 = arith.select %eq3A_2346, %broadcast_in_dim3A_2348, %neg3A_2343 : vector<16xi1>, vector<16xf32>
    %swap3A_2350 = arith.constant 16 : index
    %swap3A_2351 = tpu.vector_load %arg10[%swap3A_2350] {strides = array<i32>} : memref<32xf32, #tpu.memory_space<vmem>>, vector<16xf32>,
    %swap3A_2352 = vector.shape_cast %swap3A_2351 : vector<16xf32> to vector<16xf32>
    %swap3A_2353 = vector.shape_cast %select_n3A_2349 : vector<16xf32> to vector<16xf32>
    tpu.vector_store %arg10[%swap3A_2350], %swap3A_2353 {strides = array<i32>} : memref<32xf32, #tpu.memory_space<vmem>>, vector<16xf32>,
    "tpu.region"() ({
      %run_scoped3A = tpu.sem_alloc : memref<!tpu.dma_semaphore, #tpu.memory_space<semaphore_mem>>
      %dma_start3A_2354 = tpu.memref_slice %arg5[%mul3A_2] : memref<1024xf32, #tpu.memory_space<hbm>> -> memref<32xf32, #tpu.memory_space<hbm>>
      %dma_start3A_2355 = tpu.memref_slice %arg5[%mul3A_2] : memref<1024xf32, #tpu.memory_space<hbm>> -> memref<32xf32, #tpu.memory_space<hbm>>
      tpu.enqueue_dma source(%arg10 : memref<32xf32, #tpu.memory_space<vmem>>) target(%dma_start3A_2355 : memref<32xf32, #tpu.memory_space<hbm>>) target_semaphore(%run_scoped3A : memref<!tpu.dma_semaphore, #tpu.memory_space<semaphore_mem>>)
      %dma_wait3A_2356 = tpu.memref_slice %arg5[%mul3A_2] : memref<1024xf32, #tpu.memory_space<hbm>> -> memref<32xf32, #tpu.memory_space<hbm>>
      %dma_wait3A_2357 = tpu.memref_slice %arg5[%mul3A_2] : memref<1024xf32, #tpu.memory_space<hbm>> -> memref<32xf32, #tpu.memory_space<hbm>>
      tpu.wait_dma2 semaphore(%run_scoped3A : memref<!tpu.dma_semaphore, #tpu.memory_space<semaphore_mem>>) src(%arg10 : memref<32xf32, #tpu.memory_space<vmem>>) dst(%dma_wait3A_2357 : memref<32xf32, #tpu.memory_space<hbm>>)
      tpu.yield
    }) : () -> ()
    return
  }
}

</mosaic_0001>

<sc_bundles>
// kernel: kernel.3.cloned.1.call-start
scs
__scs_entry_jumppad:
0x0: {  	(pc) =	sbr.rel $0x88, $3  }
0x1: {  	(tag) =	ssettag $0x0;
	lr =	simm.s32 $0x1  }
0x2: {  	[smem:$0x3F9D] =	sst lr;
	_ =	strace $0xD0000000  }
0x3: {  	_ = 	snop  }
0x4: {  	_ = 	snop  }
0x5: {  	_ = 	snop  }
0x6: {  	_ = 	snop  }
0x7: {  	_ = 	snop  }
__scs_overlays_trampoline_lowered:
0x8: {  	[smem:$0x3FAC] =	sst s0  }
0x9: {  	[smem:$0x3FAD] =	sst s1  }
0xa: {  	[smem:$0x3FAE] =	sst s2  }
0xb: {  	[smem:$0x3FAF] =	sst s3  }
0xc: {  	[smem:$0x3FB0] =	sst s4  }
0xd: {  	[smem:$0x3FB1] =	sst s5  }
0xe: {  	[smem:$0x3FB2] =	sst s6  }
0xf: {  	[smem:$0x3FB3] =	sst s7  }
0x10: {  	[smem:$0x3FB4] =	sst s8  }
0x11: {  	[smem:$0x3FB5] =	sst s9;
	s0 =	simm.s32 @!p0 $0x0  }
0x12: {  	s1 =	sld [smem:$0x3F9B];
	s0 =	simm.s32 @p0 $0x1  }
0x13: {  	[smem:$0x3FB6] =	sst s0;
	s0 =	simm.s32 @!p1 $0x0  }
0x14: {  	s2 =	sld [smem:$0x3F9A];
	s0 =	simm.s32 @p1 $0x1  }
0x15: {  	[smem:$0x3FB7] =	sst s0;
	s0 =	simm.s32 @!p2 $0x0  }
0x16: {  	s3 =	sld [smem:$0x3FDB];
	s0 =	simm.s32 @p2 $0x1  }
0x17: {  	s4 =	simm.s32 $0x1BF5;
	[smem:$0x3FB9] =	sst s0  }
0x18: {  	s0 =	sld [smem:$0x3F9C];
	_ =	swait.ge [sflag:s4], $0x0  }
0x19: {  	s7 =	sld [smem:$0x3F9D]  }
0x1a: {  	s8 =	sadd.s32 $0xFFFFE003, lr  }
0x1b: {  	s9 =	sadd.s32 $0xFFFFFEF7, lr;
	s5 =	simm.s32 $0xFFFFFFFF;
	p2 =	slt.u32 s8, $0xFFFFF086  }
0x1c: {  	p1 =	slt.u32 s9, $0xF7A;
	s5 =	simm.s32 @!p2 $0x0  }
0x1d: {  	s5 =	simm.s32 @p1 $0x1;
	p0 =	seq.s32 s7, s2  }
0x1e: {  	s7 =	smul.u32 @!p0 $0xF7A, s2;
	p2 =	seq.s32 @!p0 s5, $0x0  }
0x1f: {  	s9 =	smul.u32 $0xF7A, s1;
	s8 =	simm.s32 @!p0 $0x1BF5;
	p2 =	por !p2, p0  }
0x20: {  	[sflag:s8] =	ssyncset.s32 @!p0 $0xFFFFF086;
	s6 =	sadd.s32 @!p0 s3, s7;
	s7 =	simm.s32 @!p0 $0x108  }
0x21: {  	s3 =	sadd.s32 s3, s9;
	s6 =	sadd.s32 @!p0 $0x88, s6;
	s7 =	simm.s32 @p2 $0x1082  }
0x22: {  	[simem:s7], [sflag:s8] =	dma.local @!p0 [hbm:s6], $0xF7A  }
0x23: {  	s9 =	sor.u32 $0xD0000000, s2;
	s6 =	simm.s32 $0x108;
	_ =	swait.ge @!p0 [sflag:s8], $0x0  }
0x24: {  	s3 =	sadd.s32 $0x88, s3;
	s6 =	simm.s32 @!p1 $0x1082;
	[sflag:s4] =	ssyncset.s32 $0xFFFFF086  }
0x25: {  	[simem:s6], [sflag:s4] =	dma.local [hbm:s3], $0xF7A  }
0x26: {  	[smem:$0x3F9D] =	sst s1;
	(tag) =	ssettag s2;
	_ =	strace s9  }
0x27: {  	s1 =	sld [smem:$0x3FAD]  }
0x28: {  	s2 =	sld [smem:$0x3FAE]  }
0x29: {  	s4 =	sld [smem:$0x3FB0]  }
0x2a: {  	p0 =	seq.s32 s5, $0x0;
	s5 =	sld [smem:$0x3FB1]  }
0x2b: {  	s6 =	sld [smem:$0x3FB2]  }
0x2c: {  	s7 =	sld [smem:$0x3FB3]  }
0x2d: {  	s3 =	simm.s32 $0x108;
	s8 =	sld [smem:$0x3FB4]  }
0x2e: {  	s3 =	simm.s32 @!p0 $0x1082;
	s9 =	sld [smem:$0x3FB5]  }
0x2f: {  	lr =	sadd.s32 s0, s3;
	s0 =	sld [smem:$0x3FAC]  }
0x30: {  	s3 =	sld [smem:$0x3FAF]  }
0x31: {  	[smem:$0x3FB8] =	sst s10  }
0x32: {  	s10 =	sld [smem:$0x3FB6];
	_ =	sdelay $0x3  }
0x33: {  	p0 =	seq.s32 s10, $0x1;
	s10 =	sld [smem:$0x3FB8];
	_ =	sdelay $0x3  }
0x34: {  	[smem:$0x3FB8] =	sst s10  }
0x35: {  	s10 =	sld [smem:$0x3FB7];
	_ =	sdelay $0x3  }
0x36: {  	p1 =	seq.s32 s10, $0x1;
	s10 =	sld [smem:$0x3FB8];
	_ =	sdelay $0x3  }
0x37: {  	[smem:$0x3FB8] =	sst s10  }
0x38: {  	s10 =	sld [smem:$0x3FB9]  }
0x39: {  	_ = 	snop;
	(pc) =	sbr.ind lr, $3  }
0x3a: {  	_ = 	snop  }
0x3b: {  	_ = 	snop  }
0x3c: {  	p2 =	seq.s32 s10, $0x1;
	s10 =	sld [smem:$0x3FB8]  }
0x3d: {  	_ =	shalt  }
0x3e: {  	_ =	shalt  }
0x3f: {  	_ =	shalt  }
0x40: {  	_ =	shalt  }
0x41: {  	_ =	shalt  }
0x42: {  	_ =	shalt  }
0x43: {  	_ =	shalt  }
0x44: {  	_ =	shalt  }
0x45: {  	_ =	shalt  }
0x46: {  	_ =	shalt  }
0x47: {  	_ =	shalt  }
0x48: {  	_ =	shalt  }
0x49: {  	_ =	shalt  }
0x4a: {  	_ =	shalt  }
0x4b: {  	_ =	shalt  }
0x4c: {  	_ =	shalt  }
0x4d: {  	_ =	shalt  }
0x4e: {  	_ =	shalt  }
0x4f: {  	_ =	shalt  }
0x50: {  	_ =	shalt  }
0x51: {  	_ =	shalt  }
0x52: {  	_ =	shalt  }
0x53: {  	_ =	shalt  }
0x54: {  	_ =	shalt  }
0x55: {  	_ =	shalt  }
0x56: {  	_ =	shalt  }
0x57: {  	_ =	shalt  }
0x58: {  	_ =	shalt  }
0x59: {  	_ =	shalt  }
0x5a: {  	_ =	shalt  }
0x5b: {  	_ =	shalt  }
0x5c: {  	_ =	shalt  }
0x5d: {  	_ =	shalt  }
0x5e: {  	_ =	shalt  }
0x5f: {  	_ =	shalt  }
0x60: {  	_ =	shalt  }
0x61: {  	_ =	shalt  }
0x62: {  	_ =	shalt  }
0x63: {  	_ =	shalt  }
0x64: {  	_ =	shalt  }
0x65: {  	_ =	shalt  }
0x66: {  	_ =	shalt  }
0x67: {  	_ =	shalt  }
0x68: {  	_ =	shalt  }
0x69: {  	_ =	shalt  }
0x6a: {  	_ =	shalt  }
0x6b: {  	_ =	shalt  }
0x6c: {  	_ =	shalt  }
0x6d: {  	_ =	shalt  }
0x6e: {  	_ =	shalt  }
0x6f: {  	_ =	shalt  }
0x70: {  	_ =	shalt  }
0x71: {  	_ =	shalt  }
0x72: {  	_ =	shalt  }
0x73: {  	_ =	shalt  }
0x74: {  	_ =	shalt  }
0x75: {  	_ =	shalt  }
0x76: {  	_ =	shalt  }
0x77: {  	_ =	shalt  }
0x78: {  	_ =	shalt  }
0x79: {  	_ =	shalt  }
0x7a: {  	_ =	shalt  }
0x7b: {  	_ =	shalt  }
0x7c: {  	_ =	shalt  }
0x7d: {  	_ =	shalt  }
0x7e: {  	_ =	shalt  }
0x7f: {  	_ =	shalt  }
0x80: {  	_ =	shalt  }
0x81: {  	_ =	shalt  }
0x82: {  	_ =	shalt  }
0x83: {  	_ =	shalt  }
0x84: {  	_ =	shalt  }
0x85: {  	_ =	shalt  }
0x86: {  	_ =	shalt  }
0x87: {  	_ =	shalt  }
.Lfunc_end0:
.L_simem_size_0:
called_computation_lowered:
.L_overlay_start_0:
0x88: {  	s2 =	sld [smem:$0x3FD9]  }
0x89: {  	s3 =	sld [smem:$0x3FFE];
	_ =	sdelay $0x1  }
0x8a: {  	s1 =	srdreg.scid  }
0x8b: {  	s0 =	sand.u32 $0x1, s1  }
0x8c: {  	s17 =	sshll.u32 s0, $0xA;
	s2 =	sadd.s32 s3, s2  }
0x8d: {  	s2 =	sadd.s32 s2, s17  }
0x8e: {  	[smem:$0x3FC4] =	sst s2  }
0x8f: {  	_ = 	snop  }
0x90: {  	s2 =	sld [smem:$0x3FC9]  }
0x91: {  	s18 =	sld [smem:$0x3FC8]  }
0x92: {  	s4 =	sld [smem:$0x3FD0];
	(tm) =	ssettm $0x1  }
0x93: {  	s5 =	sld [smem:$0x3FFB];
	_ =	sdelay $0x3  }
0x94: {  	_ =	strace s5  }
0x95: {  	s5 =	sld [smem:$0x3FFC];
	_ =	sdelay $0x3  }
0x96: {  	_ =	strace s5  }
0x97: {  	s5 =	sld [smem:$0x3FFD];
	_ =	sdelay $0x3  }
0x98: {  	_ =	strace s5  }
0x99: {  	_ =	strace $0x8FFFFFFF  }
0x9a: {  	s19 =	sld [smem:$0x3FDB];
	_ =	sdelay $0x1  }
0x9b: {  	s6 =	simm.s32 $_scs_section_size  }
0x9c: {  	s7 =	simm.s32 $_size__tile_overlayer_lowered;
	s8 =	simm.s32 $_tile_overlayer_lowered  }
0x9d: {  	s22 =	simm.s32 $0x1BFF;
	s21 =	sshll.u32 s8, $0x1;
	s5 =	sadd.s32 s6, s19  }
0x9e: {  	s9 =	simm.s32 $0x0;
	s20 =	sshll.u32 s7, $0x1;
	s7 =	sadd.s32 s21, s5  }
0x9f: {  	[timem:s9], [sflag:s22] =	dma.local [hbm:s7], s20  }
0xa0: {  	_ =	swait.ge [sflag:s22], s20  }
0xa1: {  	s6 =	ssub.s32 $0x0, s20;
	[sflag:s22] =	ssyncset.done $0x0  }
0xa2: {  	[sflag:s22] =	ssyncadd.s32 s6;
	_ =	sdelay $0x1  }
0xa3: {  	s23 =	simm.s32 $0x1B8B  }
0xa4: {  	_ =	swait.ge [sflag:s23], $0x1  }
0xa5: {  	[sflag:s23] =	ssyncset.done $0x0  }
0xa6: {  	s25 =	simm.s32 $0x1B8E;
	s24 =	sld [smem:$0x3FFE];
	[sflag:s23] =	ssyncadd.s32 $0xFFFFFFFF  }
0xa7: {  	s26 =	simm.s32 $execute0_lowered;
	[smem:$0x3FD2] =	sst s25  }
0xa8: {  	s7 =	sshll.u32 s26, $0x1;
	_ =	strace $0x80000046;
	[dreg:$0x1] =	wrdreg $0xFFFFFFFF  }
0xa9: {  	s28 =	simm.s32 $_size_execute0_lowered;
	s5 =	sadd.s32 s5, s7;
	[dreg:$0x0] =	wrdreg $0x0  }
0xaa: {  	s7 =	sshll.u32 s28, $0x1;
	[dreg:$0x2] =	wrdreg s5  }
0xab: {  	[dreg:$0x3] =	wrdreg s7  }
0xac: {  	[dreg:$0x4] =	wrdreg $0xC0  }
0xad: {  	_ =	task [dreg:s9], $0x5FFFF  }
0xae: {  	[dreg:$0x1] =	wrdreg $0xFFFFFFFF  }
0xaf: {  	[dreg:$0x0] =	wrdreg $0x60  }
0xb0: {  	[dreg:$0x2] =	wrdreg s2  }
0xb1: {  	[dreg:$0x3] =	wrdreg s18  }
0xb2: {  	[dreg:$0x4] =	wrdreg s24  }
0xb3: {  	[dreg:$0x5] =	wrdreg s4  }
0xb4: {  	[dreg:$0x6] =	wrdreg $0x9  }
0xb5: {  	_ =	task.clear_ibuf [dreg:s9], $0x7FFFF;
	_ =	strace $0x90000046  }
0xb6: {  	s29 =	simm.s32 $0x9;
	_ =	strace $0x80000048  }
0xb7: {  	_ =	swait.ge [sflag:s29], $0x1  }
0xb8: {  	[sflag:s29] =	ssyncadd.s32 $0xFFFFFFFF  }
0xb9: {  	_ =	strace $0x90000048  }
0xba: {  	_ =	sfence  }
0xbb: {  	s30 =	sld [smem:$0x0];
	_ =	sdelay $0x2  }
0xbc: {  	s31 =	sshll.u32 s1, $0xD;
	s1 =	sshrl.u32 s1, $0x2  }
0xbd: {  	s3 =	sand.u32 $0x4000, s31;
	s1 =	sadd.s32 s1, s30  }
0xbe: {  	s0 =	sor.u32 s3, s0;
	s1 =	sshll.u32 s1, $0x11  }
0xbf: {  	s0 =	sor.u32 s1, s0  }
0xc0: {  	s0 =	sadd.s32 $0x8F2B, s0  }
0xc1: {  	[sflag:s0] =	ssyncadd.remote.s32 $0x1  }
0xc2: {  	_ =	sfence.sel $0xFFFF  }
0xc3: {  	[dreg:$0x0] =	wrdreg $0xFFFFFFFF;
	(pc) =	sbr.abs _section_cstart, $3  }
0xc4: {  	[dreg:$0x1] =	wrdreg $0xFFFFFFFF  }
0xc5: {  	_ =	task.clear_ibuf [dreg:s9], $0x2FFFF;
	_ =	strace $0x9FFFFFFF  }
0xc6: {  	(tm) =	ssettm $0x7FFFFFFF  }
0xc7: {  	_ =	shalt  }
tec
execute0_lowered:
.L_overlay_start_1:
0x0: {  	(tag) =	ssettag $0x1  }
0x1: {  	s1 =	rddreg [dreg:$0x0]  }
0x2: {  	s2 =	srdreg.scid;
	s5 =	rddreg [dreg:$0x1]  }
0x3: {  	s0 =	stileid.u32;
	s6 =	rddreg [dreg:$0x2];
	s4 =	sand.u32 $0x1, s2  }
0x4: {  	s7 =	rddreg [dreg:$0x3];
	s13 =	sshll.u32 s0, $0x6;
	s3 =	sshll.u32 s4, $0x5  }
0x5: {  	s2 =	rddreg [dreg:$0x4];
	s8 =	sor.u32 s3, s13;
	s3 =	simm.s32 $0x0  }
0x6: {  	s20 =	simm.s32 $0x80;
	[smem:$0x7FF] =	sst s3  }
0x7: {  	s21 =	simm.s32 $0x8100;
	_ =	strace $0x80000047;
	[dreg:$0xd] =	wrdreg s20  }
0x8: {  	s22 =	simm.s32 $0x100;
	[dreg:$0xe] =	wrdreg s21  }
0x9: {  	s23 =	simm.s32 $0x500;
	[dreg:$0xf] =	wrdreg s22  }
0xa: {  	s24 =	simm.s32 $0x900;
	[dreg:$0x10] =	wrdreg s23  }
0xb: {  	s25 =	simm.s32 $0xD00;
	[dreg:$0x11] =	wrdreg s24  }
0xc: {  	s26 =	simm.s32 $0x1100;
	[dreg:$0x12] =	wrdreg s25  }
0xd: {  	s28 =	simm.s32 $0x1500;
	[dreg:$0x13] =	wrdreg s26  }
0xe: {  	s29 =	simm.s32 $0x1900;
	[dreg:$0x14] =	wrdreg s28  }
0xf: {  	s30 =	simm.s32 $0x1D00;
	[dreg:$0x15] =	wrdreg s29  }
0x10: {  	s31 =	simm.s32 $0x2100;
	[dreg:$0x16] =	wrdreg s30  }
0x11: {  	s12 =	simm.s32 $0x3D00;
	s13 =	simm.s32 $0x4100;
	[dreg:$0x17] =	wrdreg s31  }
0x12: {  	s9 =	sshrl.u32 s8, $0x3;
	s8 =	sshll.u32 s8, $0x5;
	[dreg:$0x1e] =	wrdreg s12  }
0x13: {  	vm0 =	vmmov $0x1;
	v0 =	vimm.s32 $0x0;
	s5 =	sadd.s32 s5, s8;
	[dreg:$0x1f] =	wrdreg s13  }
0x14: {  	v0 =	vsel vm0, $0xFFFFFFFF, v0;
	s19 =	sadd.s32 s7, s9;
	[dreg:$0x7] =	wrdreg s5  }
0x15: {  	vm14 =	vmmov $0x3;
	s7 =	simm.s32 $0x2900;
	[tilespmem:$0x1FF10] =	vst v0;
	v0 =	vimm.s32 $0x0;
	[dreg:$0xc] =	wrdreg s19  }
0x16: {  	s6 =	sadd.s32 s9, s6;
	s8 =	simm.s32 $0x2D00;
	[dreg:$0x19] =	wrdreg s7;
	v0 =	vsel vm14, $0xFFFFFFFF, v0  }
0x17: {  	vm15 =	vmmov $0x7;
	s11 =	smul.u32 $0x3E800, s9;
	s9 =	simm.s32 $0x3100;
	[dreg:$0x1a] =	wrdreg s8;
	[tilespmem:$0x1FF20] =	vst v0;
	v0 =	vimm.s32 $0x0  }
0x18: {  	s20 =	simm.s32 $0x5D00;
	[dreg:$0x1b] =	wrdreg s9;
	v0 =	vsel vm15, $0xFFFFFFFF, v0  }
0x19: {  	vm4 =	vmmov $0xf;
	s21 =	simm.s32 $0x6100;
	[smem:$0x7F4] =	sst s20;
	[tilespmem:$0x1FF30] =	vst v0;
	v0 =	vimm.s32 $0x0  }
0x1a: {  	s22 =	simm.s32 $0x6500;
	[smem:$0x7F5] =	sst s21;
	v0 =	vsel vm4, $0xFFFFFFFF, v0  }
0x1b: {  	vm5 =	vmmov $0x1f;
	s23 =	simm.s32 $0x6900;
	[smem:$0x7F6] =	sst s22;
	[tilespmem:$0x1FF40] =	vst v0;
	v0 =	vimm.s32 $0x0  }
0x1c: {  	s24 =	simm.s32 $0x6D00;
	[smem:$0x7F7] =	sst s23;
	v0 =	vsel vm5, $0xFFFFFFFF, v0  }
0x1d: {  	vm6 =	vmmov $0x3f;
	s26 =	simm.s32 $0x7100;
	[smem:$0x7F8] =	sst s24;
	[tilespmem:$0x1FF50] =	vst v0;
	v0 =	vimm.s32 $0x0  }
0x1e: {  	s28 =	simm.s32 $0x7500;
	[smem:$0x7F9] =	sst s26;
	v0 =	vsel vm6, $0xFFFFFFFF, v0  }
0x1f: {  	vm7 =	vmmov $0x7f;
	s29 =	simm.s32 $0x7900;
	[smem:$0x7FA] =	sst s28;
	[tilespmem:$0x1FF60] =	vst v0;
	v0 =	vimm.s32 $0x0  }
0x20: {  	s30 =	simm.s32 $0x7D00;
	[smem:$0x7FB] =	sst s29;
	v0 =	vsel vm7, $0xFFFFFFFF, v0  }
0x21: {  	vm8 =	vmmov $0xff;
	s31 =	simm.s32 $0xA100;
	[smem:$0x7FC] =	sst s30;
	[tilespmem:$0x1FF70] =	vst v0;
	v0 =	vimm.s32 $0x0  }
0x22: {  	s10 =	sadd.s32 $0x400, s6;
	[smem:$0x7FD] =	sst s31;
	v0 =	vsel vm8, $0xFFFFFFFF, v0  }
0x23: {  	vm9 =	vmmov $0x1ff;
	s6 =	sadd.s32 $0x480, s6;
	[dreg:$0x5] =	wrdreg s10;
	[tilespmem:$0x1FF80] =	vst v0;
	v0 =	vimm.s32 $0x0  }
0x24: {  	s19 =	simm.s32 $0x5900;
	[dreg:$0x6] =	wrdreg s6;
	v0 =	vsel vm9, $0xFFFFFFFF, v0  }
0x25: {  	vm10 =	vmmov $0x3ff;
	s6 =	simm.s32 $0x2500;
	[smem:$0x7F3] =	sst s19;
	[tilespmem:$0x1FF90] =	vst v0;
	v0 =	vimm.s32 $0x0  }
0x26: {  	s10 =	simm.s32 $0x3500;
	[dreg:$0x18] =	wrdreg s6;
	v0 =	vsel vm10, $0xFFFFFFFF, v0  }
0x27: {  	vm11 =	vmmov $0x7ff;
	s14 =	sshrl.u32 s11, $0x3;
	s11 =	simm.s32 $0x3900;
	[dreg:$0x1c] =	wrdreg s10;
	[tilespmem:$0x1FFA0] =	vst v0;
	v0 =	vimm.s32 $0x0  }
0x28: {  	s15 =	sadd.s32 s1, s14;
	[dreg:$0x1d] =	wrdreg s11;
	v0 =	vsel vm11, $0xFFFFFFFF, v0  }
0x29: {  	vm12 =	vmmov $0xfff;
	s16 =	sadd.s32 $0x7D00, s14;
	[dreg:$0x8] =	wrdreg s15;
	[tilespmem:$0x1FFB0] =	vst v0;
	v0 =	vimm.s32 $0x0  }
0x2a: {  	s17 =	sadd.s32 $0xFA00, s14;
	[dreg:$0x9] =	wrdreg s16;
	v0 =	vsel vm12, $0xFFFFFFFF, v0  }
0x2b: {  	vm13 =	vmmov $0x1fff;
	s4 =	ssub.s32 $0x2, s4;
	s18 =	sadd.s32 $0x17700, s14;
	[dreg:$0xa] =	wrdreg s17;
	[tilespmem:$0x1FFC0] =	vst v0;
	v0 =	vimm.s32 $0x0  }
0x2c: {  	s25 =	sshrl.u32 s4, $0x1;
	s14 =	simm.s32 $0x4500;
	[dreg:$0xb] =	wrdreg s18;
	v0 =	vsel vm13, $0xFFFFFFFF, v0  }
0x2d: {  	s4 =	ssub.s32 s4, s25;
	vm14 =	vmmov $0x3fff;
	[smem:$0x7EE] =	sst s14;
	s15 =	simm.s32 $0x4900;
	[tilespmem:$0x1FFD0] =	vst v0;
	v0 =	vimm.s32 $0x0  }
0x2e: {  	s5 =	simm.s32 $0x1;
	s16 =	simm.s32 $0x4D00;
	[smem:$0x7EF] =	sst s15;
	v0 =	vsel vm14, $0xFFFFFFFF, v0  }
0x2f: {  	s7 =	simm.s32 $0x3;
	vm15 =	vmmov $0x7fff;
	s17 =	simm.s32 $0x5100;
	[smem:$0x7F0] =	sst s16;
	[tilespmem:$0x1FFE0] =	vst v0;
	v0 =	vimm.s32 $0x0  }
0x30: {  	s8 =	simm.s32 $0x4;
	s18 =	simm.s32 $0x5500;
	[smem:$0x7F1] =	sst s17;
	v0 =	vsel vm15, $0xFFFFFFFF, v0  }
0x31: {  	s4 =	smax.u32 s4, $0x1;
	s6 =	simm.s32 $0x2;
	[smem:$0x7F2] =	sst s18;
	[tilespmem:$0x1FFF0] =	vst v0;
	v0 =	vimm.f32 $0.0e+00  }
.LBB2_1:
0x32: {  	s9 =	rddreg [dreg:$0x5]  }
0x33: {  	s31 =	rddreg [dreg:$0x6]  }
0x34: {  	s10 =	rddreg [dreg:$0xd]  }
0x35: {  	[tilespmem:s3], [sflag:$0x1] =	stream.linear.gather [hbm4b:s9+s3], $0x20, $0x38;
	[tilespmem:$0xA180] =	vst v63  }
0x36: {  	s11 =	rddreg [dreg:$0x7]  }
0x37: {  	[tilespmem:s10], [sflag:$0x1] =	stream.linear.gather [hbm4b:s31+s3], $0x20, $0x38;
	[tilespmem:$0xA180] =	vst v63  }
0x38: {  	s12 =	rddreg [dreg:$0xe]  }
0x39: {  	[tilespmem:s12], [sflag:$0x3] =	stream.linear.gather [hbm4b:s11+s3], $0x2000, $0x38;
	[tilespmem:$0xA180] =	vst v63  }
0x3a: {  	_ =	swait.ge [sflag:s5], $0x20  }
0x3b: {  	[sflag:s5] =	ssyncset.done $0x0  }
0x3c: {  	[sflag:s5] =	ssyncadd.s32 $0xFFFFFFE0  }
0x3d: {  	_ =	swait.ge [sflag:s5], $0x20  }
0x3e: {  	[sflag:s5] =	ssyncset.done $0x0  }
0x3f: {  	[sflag:s5] =	ssyncadd.s32 $0xFFFFFFE0  }
0x40: {  	v1 =	vld [tilespmem:$0x80];
	_ =	sdelay $0x4  }
0x41: {  	s13 =	rddreg [dreg:$0x8];
	v1 =	vand.u32 $0xFFFFFF80, v1  }
0x42: {  	v2 =	vadd.s32 s13, v1  }
0x43: {  	(v2sf) =	vpush v2, $0x0;
	_ =	sdelay $0x1  }
0x44: {  	(v2sf) =	vpush v2, $0x1  }
0x45: {  	(v2sf) =	vpush v2, $0x2;
	_ =	sdelay $0x1  }
0x46: {  	(v2sf) =	vpush v2, $0x3  }
0x47: {  	(v2sf) =	vpush v2, $0x4;
	_ =	sdelay $0x1  }
0x48: {  	(v2sf) =	vpush v2, $0x5;
	_ =	sdelay $0x1  }
0x49: {  	(v2sf) =	vpush v2, $0x6;
	_ =	sdelay $0x1  }
0x4a: {  	s14 =	rddreg [dreg:$0x9];
	(v2sf) =	vpush v2, $0x7  }
0x4b: {  	v1 =	vadd.s32 s14, v1  }
0x4c: {  	(v2sf) =	vpush v1, $0x8  }
0x4d: {  	s15 =	rddreg [dreg:$0xf];
	s16 =	spop (v2sf)  }
0x4e: {  	[tilespmem:s15], [sflag:$0x2] =	stream.linear.gather [hbm4b:s16+s3], $0x400, $0x38;
	[tilespmem:$0xA180] =	vst v63  }
0x4f: {  	s18 =	spop (v2sf)  }
0x50: {  	s17 =	rddreg [dreg:$0x10];
	(v2sf) =	vpush v1, $0x9;
	s20 =	spop (v2sf)  }
0x51: {  	[tilespmem:s17], [sflag:$0x2] =	stream.linear.gather [hbm4b:s18+s3], $0x400, $0x38;
	[tilespmem:$0xA180] =	vst v63  }
0x52: {  	s22 =	spop (v2sf)  }
0x53: {  	s19 =	rddreg [dreg:$0x11];
	(v2sf) =	vpush v1, $0xA;
	s24 =	spop (v2sf)  }
0x54: {  	[tilespmem:s19], [sflag:$0x2] =	stream.linear.gather [hbm4b:s20+s3], $0x400, $0x38;
	[tilespmem:$0xA180] =	vst v63  }
0x55: {  	s21 =	rddreg [dreg:$0x12];
	s26 =	spop (v2sf)  }
0x56: {  	(v2sf) =	vpush v1, $0xB;
	[tilespmem:s21], [sflag:$0x2] =	stream.linear.gather [hbm4b:s22+s3], $0x400, $0x38;
	[tilespmem:$0xA180] =	vst v63  }
0x57: {  	s23 =	rddreg [dreg:$0x13];
	s29 =	spop (v2sf)  }
0x58: {  	[tilespmem:s23], [sflag:$0x2] =	stream.linear.gather [hbm4b:s24+s3], $0x400, $0x38;
	[tilespmem:$0xA180] =	vst v63  }
0x59: {  	s25 =	rddreg [dreg:$0x14];
	(v2sf) =	vpush v1, $0xC;
	s31 =	spop (v2sf)  }
0x5a: {  	[tilespmem:s25], [sflag:$0x2] =	stream.linear.gather [hbm4b:s26+s3], $0x400, $0x38;
	[tilespmem:$0xA180] =	vst v63  }
0x5b: {  	s28 =	rddreg [dreg:$0x15];
	s10 =	spop (v2sf)  }
0x5c: {  	(v2sf) =	vpush v1, $0xD;
	[tilespmem:s28], [sflag:$0x2] =	stream.linear.gather [hbm4b:s29+s3], $0x400, $0x38;
	[tilespmem:$0xA180] =	vst v63  }
0x5d: {  	s30 =	rddreg [dreg:$0x16];
	s9 =	sand.u32 $0x1FFFFF80, s10  }
0x5e: {  	[tilespmem:s30], [sflag:$0x2] =	stream.linear.gather [hbm4b:s31+s3], $0x400, $0x38;
	[tilespmem:$0xA180] =	vst v63  }
0x5f: {  	s11 =	rddreg [dreg:$0x17];
	(v2sf) =	vpush v1, $0xE;
	s12 =	spop (v2sf);
	s9 =	sadd.s32 s1, s9  }
0x60: {  	[tilespmem:s11], [sflag:$0x2] =	stream.linear.gather [hbm4b:s9+s3], $0x400, $0x38;
	[tilespmem:$0xA180] =	vst v63  }
0x61: {  	s9 =	sand.u32 $0x1FFFFF80, s12  }
0x62: {  	s13 =	rddreg [dreg:$0x18];
	(v2sf) =	vpush v1, $0xF;
	s14 =	spop (v2sf);
	s9 =	sadd.s32 s1, s9  }
0x63: {  	[tilespmem:s13], [sflag:$0x2] =	stream.linear.gather [hbm4b:s9+s3], $0x400, $0x38;
	[tilespmem:$0xA180] =	vst v63  }
0x64: {  	s9 =	sand.u32 $0x1FFFFF80, s14  }
0x65: {  	s15 =	rddreg [dreg:$0x19];
	s16 =	spop (v2sf);
	s9 =	sadd.s32 s1, s9  }
0x66: {  	[tilespmem:s15], [sflag:$0x2] =	stream.linear.gather [hbm4b:s9+s3], $0x400, $0x38;
	[tilespmem:$0xA180] =	vst v63  }
0x67: {  	s9 =	sand.u32 $0x1FFFFF80, s16  }
0x68: {  	s17 =	rddreg [dreg:$0x1a];
	s18 =	spop (v2sf);
	s9 =	sadd.s32 s1, s9  }
0x69: {  	[tilespmem:s17], [sflag:$0x2] =	stream.linear.gather [hbm4b:s9+s3], $0x400, $0x38;
	[tilespmem:$0xA180] =	vst v63  }
0x6a: {  	s9 =	sand.u32 $0x1FFFFF80, s18  }
0x6b: {  	s19 =	rddreg [dreg:$0x1b];
	s20 =	spop (v2sf);
	s9 =	sadd.s32 s1, s9  }
0x6c: {  	[tilespmem:s19], [sflag:$0x2] =	stream.linear.gather [hbm4b:s9+s3], $0x400, $0x38;
	[tilespmem:$0xA180] =	vst v63  }
0x6d: {  	s9 =	sand.u32 $0x1FFFFF80, s20  }
0x6e: {  	s21 =	rddreg [dreg:$0x1c];
	s22 =	spop (v2sf);
	s9 =	sadd.s32 s1, s9  }
0x6f: {  	[tilespmem:s21], [sflag:$0x2] =	stream.linear.gather [hbm4b:s9+s3], $0x400, $0x38;
	[tilespmem:$0xA180] =	vst v63  }
0x70: {  	s9 =	sand.u32 $0x1FFFFF80, s22  }
0x71: {  	s23 =	rddreg [dreg:$0x1d];
	s24 =	spop (v2sf);
	s9 =	sadd.s32 s1, s9  }
0x72: {  	[tilespmem:s23], [sflag:$0x2] =	stream.linear.gather [hbm4b:s9+s3], $0x400, $0x38;
	[tilespmem:$0xA180] =	vst v63  }
0x73: {  	s9 =	sand.u32 $0x1FFFFF80, s24  }
0x74: {  	s25 =	rddreg [dreg:$0x1e];
	s9 =	sadd.s32 s1, s9  }
0x75: {  	[tilespmem:s25], [sflag:$0x2] =	stream.linear.gather [hbm4b:s9+s3], $0x400, $0x38;
	[tilespmem:$0xA180] =	vst v63  }
0x76: {  	v1 =	vld [tilespmem:$0x90];
	_ =	sdelay $0x4  }
0x77: {  	s26 =	rddreg [dreg:$0xa];
	v1 =	vand.u32 $0xFFFFFF80, v1  }
0x78: {  	v2 =	vadd.s32 s26, v1  }
0x79: {  	(v2sf) =	vpush v2, $0x0;
	_ =	sdelay $0x1  }
0x7a: {  	(v2sf) =	vpush v2, $0x1;
	_ =	sdelay $0x2  }
0x7b: {  	(v2sf) =	vpush v2, $0x2;
	_ =	sdelay $0x2  }
0x7c: {  	(v2sf) =	vpush v2, $0x3;
	_ =	sdelay $0x2  }
0x7d: {  	(v2sf) =	vpush v2, $0x4;
	_ =	sdelay $0x2  }
0x7e: {  	(v2sf) =	vpush v2, $0x5  }
0x7f: {  	s28 =	spop (v2sf)  }
0x80: {  	s29 =	rddreg [dreg:$0x1f];
	s9 =	sand.u32 $0x1FFFFF80, s28  }
0x81: {  	s31 =	sld [smem:$0x7EE];
	(v2sf) =	vpush v2, $0x6;
	s30 =	spop (v2sf);
	s9 =	sadd.s32 s1, s9  }
0x82: {  	[tilespmem:s29], [sflag:$0x2] =	stream.linear.gather [hbm4b:s9+s3], $0x400, $0x38;
	[tilespmem:$0xA180] =	vst v63  }
0x83: {  	s11 =	sld [smem:$0x7EF];
	s9 =	sand.u32 $0x1FFFFF80, s30  }
0x84: {  	s14 =	rddreg [dreg:$0xb];
	(v2sf) =	vpush v2, $0x7;
	s10 =	spop (v2sf);
	s9 =	sadd.s32 s1, s9  }
0x85: {  	[tilespmem:s31], [sflag:$0x2] =	stream.linear.gather [hbm4b:s9+s3], $0x400, $0x38;
	[tilespmem:$0xA180] =	vst v63  }
0x86: {  	v1 =	vadd.s32 s14, v1;
	s9 =	sand.u32 $0x1FFFFF80, s10  }
0x87: {  	s13 =	sld [smem:$0x7F0];
	(v2sf) =	vpush v1, $0x8;
	s12 =	spop (v2sf);
	s9 =	sadd.s32 s1, s9  }
0x88: {  	[tilespmem:s11], [sflag:$0x2] =	stream.linear.gather [hbm4b:s9+s3], $0x400, $0x38;
	[tilespmem:$0xA180] =	vst v63  }
0x89: {  	s9 =	sand.u32 $0x1FFFFF80, s12  }
0x8a: {  	s16 =	sld [smem:$0x7F1];
	(v2sf) =	vpush v1, $0x9;
	s15 =	spop (v2sf);
	s9 =	sadd.s32 s1, s9  }
0x8b: {  	[tilespmem:s13], [sflag:$0x2] =	stream.linear.gather [hbm4b:s9+s3], $0x400, $0x38;
	[tilespmem:$0xA180] =	vst v63  }
0x8c: {  	s9 =	sand.u32 $0x1FFFFF80, s15  }
0x8d: {  	s18 =	sld [smem:$0x7F2];
	(v2sf) =	vpush v1, $0xA;
	s17 =	spop (v2sf);
	s9 =	sadd.s32 s1, s9  }
0x8e: {  	[tilespmem:s16], [sflag:$0x2] =	stream.linear.gather [hbm4b:s9+s3], $0x400, $0x38;
	[tilespmem:$0xA180] =	vst v63  }
0x8f: {  	s9 =	sand.u32 $0x1FFFFF80, s17  }
0x90: {  	s20 =	sld [smem:$0x7F3];
	(v2sf) =	vpush v1, $0xB;
	s19 =	spop (v2sf);
	s9 =	sadd.s32 s1, s9  }
0x91: {  	[tilespmem:s18], [sflag:$0x2] =	stream.linear.gather [hbm4b:s9+s3], $0x400, $0x38;
	[tilespmem:$0xA180] =	vst v63  }
0x92: {  	s9 =	sand.u32 $0x1FFFFF80, s19  }
0x93: {  	s22 =	sld [smem:$0x7F4];
	(v2sf) =	vpush v1, $0xC;
	s21 =	spop (v2sf);
	s9 =	sadd.s32 s1, s9  }
0x94: {  	[tilespmem:s20], [sflag:$0x2] =	stream.linear.gather [hbm4b:s9+s3], $0x400, $0x38;
	[tilespmem:$0xA180] =	vst v63  }
0x95: {  	s9 =	sand.u32 $0x1FFFFF80, s21  }
0x96: {  	s24 =	sld [smem:$0x7F5];
	(v2sf) =	vpush v1, $0xD;
	s23 =	spop (v2sf);
	s9 =	sadd.s32 s1, s9  }
0x97: {  	[tilespmem:s22], [sflag:$0x2] =	stream.linear.gather [hbm4b:s9+s3], $0x400, $0x38;
	[tilespmem:$0xA180] =	vst v63  }
0x98: {  	s9 =	sand.u32 $0x1FFFFF80, s23  }
0x99: {  	s26 =	sld [smem:$0x7F6];
	(v2sf) =	vpush v1, $0xE;
	s25 =	spop (v2sf);
	s9 =	sadd.s32 s1, s9  }
0x9a: {  	[tilespmem:s24], [sflag:$0x2] =	stream.linear.gather [hbm4b:s9+s3], $0x400, $0x38;
	[tilespmem:$0xA180] =	vst v63  }
0x9b: {  	s9 =	sand.u32 $0x1FFFFF80, s25  }
0x9c: {  	(v2sf) =	vpush v1, $0xF;
	s29 =	sld [smem:$0x7F7];
	s28 =	spop (v2sf);
	s9 =	sadd.s32 s1, s9  }
0x9d: {  	[tilespmem:s26], [sflag:$0x2] =	stream.linear.gather [hbm4b:s9+s3], $0x400, $0x38;
	[tilespmem:$0xA180] =	vst v63  }
0x9e: {  	s9 =	sand.u32 $0x1FFFFF80, s28  }
0x9f: {  	s31 =	sld [smem:$0x7F8];
	s30 =	spop (v2sf);
	s9 =	sadd.s32 s1, s9  }
0xa0: {  	[tilespmem:s29], [sflag:$0x2] =	stream.linear.gather [hbm4b:s9+s3], $0x400, $0x38;
	[tilespmem:$0xA180] =	vst v63  }
0xa1: {  	s9 =	sand.u32 $0x1FFFFF80, s30  }
0xa2: {  	s12 =	sld [smem:$0x7F9];
	s11 =	spop (v2sf);
	s9 =	sadd.s32 s1, s9  }
0xa3: {  	[tilespmem:s31], [sflag:$0x2] =	stream.linear.gather [hbm4b:s9+s3], $0x400, $0x38;
	[tilespmem:$0xA180] =	vst v63  }
0xa4: {  	s9 =	sand.u32 $0x1FFFFF80, s11  }
0xa5: {  	s14 =	sld [smem:$0x7FA];
	s13 =	spop (v2sf);
	s9 =	sadd.s32 s1, s9  }
0xa6: {  	[tilespmem:s12], [sflag:$0x2] =	stream.linear.gather [hbm4b:s9+s3], $0x400, $0x38;
	[tilespmem:$0xA180] =	vst v63  }
0xa7: {  	s9 =	sand.u32 $0x1FFFFF80, s13  }
0xa8: {  	s16 =	sld [smem:$0x7FB];
	s15 =	spop (v2sf);
	s9 =	sadd.s32 s1, s9  }
0xa9: {  	[tilespmem:s14], [sflag:$0x2] =	stream.linear.gather [hbm4b:s9+s3], $0x400, $0x38;
	[tilespmem:$0xA180] =	vst v63  }
0xaa: {  	s9 =	sand.u32 $0x1FFFFF80, s15  }
0xab: {  	s18 =	sld [smem:$0x7FC];
	s17 =	spop (v2sf);
	s9 =	sadd.s32 s1, s9  }
0xac: {  	[tilespmem:s16], [sflag:$0x2] =	stream.linear.gather [hbm4b:s9+s3], $0x400, $0x38;
	[tilespmem:$0xA180] =	vst v63  }
0xad: {  	s9 =	sand.u32 $0x1FFFFF80, s17  }
0xae: {  	s9 =	sadd.s32 s1, s9  }
0xaf: {  	[tilespmem:s18], [sflag:$0x2] =	stream.linear.gather [hbm4b:s9+s3], $0x400, $0x38;
	[tilespmem:$0xA180] =	vst v63  }
0xb0: {  	_ =	swait.ge [sflag:s6], $0x400  }
0xb1: {  	[sflag:s6] =	ssyncset.done $0x0  }
0xb2: {  	[sflag:s6] =	ssyncadd.s32 $0xFFFFFC00  }
0xb3: {  	_ =	swait.ge [sflag:s6], $0x400  }
0xb4: {  	[sflag:s6] =	ssyncset.done $0x0  }
0xb5: {  	[sflag:s6] =	ssyncadd.s32 $0xFFFFFC00  }
0xb6: {  	_ =	swait.ge [sflag:s6], $0x400  }
0xb7: {  	[sflag:s6] =	ssyncset.done $0x0  }
0xb8: {  	[sflag:s6] =	ssyncadd.s32 $0xFFFFFC00  }
0xb9: {  	_ =	swait.ge [sflag:s6], $0x400  }
0xba: {  	[sflag:s6] =	ssyncset.done $0x0  }
0xbb: {  	[sflag:s6] =	ssyncadd.s32 $0xFFFFFC00  }
0xbc: {  	_ =	swait.ge [sflag:s6], $0x400  }
0xbd: {  	[sflag:s6] =	ssyncset.done $0x0  }
0xbe: {  	[sflag:s6] =	ssyncadd.s32 $0xFFFFFC00  }
0xbf: {  	_ =	swait.ge [sflag:s6], $0x400  }
0xc0: {  	[sflag:s6] =	ssyncset.done $0x0  }
0xc1: {  	[sflag:s6] =	ssyncadd.s32 $0xFFFFFC00  }
0xc2: {  	_ =	swait.ge [sflag:s6], $0x400  }
0xc3: {  	[sflag:s6] =	ssyncset.done $0x0  }
0xc4: {  	[sflag:s6] =	ssyncadd.s32 $0xFFFFFC00  }
0xc5: {  	_ =	swait.ge [sflag:s6], $0x400  }
0xc6: {  	[sflag:s6] =	ssyncset.done $0x0  }
0xc7: {  	[sflag:s6] =	ssyncadd.s32 $0xFFFFFC00  }
0xc8: {  	_ =	swait.ge [sflag:s6], $0x400  }
0xc9: {  	[sflag:s6] =	ssyncset.done $0x0  }
0xca: {  	[sflag:s6] =	ssyncadd.s32 $0xFFFFFC00  }
0xcb: {  	_ =	swait.ge [sflag:s6], $0x400  }
0xcc: {  	[sflag:s6] =	ssyncset.done $0x0  }
0xcd: {  	[sflag:s6] =	ssyncadd.s32 $0xFFFFFC00  }
0xce: {  	_ =	swait.ge [sflag:s6], $0x400  }
0xcf: {  	[sflag:s6] =	ssyncset.done $0x0  }
0xd0: {  	[sflag:s6] =	ssyncadd.s32 $0xFFFFFC00  }
0xd1: {  	_ =	swait.ge [sflag:s6], $0x400  }
0xd2: {  	[sflag:s6] =	ssyncset.done $0x0  }
0xd3: {  	[sflag:s6] =	ssyncadd.s32 $0xFFFFFC00  }
0xd4: {  	_ =	swait.ge [sflag:s6], $0x400  }
0xd5: {  	[sflag:s6] =	ssyncset.done $0x0  }
0xd6: {  	[sflag:s6] =	ssyncadd.s32 $0xFFFFFC00  }
0xd7: {  	_ =	swait.ge [sflag:s6], $0x400  }
0xd8: {  	[sflag:s6] =	ssyncset.done $0x0  }
0xd9: {  	[sflag:s6] =	ssyncadd.s32 $0xFFFFFC00  }
0xda: {  	_ =	swait.ge [sflag:s6], $0x400  }
0xdb: {  	[sflag:s6] =	ssyncset.done $0x0  }
0xdc: {  	[sflag:s6] =	ssyncadd.s32 $0xFFFFFC00  }
0xdd: {  	_ =	swait.ge [sflag:s6], $0x400  }
0xde: {  	[sflag:s6] =	ssyncset.done $0x0  }
0xdf: {  	[sflag:s6] =	ssyncadd.s32 $0xFFFFFC00  }
0xe0: {  	_ =	swait.ge [sflag:s6], $0x400  }
0xe1: {  	[sflag:s6] =	ssyncset.done $0x0  }
0xe2: {  	[sflag:s6] =	ssyncadd.s32 $0xFFFFFC00  }
0xe3: {  	_ =	swait.ge [sflag:s6], $0x400  }
0xe4: {  	[sflag:s6] =	ssyncset.done $0x0  }
0xe5: {  	[sflag:s6] =	ssyncadd.s32 $0xFFFFFC00  }
0xe6: {  	_ =	swait.ge [sflag:s6], $0x400  }
0xe7: {  	[sflag:s6] =	ssyncset.done $0x0  }
0xe8: {  	[sflag:s6] =	ssyncadd.s32 $0xFFFFFC00  }
0xe9: {  	_ =	swait.ge [sflag:s6], $0x400  }
0xea: {  	[sflag:s6] =	ssyncset.done $0x0  }
0xeb: {  	[sflag:s6] =	ssyncadd.s32 $0xFFFFFC00  }
0xec: {  	_ =	swait.ge [sflag:s6], $0x400  }
0xed: {  	[sflag:s6] =	ssyncset.done $0x0  }
0xee: {  	[sflag:s6] =	ssyncadd.s32 $0xFFFFFC00  }
0xef: {  	_ =	swait.ge [sflag:s6], $0x400  }
0xf0: {  	[sflag:s6] =	ssyncset.done $0x0  }
0xf1: {  	[sflag:s6] =	ssyncadd.s32 $0xFFFFFC00  }
0xf2: {  	_ =	swait.ge [sflag:s6], $0x400  }
0xf3: {  	[sflag:s6] =	ssyncset.done $0x0  }
0xf4: {  	[sflag:s6] =	ssyncadd.s32 $0xFFFFFC00  }
0xf5: {  	_ =	swait.ge [sflag:s6], $0x400  }
0xf6: {  	[sflag:s6] =	ssyncset.done $0x0  }
0xf7: {  	[sflag:s6] =	ssyncadd.s32 $0xFFFFFC00  }
0xf8: {  	_ =	swait.ge [sflag:s6], $0x400  }
0xf9: {  	[sflag:s6] =	ssyncset.done $0x0  }
0xfa: {  	[sflag:s6] =	ssyncadd.s32 $0xFFFFFC00  }
0xfb: {  	_ =	swait.ge [sflag:s6], $0x400  }
0xfc: {  	[sflag:s6] =	ssyncset.done $0x0  }
0xfd: {  	[sflag:s6] =	ssyncadd.s32 $0xFFFFFC00  }
0xfe: {  	_ =	swait.ge [sflag:s6], $0x400  }
0xff: {  	[sflag:s6] =	ssyncset.done $0x0  }
0x100: {  	[sflag:s6] =	ssyncadd.s32 $0xFFFFFC00  }
0x101: {  	_ =	swait.ge [sflag:s6], $0x400  }
0x102: {  	[sflag:s6] =	ssyncset.done $0x0  }
0x103: {  	[sflag:s6] =	ssyncadd.s32 $0xFFFFFC00  }
0x104: {  	_ =	swait.ge [sflag:s6], $0x400  }
0x105: {  	[sflag:s6] =	ssyncset.done $0x0  }
0x106: {  	[sflag:s6] =	ssyncadd.s32 $0xFFFFFC00  }
0x107: {  	_ =	swait.ge [sflag:s6], $0x400  }
0x108: {  	[sflag:s6] =	ssyncset.done $0x0  }
0x109: {  	[sflag:s6] =	ssyncadd.s32 $0xFFFFFC00  }
0x10a: {  	_ =	swait.ge [sflag:s6], $0x400  }
0x10b: {  	[sflag:s6] =	ssyncset.done $0x0  }
0x10c: {  	[sflag:s6] =	ssyncadd.s32 $0xFFFFFC00  }
0x10d: {  	_ =	swait.ge [sflag:s6], $0x400  }
0x10e: {  	[sflag:s6] =	ssyncset.done $0x0  }
0x10f: {  	[sflag:s6] =	ssyncadd.s32 $0xFFFFFC00  }
0x110: {  	_ =	swait.ge [sflag:s7], $0x2000  }
0x111: {  	[sflag:s7] =	ssyncset.done $0x0  }
0x112: {  	[sflag:s7] =	ssyncadd.s32 $0xFFFFE000  }
0x113: {  	v1 =	vld [tilespmem:$0x80]  }
0x114: {  	v2 =	vld [tilespmem:$0x0];
	_ =	sdelay $0x3  }
0x115: {  	v3 =	vand.u32 $0x70, v1  }
0x116: {  	v4 =	vand.u32 $0xF0, v2;
	(v2sf) =	vpush v3, $0x0  }
0x117: {  	(v2sf) =	vpush v4, $0x0  }
0x118: {  	(v2sf) =	vpush v3, $0x1  }
0x119: {  	(v2sf) =	vpush v4, $0x1  }
0x11a: {  	(v2sf) =	vpush v3, $0x2  }
0x11b: {  	(v2sf) =	vpush v4, $0x2  }
0x11c: {  	(v2sf) =	vpush v3, $0x3  }
0x11d: {  	(v2sf) =	vpush v4, $0x3  }
0x11e: {  	(v2sf) =	vpush v3, $0x4  }
0x11f: {  	(v2sf) =	vpush v4, $0x4  }
0x120: {  	v22 =	vld [tilespmem:$0x1FF10];
	(v2sf) =	vpush v3, $0x5  }
0x121: {  	v28 =	vld [tilespmem:$0x1FF20];
	(v2sf) =	vpush v4, $0x5  }
0x122: {  	v55 =	vld [tilespmem:$0x1FF60]  }
0x123: {  	v35 =	vld [tilespmem:$0x1FF30];
	(v2sf) =	vpush v3, $0x6  }
0x124: {  	v41 =	vld [tilespmem:$0x1FF40];
	(v2sf) =	vpush v4, $0x6  }
0x125: {  	v48 =	vld [tilespmem:$0x1FF50];
	(v2sf) =	vpush v3, $0x7;
	s19 =	spop (v2sf)  }
0x126: {  	v62 =	vld [tilespmem:$0x1FF70];
	(v2sf) =	vpush v4, $0x7;
	s20 =	spop (v2sf)  }
0x127: {  	vm6 =	vnez.u8 v55;
	v55 =	vld [tilespmem:$0x1FFE0];
	(v2sf) =	vpush v3, $0x8;
	s21 =	spop (v2sf);
	s14 =	sshll.u32 s20, $0x3  }
0x128: {  	v5 =	vld [tilespmem:s19+$0x100];
	(v2sf) =	vpush v4, $0x8;
	s22 =	spop (v2sf);
	s10 =	sor.u32 s20, s14  }
0x129: {  	(v2sf) =	vpush v3, $0x9;
	v7 =	vld [tilespmem:s21+$0x580];
	s13 =	spop (v2sf);
	s23 =	sshll.u32 s22, $0x3;
	s24 =	sand.u32 $0x470, s10  }
0x12a: {  	(v2sf) =	vpush v4, $0x9;
	s15 =	spop (v2sf);
	s25 =	sand.u32 $0x400, s23;
	v6 =	vld [tilespmem:s24+$0x8100]  }
0x12b: {  	vm0 =	vnez.u8 v22;
	(v2sf) =	vpush v3, $0xA;
	v11 =	vld [tilespmem:s13+$0xA00];
	s16 =	spop (v2sf);
	s28 =	sor.u32 s25, s22;
	s30 =	sshll.u32 s15, $0x3  }
0x12c: {  	vm2 =	vnez.u8 v28;
	v8 =	vbroadcast v1, $0x0;
	(v2sf) =	vpush v4, $0xA;
	s26 =	spop (v2sf);
	s9 =	sor.u32 $0x8180, s28;
	s17 =	sor.u32 s15, s30;
	v13 =	vld [tilespmem:s16+$0xE80]  }
0x12d: {  	v10 =	vbroadcast v2, $0x0;
	v16 =	vbroadcast v1, $0x1;
	(v2sf) =	vpush v3, $0xB;
	s29 =	spop (v2sf);
	v9 =	vld [tilespmem:s9+$0x0];
	s18 =	sshll.u32 s26, $0x3;
	s9 =	sand.u32 $0x470, s17  }
0x12e: {  	v17 =	vbroadcast v2, $0x1;
	v18 =	vbroadcast v1, $0x2;
	(v2sf) =	vpush v4, $0xB;
	s31 =	spop (v2sf);
	s11 =	sand.u32 $0x400, s18;
	v12 =	vld [tilespmem:s9+$0x8200]  }
0x12f: {  	v19 =	vbroadcast v2, $0x2;
	v20 =	vbroadcast v1, $0x3;
	(v2sf) =	vpush v3, $0xC;
	v15 =	vld [tilespmem:s29+$0x1300];
	s19 =	spop (v2sf);
	s21 =	sor.u32 s11, s26;
	s23 =	sshll.u32 s31, $0x3  }
0x130: {  	v24 =	vbroadcast v2, $0x3;
	v26 =	vbroadcast v1, $0x4;
	(v2sf) =	vpush v4, $0xC;
	s20 =	spop (v2sf);
	s9 =	sor.u32 $0x180, s21;
	s25 =	sor.u32 s31, s23;
	v25 =	vld [tilespmem:s19+$0x1780]  }
0x131: {  	v30 =	vbroadcast v2, $0x4;
	v33 =	vbroadcast v1, $0x5;
	(v2sf) =	vpush v3, $0xD;
	v14 =	vld [tilespmem:s9+$0x8100];
	s9 =	sand.u32 $0x470, s25;
	s28 =	sshll.u32 s20, $0x3  }
0x132: {  	v36 =	vbroadcast v2, $0x5;
	v5 =	vperm.xlane v5, v8;
	s22 =	spop (v2sf);
	(v2sf) =	vpush v4, $0xD;
	v21 =	vld [tilespmem:s9+$0x8300];
	s30 =	sor.u32 s28, s20  }
0x133: {  	v6 =	vperm.xlane v6, v10;
	s24 =	spop (v2sf);
	(v2sf) =	vpush v3, $0xE;
	v9 =	vperm.xlane v9, v17;
	v31 =	vld [tilespmem:s22+$0x1C00];
	s9 =	sor.u32 $0x8380, s30  }
0x134: {  	v7 =	vperm.xlane v7, v16;
	s26 =	spop (v2sf);
	(v2sf) =	vpush v4, $0xE;
	v23 =	vperm.xlane v12, v19;
	s15 =	sshll.u32 s24, $0x3;
	v27 =	vld [tilespmem:s9+$0x0]  }
0x135: {  	v39 =	vbroadcast v1, $0x6;
	s29 =	spop (v2sf);
	(v2sf) =	vpush v3, $0xF;
	v6 =	vsel vm0, v6, v9;
	s18 =	sor.u32 s24, s15;
	v37 =	vld [tilespmem:s26+$0x2080]  }
0x136: {  	s31 =	spop (v2sf);
	(v2sf) =	vpush v4, $0xF;
	v4 =	vsel vm0, v5, v7;
	s9 =	sand.u32 $0x470, s18;
	v5 =	vsel vm2, v6, v23;
	v23 =	vld [tilespmem:$0x1FF80]  }
0x137: {  	v43 =	vbroadcast v2, $0x6;
	v46 =	vbroadcast v1, $0x7;
	s20 =	sshll.u32 s29, $0x3;
	v34 =	vld [tilespmem:s9+$0x8400]  }
0x138: {  	v50 =	vbroadcast v2, $0x7;
	v53 =	vbroadcast v1, $0x8;
	s22 =	sor.u32 s20, s29;
	v44 =	vld [tilespmem:s31+$0x2100]  }
0x139: {  	v57 =	vbroadcast v2, $0x8;
	s17 =	spop (v2sf);
	v7 =	vperm.xlane v21, v30;
	s9 =	sor.u32 $0x380, s22;
	v30 =	vld [tilespmem:$0x1FF90]  }
0x13a: {  	vm3 =	vnez.u8 v35;
	v60 =	vbroadcast v1, $0x9;
	v28 =	vbroadcast v1, $0xB;
	s19 =	spop (v2sf);
	s24 =	sshll.u32 s17, $0x3;
	v40 =	vld [tilespmem:s9+$0x8100]  }
0x13b: {  	vm4 =	vnez.u8 v41;
	v35 =	vbroadcast v1, $0xC;
	v8 =	vperm.xlane v13, v20;
	s21 =	spop (v2sf);
	s26 =	sor.u32 s17, s24;
	v51 =	vld [tilespmem:s19+$0x2580]  }
0x13c: {  	vm5 =	vnez.u8 v48;
	v32 =	vperm.xlane v15, v26;
	s23 =	spop (v2sf);
	s9 =	sand.u32 $0x470, s26;
	v52 =	vperm.xlane v37, v46;
	v37 =	vld [tilespmem:$0x1FFA0]  }
0x13d: {  	vm7 =	vnez.u8 v62;
	v3 =	vperm.xlane v11, v18;
	v18 =	vbroadcast v2, $0x9;
	s25 =	spop (v2sf);
	v47 =	vld [tilespmem:s9+$0x8900]  }
0x13e: {  	vm14 =	vnez.u8 v55;
	v38 =	vperm.xlane v25, v33;
	v25 =	vbroadcast v2, $0xA;
	s28 =	sshll.u32 s21, $0x3;
	v58 =	vld [tilespmem:s23+$0x2A00];
	s29 =	spop (v2sf)  }
0x13f: {  	v3 =	vsel vm2, v4, v3;
	v29 =	vperm.xlane v14, v24;
	s30 =	sand.u32 $0x400, s28;
	v59 =	vperm.xlane v44, v53;
	v44 =	vld [tilespmem:$0x1FFB0];
	s31 =	spop (v2sf)  }
0x140: {  	v3 =	vsel vm3, v3, v8;
	v45 =	vperm.xlane v31, v39;
	v21 =	vbroadcast v1, $0xA;
	s16 =	sor.u32 s30, s21;
	v53 =	vld [tilespmem:$0x1FFD0];
	s17 =	spop (v2sf)  }
0x141: {  	v39 =	vbroadcast v2, $0xC;
	v4 =	vsel vm3, v5, v29;
	v3 =	vsel vm4, v3, v32;
	s18 =	sshll.u32 s25, $0x3;
	s9 =	sor.u32 $0x8980, s16;
	v19 =	vld [tilespmem:s29+$0x2E80];
	s19 =	spop (v2sf)  }
0x142: {  	v32 =	vbroadcast v2, $0xB;
	v42 =	vperm.xlane v27, v36;
	v3 =	vsel vm5, v3, v38;
	s20 =	sor.u32 s25, s18;
	v54 =	vld [tilespmem:s9+$0x0];
	s21 =	sshll.u32 s31, $0x3;
	s14 =	spop (v2sf)  }
0x143: {  	v4 =	vsel vm4, v4, v7;
	v3 =	vsel vm6, v3, v45;
	s9 =	sand.u32 $0x470, s20;
	v20 =	vperm.xlane v51, v60;
	v51 =	vld [tilespmem:$0x1FFC0];
	s22 =	sand.u32 $0x400, s21;
	s23 =	spop (v2sf)  }
0x144: {  	vm8 =	vnez.u8 v23;
	v49 =	vperm.xlane v34, v43;
	v4 =	vsel vm5, v4, v42;
	v61 =	vld [tilespmem:s9+$0x8A00];
	s24 =	sor.u32 s22, s31;
	s25 =	sshll.u32 s19, $0x3;
	s26 =	spop (v2sf)  }
0x145: {  	v3 =	vsel vm7, v3, v52;
	v43 =	vbroadcast v2, $0xD;
	v52 =	vbroadcast v1, $0xD;
	v26 =	vld [tilespmem:s17+$0x3300];
	s9 =	sor.u32 $0x980, s24;
	s11 =	sor.u32 s19, s25;
	s28 =	spop (v2sf)  }
0x146: {  	vm9 =	vnez.u8 v30;
	v56 =	vperm.xlane v40, v50;
	v63 =	vperm.xlane v47, v57;
	v57 =	vld [tilespmem:$0x1FFF0];
	s29 =	sand.u32 $0x470, s11;
	s30 =	sshll.u32 s23, $0x3;
	s31 =	spop (v2sf)  }
0x147: {  	v4 =	vsel vm6, v4, v49;
	v3 =	vsel vm8, v3, v59;
	v50 =	vbroadcast v2, $0xF;
	v22 =	vld [tilespmem:s9+$0x8100];
	s17 =	sor.u32 s30, s23;
	s18 =	sshll.u32 s28, $0x3;
	s19 =	spop (v2sf)  }
0x148: {  	vm10 =	vnez.u8 v37;
	v4 =	vsel vm7, v4, v56;
	v27 =	vperm.xlane v58, v21;
	v29 =	vld [tilespmem:s29+$0x8B00];
	s20 =	sor.u32 $0x8B80, s17;
	s21 =	sor.u32 s28, s18;
	s22 =	sshll.u32 s19, $0x3  }
0x149: {  	v3 =	vsel vm9, v3, v20;
	v47 =	vbroadcast v2, $0xE;
	v56 =	vbroadcast v1, $0xF;
	v33 =	vld [tilespmem:s20+$0x0];
	s23 =	sand.u32 $0x470, s21;
	s24 =	sor.u32 s22, s19  }
0x14a: {  	vm11 =	vnez.u8 v44;
	vm13 =	vnez.u8 v53;
	v24 =	vperm.xlane v54, v18;
	v36 =	vld [tilespmem:s23+$0x8C00];
	s25 =	sor.u32 $0xB80, s24  }
0x14b: {  	v4 =	vsel vm8, v4, v63;
	v34 =	vperm.xlane v19, v28;
	v31 =	vperm.xlane v61, v25;
	v40 =	vld [tilespmem:s25+$0x8100]  }
0x14c: {  	v42 =	vld [tilespmem:s14+$0x3780];
	v3 =	vsel vm10, v3, v27;
	v4 =	vsel vm9, v4, v24;
	v38 =	vperm.xlane v22, v32  }
0x14d: {  	v46 =	vld [tilespmem:s26+$0x3C00];
	vm12 =	vnez.u8 v51;
	v4 =	vsel vm10, v4, v31;
	v45 =	vperm.xlane v29, v39  }
0x14e: {  	v54 =	vbroadcast v1, $0xE;
	v49 =	vld [tilespmem:s31+$0x4080];
	v4 =	vsel vm11, v4, v38;
	v48 =	vperm.xlane v33, v43  }
0x14f: {  	v41 =	vperm.xlane v26, v35;
	v4 =	vsel vm12, v4, v45;
	v10 =	vperm.xlane v36, v47  }
0x150: {  	v3 =	vsel vm11, v3, v34;
	v4 =	vsel vm13, v4, v48;
	v12 =	vperm.xlane v40, v50  }
0x151: {  	vm1 =	vnez.u8 v57;
	v5 =	vperm.xlane v42, v52;
	v4 =	vsel vm14, v4, v10  }
0x152: {  	v3 =	vsel vm12, v3, v41;
	v6 =	vperm.xlane v46, v54;
	v4 =	vsel vm1, v4, v12  }
0x153: {  	v3 =	vsel vm13, v3, v5;
	v58 =	vperm.xlane v49, v56;
	v4 =	vadd.f32 $1.000000010e-10, v4  }
0x154: {  	vm15 =	veq.s32 v2, $0x0;
	v3 =	vsel vm14, v3, v6  }
0x155: {  	v2 =	vsel vm1, v3, v58;
	v3 =	vsel vm15, $0x2EDBE6FF, v4  }
0x156: {  	vm0 =	vne.s32 v1, $0x0;
	v2 =	vadd.f32 v3, v2  }
0x157: {  	vm0 =	vmor vm15, vm0  }
0x158: {  	v2 =	vsel vm0, v2, v4  }
0x159: {  	v4 =	vadd.f32 $1.000000010e-10, v2;
	_ =	sdelay $0x1  }
0x15a: {  	v2 =	vand.u32 $0x7FFFFF, v4  }
0x15b: {  	v2 =	vor.u32 $0x3F800000, v2  }
0x15c: {  	v3 =	vmul.f32 $5.000000000e-01, v2  }
0x15d: {  	vm15 =	vgt.f32 v2, $1.414213540e+00  }
0x15e: {  	v2 =	vsel vm15, v3, v2  }
0x15f: {  	v3 =	vadd.f32 $1.000000000e+00, v2;
	_ =	sdelay $0x1  }
0x160: {  	(erf) = vrcp.f32 v3;
	_ =	sdelay $0x7  }
0x161: {  	v2 =	vadd.f32 $-1.000000000e+00, v2  }
0x162: {  	v3 =	vpop (erf)  }
0x163: {  	v59 =	vmul.f32 v3, v2;
	v2 =	vld [tilespmem:$0x90]  }
0x164: {  	v3 =	vld [tilespmem:$0x10]  }
0x165: {  	v60 =	vmul.f32 v59, v59;
	_ =	sdelay $0x1  }
0x166: {  	v61 =	vmul.f32 $2.222222240e-01, v60  }
0x167: {  	v62 =	vand.u32 $0x70, v2  }
0x168: {  	v63 =	vand.u32 $0xF0, v3;
	v7 =	vadd.f32 $2.857142980e-01, v61;
	(v2sf) =	vpush v62, $0x0  }
0x169: {  	(v2sf) =	vpush v63, $0x0  }
0x16a: {  	v7 =	vmul.f32 v7, v60;
	(v2sf) =	vpush v62, $0x1  }
0x16b: {  	(v2sf) =	vpush v63, $0x1  }
0x16c: {  	v7 =	vadd.f32 $4.000000060e-01, v7;
	(v2sf) =	vpush v62, $0x2  }
0x16d: {  	(v2sf) =	vpush v63, $0x2  }
0x16e: {  	v7 =	vmul.f32 v7, v60;
	(v2sf) =	vpush v62, $0x3  }
0x16f: {  	v4 =	vshra.s32 v4, $0x17;
	(v2sf) =	vpush v63, $0x3  }
0x170: {  	v4 =	vadd.s32 $0xFFFFFF81, v4;
	v7 =	vadd.f32 $6.666666860e-01, v7;
	(v2sf) =	vpush v62, $0x4  }
0x171: {  	v4 =	vcvt.s32.f32 v4;
	(v2sf) =	vpush v63, $0x4  }
0x172: {  	v15 =	vsel vm15, $0x3F800000, v0;
	v6 =	vmul.f32 v7, v60;
	(v2sf) =	vpush v62, $0x5  }
0x173: {  	v4 =	vadd.f32 v4, v15;
	(v2sf) =	vpush v63, $0x5  }
0x174: {  	v6 =	vadd.f32 $2.000000000e+00, v6;
	(v2sf) =	vpush v62, $0x6  }
0x175: {  	(v2sf) =	vpush v63, $0x6  }
0x176: {  	v4 =	vmul.f32 $6.931471820e-01, v4;
	v5 =	vmul.f32 v6, v59;
	(v2sf) =	vpush v62, $0x7  }
0x177: {  	s26 =	spop (v2sf);
	(v2sf) =	vpush v63, $0x7  }
0x178: {  	v4 =	vadd.f32 v5, v4;
	s28 =	spop (v2sf);
	(v2sf) =	vpush v62, $0x8  }
0x179: {  	s29 =	spop (v2sf);
	(v2sf) =	vpush v63, $0x8  }
0x17a: {  	v4 =	vsub.f32 $0.0e+00, v4;
	s30 =	spop (v2sf);
	(v2sf) =	vpush v62, $0x9  }
0x17b: {  	vm15 =	veq.s32 v1, $0x0;
	s31 =	spop (v2sf);
	(v2sf) =	vpush v63, $0x9  }
0x17c: {  	s16 =	sshll.u32 s28, $0x3;
	v1 =	vsel vm15, $0x0, v4;
	s17 =	spop (v2sf);
	(v2sf) =	vpush v62, $0xA  }
0x17d: {  	v32 =	vld [tilespmem:$0x1FF10];
	s10 =	sor.u32 s28, s16;
	[tilespmem:$0xA100] =	vst v1;
	s19 =	spop (v2sf);
	(v2sf) =	vpush v63, $0xA  }
0x17e: {  	s20 =	sand.u32 $0x470, s10;
	v1 =	vld [tilespmem:s26+$0x4100];
	s22 =	spop (v2sf);
	(v2sf) =	vpush v62, $0xB  }
0x17f: {  	s18 =	sshll.u32 s30, $0x3;
	v16 =	vld [tilespmem:s20+$0x9100];
	s24 =	spop (v2sf);
	(v2sf) =	vpush v63, $0xB  }
0x180: {  	v18 =	vbroadcast v2, $0x0;
	v20 =	vbroadcast v3, $0x0;
	s21 =	sand.u32 $0x400, s18;
	v17 =	vld [tilespmem:s29+$0x4580];
	s26 =	spop (v2sf);
	(v2sf) =	vpush v62, $0xC  }
0x181: {  	v22 =	vbroadcast v2, $0x1;
	v24 =	vbroadcast v3, $0x1;
	s23 =	sor.u32 s21, s30;
	s25 =	sshll.u32 s17, $0x3;
	v21 =	vld [tilespmem:s31+$0x4A00];
	s30 =	spop (v2sf);
	(v2sf) =	vpush v63, $0xC  }
0x182: {  	v26 =	vbroadcast v2, $0x2;
	v28 =	vbroadcast v3, $0x2;
	s9 =	sor.u32 $0x9180, s23;
	s28 =	sor.u32 s17, s25;
	v25 =	vld [tilespmem:s19+$0x4E80];
	s31 =	spop (v2sf);
	(v2sf) =	vpush v62, $0xD  }
0x183: {  	v30 =	vbroadcast v2, $0x3;
	v34 =	vbroadcast v3, $0x3;
	v19 =	vld [tilespmem:s9+$0x0];
	s29 =	sshll.u32 s22, $0x3;
	s9 =	sand.u32 $0x470, s28;
	s18 =	spop (v2sf);
	(v2sf) =	vpush v63, $0xD  }
0x184: {  	v38 =	vbroadcast v2, $0x4;
	v40 =	vbroadcast v3, $0x4;
	s11 =	sand.u32 $0x400, s29;
	v23 =	vld [tilespmem:s9+$0x9200];
	s20 =	spop (v2sf);
	(v2sf) =	vpush v62, $0xE  }
0x185: {  	v44 =	vbroadcast v2, $0x5;
	v46 =	vbroadcast v3, $0x5;
	v29 =	vld [tilespmem:s24+$0x5300];
	s17 =	sor.u32 s11, s22;
	s19 =	sshll.u32 s26, $0x3;
	s22 =	spop (v2sf);
	(v2sf) =	vpush v63, $0xE  }
0x186: {  	v50 =	vbroadcast v2, $0x6;
	v53 =	vbroadcast v3, $0x6;
	s9 =	sor.u32 $0x1180, s17;
	s21 =	sor.u32 s26, s19;
	v35 =	vld [tilespmem:s30+$0x5780];
	s24 =	spop (v2sf);
	(v2sf) =	vpush v62, $0xF  }
0x187: {  	v56 =	vbroadcast v2, $0x7;
	v58 =	vbroadcast v3, $0x7;
	v27 =	vld [tilespmem:s9+$0x8100];
	s9 =	sand.u32 $0x470, s21;
	s23 =	sshll.u32 s31, $0x3;
	s26 =	spop (v2sf);
	(v2sf) =	vpush v63, $0xF  }
0x188: {  	v1 =	vperm.xlane v1, v18;
	v4 =	vperm.xlane v16, v20;
	v31 =	vld [tilespmem:s9+$0x9300];
	s25 =	sor.u32 s23, s31;
	s28 =	spop (v2sf)  }
0x189: {  	v5 =	vperm.xlane v17, v22;
	v6 =	vperm.xlane v21, v26;
	v41 =	vld [tilespmem:s18+$0x5C00];
	s9 =	sor.u32 $0x9380, s25;
	s29 =	sshll.u32 s20, $0x3;
	s30 =	spop (v2sf)  }
0x18a: {  	v37 =	vperm.xlane v25, v30;
	v22 =	vbroadcast v2, $0x9;
	v36 =	vld [tilespmem:s9+$0x0];
	s15 =	sor.u32 s20, s29;
	s17 =	sshll.u32 s24, $0x3;
	s31 =	spop (v2sf)  }
0x18b: {  	vm15 =	vnez.u8 v32;
	v25 =	vbroadcast v3, $0x9;
	v7 =	vperm.xlane v19, v24;
	v47 =	vld [tilespmem:s22+$0x6080];
	s15 =	sand.u32 $0x470, s15;
	s14 =	sor.u32 s17, s24;
	s18 =	spop (v2sf)  }
0x18c: {  	v30 =	vbroadcast v3, $0xA;
	v19 =	vbroadcast v3, $0x8;
	v1 =	vsel vm15, v1, v5;
	v42 =	vld [tilespmem:s15+$0x9400];
	s20 =	sor.u32 $0x1380, s14;
	s19 =	spop (v2sf)  }
0x18d: {  	v33 =	vperm.xlane v23, v28;
	v43 =	vperm.xlane v29, v38;
	v4 =	vsel vm15, v4, v7;
	v51 =	vld [tilespmem:s26+$0x6100];
	s21 =	sshll.u32 s28, $0x3;
	s23 =	sshll.u32 s31, $0x3;
	s22 =	spop (v2sf)  }
0x18e: {  	v1 =	vsel vm2, v1, v6;
	v62 =	vbroadcast v2, $0x8;
	v49 =	vperm.xlane v35, v44;
	v48 =	vld [tilespmem:s20+$0x8100];
	s13 =	sor.u32 s28, s21;
	s14 =	sand.u32 $0x400, s23;
	s24 =	spop (v2sf)  }
0x18f: {  	v1 =	vsel vm3, v1, v37;
	v37 =	vbroadcast v3, $0xB;
	v39 =	vperm.xlane v27, v34;
	v59 =	vld [tilespmem:s30+$0x6580];
	s13 =	sand.u32 $0x470, s13;
	s14 =	sor.u32 s14, s31;
	s25 =	spop (v2sf)  }
0x190: {  	v4 =	vsel vm2, v4, v33;
	v27 =	vbroadcast v2, $0xA;
	v34 =	vbroadcast v2, $0xB;
	v54 =	vld [tilespmem:s13+$0x9900];
	s29 =	sshll.u32 s19, $0x3;
	s28 =	sor.u32 $0x9980, s14;
	s26 =	spop (v2sf)  }
0x191: {  	v1 =	vsel vm4, v1, v43;
	v43 =	vbroadcast v3, $0xC;
	v45 =	vperm.xlane v31, v40;
	v63 =	vld [tilespmem:s18+$0x6A00];
	s14 =	sor.u32 s19, s29;
	s30 =	sshll.u32 s24, $0x3;
	s9 =	spop (v2sf)  }
0x192: {  	v55 =	vperm.xlane v41, v50;
	v1 =	vsel vm5, v1, v49;
	v40 =	vbroadcast v2, $0xC;
	v23 =	vld [tilespmem:s22+$0x6E80];
	s14 =	sand.u32 $0x470, s14;
	s15 =	sand.u32 $0x400, s30;
	s31 =	spop (v2sf)  }
0x193: {  	v49 =	vbroadcast v3, $0xE;
	v4 =	vsel vm3, v4, v39;
	v52 =	vperm.xlane v36, v46;
	v60 =	vld [tilespmem:s28+$0x0];
	s10 =	sor.u32 s15, s24;
	s18 =	sshll.u32 s26, $0x3;
	s17 =	spop (v2sf)  }
0x194: {  	v4 =	vsel vm4, v4, v45;
	v61 =	vperm.xlane v47, v56;
	v46 =	vbroadcast v3, $0xD;
	v20 =	vld [tilespmem:s14+$0x9A00];
	s10 =	sor.u32 $0x1980, s10;
	s15 =	sor.u32 s26, s18;
	s19 =	spop (v2sf)  }
0x195: {  	v1 =	vsel vm6, v1, v55;
	v56 =	vbroadcast v2, $0xE;
	v57 =	vperm.xlane v42, v53;
	v31 =	vld [tilespmem:s25+$0x7300];
	s21 =	sand.u32 $0x470, s15;
	s22 =	sshll.u32 s31, $0x3;
	s20 =	spop (v2sf)  }
0x196: {  	v4 =	vsel vm5, v4, v52;
	v21 =	vperm.xlane v51, v62;
	v1 =	vsel vm7, v1, v61;
	v28 =	vld [tilespmem:s10+$0x8100];
	s11 =	sor.u32 s22, s31;
	s23 =	sshll.u32 s19, $0x3;
	s24 =	spop (v2sf)  }
0x197: {  	v52 =	vbroadcast v3, $0xF;
	v18 =	vperm.xlane v48, v58;
	v4 =	vsel vm6, v4, v57;
	v32 =	vld [tilespmem:s21+$0x9B00];
	s25 =	sor.u32 $0x9B80, s11;
	s26 =	sor.u32 s19, s23;
	s28 =	sshll.u32 s24, $0x3  }
0x198: {  	v26 =	vperm.xlane v59, v22;
	v1 =	vsel vm8, v1, v21;
	v24 =	vperm.xlane v54, v19;
	v35 =	vld [tilespmem:s25+$0x0];
	s11 =	sand.u32 $0x470, s26;
	s29 =	sor.u32 s28, s24  }
0x199: {  	v58 =	vbroadcast v2, $0xF;
	v4 =	vsel vm7, v4, v18;
	v29 =	vperm.xlane v60, v25;
	v38 =	vld [tilespmem:s11+$0x9C00];
	s10 =	sor.u32 $0x1B80, s29  }
0x19a: {  	v33 =	vperm.xlane v63, v27;
	v4 =	vsel vm8, v4, v24;
	v36 =	vperm.xlane v20, v30;
	v41 =	vld [tilespmem:s10+$0x8100]  }
0x19b: {  	v1 =	vsel vm9, v1, v26;
	v44 =	vld [tilespmem:s9+$0x7780];
	v4 =	vsel vm9, v4, v29;
	v42 =	vperm.xlane v28, v37  }
0x19c: {  	v54 =	vbroadcast v2, $0xD;
	v48 =	vld [tilespmem:s17+$0x7C00];
	v4 =	vsel vm10, v4, v36;
	v47 =	vperm.xlane v32, v43  }
0x19d: {  	v39 =	vperm.xlane v23, v34;
	v51 =	vld [tilespmem:s20+$0x8080];
	v4 =	vsel vm11, v4, v42;
	v50 =	vperm.xlane v35, v46  }
0x19e: {  	v1 =	vsel vm10, v1, v33;
	v4 =	vsel vm12, v4, v47;
	v53 =	vperm.xlane v38, v49  }
0x19f: {  	v45 =	vperm.xlane v31, v40;
	v4 =	vsel vm13, v4, v50;
	v55 =	vperm.xlane v41, v52  }
0x1a0: {  	v1 =	vsel vm11, v1, v39;
	v57 =	vperm.xlane v44, v54;
	v4 =	vsel vm14, v4, v53  }
0x1a1: {  	v1 =	vsel vm12, v1, v45;
	v59 =	vperm.xlane v48, v56;
	v4 =	vsel vm1, v4, v55  }
0x1a2: {  	v1 =	vsel vm13, v1, v57;
	v60 =	vperm.xlane v51, v58;
	v4 =	vadd.f32 $1.000000010e-10, v4  }
0x1a3: {  	vm10 =	veq.s32 v3, $0x0;
	v1 =	vsel vm14, v1, v59  }
0x1a4: {  	v1 =	vsel vm1, v1, v60;
	v3 =	vsel vm10, $0x2EDBE6FF, v4  }
0x1a5: {  	vm11 =	vne.s32 v2, $0x0;
	v1 =	vadd.f32 v3, v1  }
0x1a6: {  	vm0 =	vmor vm10, vm11  }
0x1a7: {  	v1 =	vsel vm0, v1, v4  }
0x1a8: {  	v1 =	vadd.f32 $1.000000010e-10, v1;
	_ =	sdelay $0x1  }
0x1a9: {  	v3 =	vand.u32 $0x7FFFFF, v1  }
0x1aa: {  	v3 =	vor.u32 $0x3F800000, v3  }
0x1ab: {  	v61 =	vmul.f32 $5.000000000e-01, v3  }
0x1ac: {  	vm14 =	vgt.f32 v3, $1.414213540e+00  }
0x1ad: {  	v3 =	vsel vm14, v61, v3  }
0x1ae: {  	v4 =	vadd.f32 $1.000000000e+00, v3;
	_ =	sdelay $0x1  }
0x1af: {  	(erf) = vrcp.f32 v4;
	_ =	sdelay $0x7  }
0x1b0: {  	v3 =	vadd.f32 $-1.000000000e+00, v3  }
0x1b1: {  	v4 =	vpop (erf)  }
0x1b2: {  	v3 =	vmul.f32 v4, v3;
	_ =	sdelay $0x1  }
0x1b3: {  	v4 =	vmul.f32 v3, v3;
	_ =	sdelay $0x1  }
0x1b4: {  	v62 =	vmul.f32 $2.222222240e-01, v4;
	_ =	sdelay $0x1  }
0x1b5: {  	v5 =	vadd.f32 $2.857142980e-01, v62;
	_ =	sdelay $0x1  }
0x1b6: {  	v5 =	vmul.f32 v5, v4;
	_ =	sdelay $0x1  }
0x1b7: {  	v5 =	vadd.f32 $4.000000060e-01, v5;
	_ =	sdelay $0x1  }
0x1b8: {  	v5 =	vmul.f32 v5, v4;
	_ =	sdelay $0x1  }
0x1b9: {  	v1 =	vshra.s32 v1, $0x17;
	v5 =	vadd.f32 $6.666666860e-01, v5  }
0x1ba: {  	v1 =	vadd.s32 $0xFFFFFF81, v1  }
0x1bb: {  	v1 =	vcvt.s32.f32 v1;
	v4 =	vmul.f32 v5, v4  }
0x1bc: {  	v63 =	vsel vm14, $0x3F800000, v0  }
0x1bd: {  	v1 =	vadd.f32 v1, v63;
	v4 =	vadd.f32 $2.000000000e+00, v4;
	_ =	sdelay $0x1  }
0x1be: {  	v1 =	vmul.f32 $6.931471820e-01, v1;
	v3 =	vmul.f32 v4, v3;
	_ =	sdelay $0x1  }
0x1bf: {  	v1 =	vadd.f32 v3, v1;
	_ =	sdelay $0x1  }
0x1c0: {  	v1 =	vsub.f32 $0.0e+00, v1  }
0x1c1: {  	vm15 =	veq.s32 v2, $0x0;
	s31 =	sld [smem:$0x7FD]  }
0x1c2: {  	p0 =	sne.s32 s4, $0x1;
	v1 =	vsel vm15, $0x0, v1  }
.Ltmp0:
0x1c3: {  	s30 =	rddreg [dreg:$0xc];
	[tilespmem:$0xA110] =	vst v1;
	(pc) =	sbr.rel @p0 .LBB2_1-.Ltmp0, $4  }
0x1c4: {  	[hbm4b:s30+s3] =	stream.linear.scatter [tilespmem:s31], [sflag:$0x4], $0x20, $0x38;
	[tilespmem:$0xA180] =	vst v63  }
0x1c5: {  	_ =	swait.ge [sflag:s8], $0x20  }
0x1c6: {  	[sflag:s8] =	ssyncset.done $0x0  }
0x1c7: {  	s4 =	sadd.s32 $0xFFFFFFFF, s4;
	[sflag:s8] =	ssyncadd.s32 $0xFFFFFFE0  }
0x1c8: {  	_ =	sfence.sel $0x180000  }
0x1c9: {  	[bflag:$0x0] =	sbarrier.arrive $0xFFFF  }
0x1ca: {  	p0 =	sne.s32 s0, $0x0;
	_ =	strace $0x90000047  }
0x1cb: {  	s0 =	sadd.s32 @!p0 $0x100000, s2;
	[bflag:$0x2] =	sbarrier.arrive $0xFFFF  }
0x1cc: {  	[sflag:s0] =	ssyncadd.tile.s32 @!p0 $0x1;
	_ =	shalt  }
.Lfunc_end2:
_tile_overlayer_lowered:
.L_overlay_start_2:
0x1cd: {  	(tag) =	ssettag $0x2  }
0x1ce: {  	s0 =	rddreg [dreg:$0x0];
	s2 =	stileid.u32  }
0x1cf: {  	s1 =	rddreg [dreg:$0x1];
	p0 =	sne.s32 s2, $0x0  }
0x1d0: {  	s3 =	rddreg [dreg:$0x2];
	[bflag:$0x3] =	sbarrier.arrive $0xFFFF;
	s2 =	simm.s32 @!p0 $0x1C04  }
0x1d1: {  	[timem:s3], [sflag:s2] =	dma.local @!p0 [hbm:s0], s1  }
0x1d2: {  	s0 =	simm.s32 @!p0 $0x4  }
0x1d3: {  	_ =	swait.ge @!p0 [sflag:s0], s1  }
0x1d4: {  	s1 =	ssub.s32 @!p0 $0x0, s1;
	[sflag:s0] =	ssyncset.done @!p0 $0x0  }
0x1d5: {  	[sflag:s0] =	ssyncadd.s32 @!p0 s1  }
0x1d6: {  	[bflag:$0x3] =	sbarrier.arrive $0xFFFF  }
0x1d7: {  	_ =	shalt  }

</sc_bundles>
